<compile_context>
chip_gen: v7x
topology: tpu7x:2x2x1
jax: 0.10.2.dev20260603
libtpu: 0.0.44.dev20260713+nightly
codegen_flags: <defaults>
</compile_context>

<pallas_src>
import jax
import jax.numpy as jnp
from jax import lax
from jax.experimental import pallas as pl
from jax.experimental.pallas import tpu as pltpu
from jax.experimental.pallas import tpu_sc as plsc

N = 10000
E = 320000
D = 128
DE = 16
H = 128

NC = 2
NS = 16
NW = NC * NS
C = 128
EW = -(-E // NW)
CH = 2 * (-(-EW // (2 * C)))
NWIN = 2
WIN = CH // NWIN
EWP = CH * C
EP = NW * EWP
RPT = 8 * (-(-(N + NS) // (NS * 8)))
NPAD2 = NS * RPT
HPT = 128 * (-(-(N + NS) // (NS * 128)))
NPAD1 = NS * HPT

_MESH = plsc.VectorSubcoreMesh(core_axis_name="c", subcore_axis_name="s")


def _deg_body(dst_hbm, deg_hbm, dst_v, ones_v, zb_v, hist):
    c = lax.axis_index("c")
    s = lax.axis_index("s")
    w = c * NS + s
    pltpu.sync_copy(dst_hbm.at[w], dst_v)
    for i in range(C // 16):
        ones_v[pl.ds(i * 16, 16)] = jnp.ones((16,), jnp.float32)
    for i in range(HPT // 16):
        zb_v[pl.ds(i * 16, 16)] = jnp.zeros((16,), jnp.float32)
    pltpu.sync_copy(zb_v, hist.at[pl.ds(s * HPT, HPT)])
    plsc.subcore_barrier()

    def chunk(j, carry):
        pltpu.sync_copy(ones_v, hist.at[dst_v.at[j]], add=True)
        return carry

    lax.fori_loop(0, CH, chunk, 0)
    plsc.subcore_barrier()
    pltpu.sync_copy(hist.at[pl.ds(s * HPT, HPT)],
                    deg_hbm.at[pl.ds(c * NPAD1 + s * HPT, HPT)])


_deg_call = pl.kernel(
    _deg_body,
    out_type=jax.ShapeDtypeStruct((NC * NPAD1,), jnp.float32),
    mesh=_MESH,
    scratch_types=[
        pltpu.VMEM((CH, C), jnp.int32),
        pltpu.VMEM((C,), jnp.float32),
        pltpu.VMEM((HPT,), jnp.float32),
        pltpu.VMEM_SHARED((NPAD1,), jnp.float32),
    ],
)


def _conv_body(h_hbm, src_hbm, dst_hbm, out_hbm,
               src_v, dst_v, rows_a, rows_b, accum, sem_a, sem_b):
    c = lax.axis_index("c")
    s = lax.axis_index("s")
    w = c * NS + s
    def zstore(i, carry):
        rows_a[i // (D // 16), pl.ds((i % (D // 16)) * 16, 16)] = (
            jnp.zeros((16,), jnp.float32))
        return carry

    lax.fori_loop(0, C * D // 16, zstore, 0)
    for k in range(RPT // C + 1):
        rk = min(C, RPT - k * C)
        pltpu.sync_copy(rows_a.at[pl.ds(0, rk)],
                        accum.at[pl.ds(s * RPT + k * C, rk)])
    plsc.subcore_barrier()

    for wi in range(NWIN):
        pltpu.sync_copy(src_hbm.at[w, pl.ds(wi * WIN, WIN)], src_v)
        pltpu.sync_copy(dst_hbm.at[w, pl.ds(wi * WIN, WIN)], dst_v)
        pltpu.async_copy(h_hbm.at[src_v.at[0]], rows_a, sem_a)

        def pair(p, carry):
            j0 = 2 * p
            pltpu.async_copy(h_hbm.at[src_v.at[j0 + 1]], rows_b, sem_b)
            pltpu.make_async_copy(h_hbm.at[src_v.at[j0]], rows_a, sem_a).wait()
            pltpu.sync_copy(rows_a, accum.at[dst_v.at[j0]], add=True)
            jn = jnp.minimum(j0 + 2, WIN - 1)
            pltpu.async_copy(h_hbm.at[src_v.at[jn]], rows_a, sem_a)
            pltpu.make_async_copy(h_hbm.at[src_v.at[j0]], rows_b, sem_b).wait()
            pltpu.sync_copy(rows_b, accum.at[dst_v.at[j0 + 1]], add=True)
            return carry

        lax.fori_loop(0, WIN // 2, pair, 0)
        pltpu.make_async_copy(h_hbm.at[src_v.at[0]], rows_a, sem_a).wait()
    plsc.subcore_barrier()
    pltpu.sync_copy(accum.at[pl.ds(s * RPT, RPT)],
                    out_hbm.at[c, pl.ds(s * RPT, RPT)])


_conv_call = pl.kernel(
    _conv_body,
    out_type=jax.ShapeDtypeStruct((NC, NPAD2, D), jnp.float32),
    mesh=_MESH,
    scratch_types=[
        pltpu.VMEM((WIN, C), jnp.int32),
        pltpu.VMEM((WIN, C), jnp.int32),
        pltpu.VMEM((C, D), jnp.float32),
        pltpu.VMEM((C, D), jnp.float32),
        pltpu.VMEM_SHARED((NPAD2, D), jnp.float32),
        pltpu.SemaphoreType.DMA,
        pltpu.SemaphoreType.DMA,
    ],
)


_RB = 400
_GRID_N = N // _RB


def _dense1_body(x_ref, w_ref, deg_ref, hp_ref, dis_ref):
    deg = deg_ref[:, 0:1] + deg_ref[:, 1:2] + 1.0
    dis = lax.rsqrt(deg)
    h0 = jnp.dot(x_ref[...], w_ref[...], preferred_element_type=jnp.float32)
    hp_ref[...] = h0 * dis
    dis_ref[...] = jnp.broadcast_to(dis, (_RB, D))


def _dense1(x, W1, deg_t):
    return pl.pallas_call(
        _dense1_body,
        grid=(_GRID_N,),
        in_specs=[
            pl.BlockSpec((_RB, D), lambda i: (i, 0)),
            pl.BlockSpec((D, H), lambda i: (0, 0)),
            pl.BlockSpec((_RB, NC), lambda i: (i, 0)),
        ],
        out_specs=[
            pl.BlockSpec((_RB, H), lambda i: (i, 0)),
            pl.BlockSpec((_RB, D), lambda i: (i, 0)),
        ],
        out_shape=[
            jax.ShapeDtypeStruct((N, H), jnp.float32),
            jax.ShapeDtypeStruct((N, D), jnp.float32),
        ],
    )(x, W1, deg_t)


def _dense2_body(p0_ref, p1_ref, hp_ref, dis_ref, b1_ref, w2_ref, g_ref):
    acc = p0_ref[0] + p1_ref[0] + hp_ref[...]
    h = jnp.maximum(acc * dis_ref[...] + b1_ref[...], 0.0)
    g = jnp.dot(h, w2_ref[...], preferred_element_type=jnp.float32)
    g_ref[...] = g * dis_ref[...]


def _dense2(p, hp, dis, b1, W2):
    return pl.pallas_call(
        _dense2_body,
        grid=(_GRID_N,),
        in_specs=[
            pl.BlockSpec((1, _RB, H), lambda i: (0, i, 0)),
            pl.BlockSpec((1, _RB, H), lambda i: (1, i, 0)),
            pl.BlockSpec((_RB, H), lambda i: (i, 0)),
            pl.BlockSpec((_RB, D), lambda i: (i, 0)),
            pl.BlockSpec((1, H), lambda i: (0, 0)),
            pl.BlockSpec((H, D), lambda i: (0, 0)),
        ],
        out_specs=pl.BlockSpec((_RB, D), lambda i: (i, 0)),
        out_shape=jax.ShapeDtypeStruct((N, D), jnp.float32),
    )(p, p, hp, dis, b1.reshape(1, H), W2)


def _dense3_body(q0_ref, q1_ref, g_ref, dis_ref, b2_ref, out_ref):
    acc = q0_ref[0] + q1_ref[0] + g_ref[...]
    out_ref[...] = acc * dis_ref[...] + b2_ref[...]


def _dense3(q, g, dis, b2):
    return pl.pallas_call(
        _dense3_body,
        grid=(_GRID_N,),
        in_specs=[
            pl.BlockSpec((1, _RB, D), lambda i: (0, i, 0)),
            pl.BlockSpec((1, _RB, D), lambda i: (1, i, 0)),
            pl.BlockSpec((_RB, D), lambda i: (i, 0)),
            pl.BlockSpec((_RB, D), lambda i: (i, 0)),
            pl.BlockSpec((1, D), lambda i: (0, 0)),
        ],
        out_specs=pl.BlockSpec((_RB, D), lambda i: (i, 0)),
        out_shape=jax.ShapeDtypeStruct((N, D), jnp.float32),
    )(q, q, g, dis, b2.reshape(1, D))


_PK = 128 // DE
_EP8 = E // _PK
_EB = 800


def _edge_body(xe_ref, w1_ref, b1_ref, w2_ref, b2_ref, out_ref):
    xb = xe_ref[...].astype(jnp.bfloat16)
    hid = jnp.dot(xb, w1_ref[...], preferred_element_type=jnp.float32)
    hid = jnp.maximum(hid + b1_ref[...], 0.0)
    out = jnp.dot(hid.astype(jnp.bfloat16), w2_ref[...],
                  preferred_element_type=jnp.float32)
    out_ref[...] = out + b2_ref[...]


def _edge_mlp(xe, We1, be1, We2, be2):
    sel = jnp.eye(_PK * DE, dtype=jnp.float32)
    xp = lax.dot_general(xe.reshape(_EP8, _PK, DE),
                         sel.reshape(_PK, DE, _PK * DE),
                         (((1, 2), (0, 1)), ((), ())))
    eye = jnp.eye(_PK, dtype=jnp.float32)
    w1b = jnp.kron(eye, We1).astype(jnp.bfloat16)
    b1b = jnp.tile(be1, _PK).reshape(1, _PK * H)
    w2b = jnp.kron(eye, We2).astype(jnp.bfloat16)
    b2b = jnp.tile(be2, _PK).reshape(1, _PK * DE)
    out = pl.pallas_call(
        _edge_body,
        grid=(_EP8 // _EB,),
        in_specs=[
            pl.BlockSpec((_EB, _PK * DE), lambda i: (i, 0)),
            pl.BlockSpec((_PK * DE, _PK * H), lambda i: (0, 0)),
            pl.BlockSpec((1, _PK * H), lambda i: (0, 0)),
            pl.BlockSpec((_PK * H, _PK * DE), lambda i: (0, 0)),
            pl.BlockSpec((1, _PK * DE), lambda i: (0, 0)),
        ],
        out_specs=pl.BlockSpec((_EB, _PK * DE), lambda i: (i, 0)),
        out_shape=jax.ShapeDtypeStruct((_EP8, _PK * DE), jnp.float32),
    )(xp, w1b, b1b, w2b, b2b)
    e4 = lax.dot_general(out, sel.reshape(_PK * DE, _PK, DE),
                         (((1,), (0,)), ((), ())))
    return e4.reshape(E, DE)


def kernel(x, edge_index, xe, W1, b1, W2, b2, We1, be1, We2, be2):
    src = edge_index[0]
    dst = edge_index[1]

    npad = EP - E
    pad_ar = lax.iota(jnp.int32, npad)
    src_p = jnp.concatenate([src, pad_ar % N]).reshape(NW, CH, C)
    dst_p = jnp.concatenate([dst, N + (pad_ar % 64)]).reshape(NW, CH, C)

    deg = _deg_call(dst_p)
    deg_t = deg.reshape(NC, NPAD1).T[:N]
    hp, dis = _dense1(x, W1, deg_t)

    p = _conv_call(hp, src_p, dst_p)
    g = _dense2(p, hp, dis, b1, W2)

    q = _conv_call(g, src_p, dst_p)
    x_rec = _dense3(q, g, dis, b2)

    e_rec = _edge_mlp(xe, We1, be1, We2, be2)
    return (x_rec, e_rec)

# --- scband reference (transcript-rebuilt; emitter-appended) ---
"""Pipeline reference for scband-gcnmodel-91053306675808 (READ-ONLY COPY).

The authoritative reference and input builder live on the scoring server;
editing this copy changes nothing except your own understanding.
"""

import jax, jax.numpy as jnp
import numpy as np

N = 10000
E = 320000
D = 128
DE = 16
H = 128


def _glorot(key, shape):
    fan_in, fan_out = shape[0], shape[1]
    lim = np.sqrt(6.0 / (fan_in + fan_out))
    return jax.random.uniform(key, shape, dtype=jnp.float32, minval=-lim, maxval=lim)


def setup_inputs(seed: int = 0) -> dict:
    key = jax.random.key(seed)
    ks = jax.random.split(key, 12)
    x = jax.random.normal(ks[0], (N, D), dtype=jnp.float32)
    edge_index = jax.random.randint(ks[1], (2, E), 0, N, dtype=jnp.int32)
    xe = jax.random.normal(ks[2], (E, DE), dtype=jnp.float32)
    W1 = _glorot(ks[3], (D, H))
    b1 = jnp.zeros((H,), dtype=jnp.float32)
    W2 = _glorot(ks[4], (H, D))
    b2 = jnp.zeros((D,), dtype=jnp.float32)
    We1 = _glorot(ks[5], (DE, H))
    be1 = jnp.zeros((H,), dtype=jnp.float32)
    We2 = _glorot(ks[6], (H, DE))
    be2 = jnp.zeros((DE,), dtype=jnp.float32)
    return {"x": x, "edge_index": edge_index, "xe": xe,
            "W1": W1, "b1": b1, "W2": W2, "b2": b2,
            "We1": We1, "be1": be1, "We2": We2, "be2": be2}


def _gcn_conv(x, edge_index, W, b):
    # PyG-style GCNConv: add self-loops, symmetric normalization, linear, scatter-add, bias
    n = x.shape[0]
    loop = jnp.arange(n, dtype=edge_index.dtype)
    src = jnp.concatenate([edge_index[0], loop])
    dst = jnp.concatenate([edge_index[1], loop])
    deg = jnp.zeros((n,), dtype=x.dtype).at[dst].add(1.0)
    deg_inv_sqrt = jnp.where(deg > 0, jax.lax.rsqrt(jnp.maximum(deg, 1e-12)), 0.0)
    norm = deg_inv_sqrt[src] * deg_inv_sqrt[dst]
    h = x @ W
    msg = h[src] * norm[:, None]
    out = jnp.zeros((n, W.shape[1]), dtype=x.dtype).at[dst].add(msg)
    return out + b


def reference(x, edge_index, xe, W1, b1, W2, b2, We1, be1, We2, be2):
    h = jax.nn.relu(_gcn_conv(x, edge_index, W1, b1))
    x_rec = _gcn_conv(h, edge_index, W2, b2)
    e_hidden = jax.nn.relu(xe @ We1 + be1)
    e_rec = e_hidden @ We2 + be2
    return (x_rec, e_rec)

if __name__ == "__main__":
    import jax
    _d = setup_inputs()
    print(jax.jit(kernel)(*tuple(_d.values())))

</pallas_src>

<mosaic_0001>
#map = affine_map<(d0, d1) -> (0, 0)>
#map1 = affine_map<(d0, d1) -> (0, 0, 0)>
module attributes {stable_mosaic.version = 14 : i64} {
  func.func @_conv_body(%arg0: i32, %arg1: i32, %arg2: memref<10000x128xf32, #tpu.memory_space<hbm>>, %arg3: memref<32x80x128xi32, #tpu.memory_space<hbm>>, %arg4: memref<32x80x128xi32, #tpu.memory_space<hbm>>, %arg5: memref<2x10112x128xf32, #tpu.memory_space<hbm>>, %arg6: memref<40x128xi32, #tpu.memory_space<vmem>>, %arg7: memref<40x128xi32, #tpu.memory_space<vmem>>, %arg8: memref<128x128xf32, #tpu.memory_space<vmem>>, %arg9: memref<128x128xf32, #tpu.memory_space<vmem>>, %arg10: memref<10112x128xf32, #tpu.memory_space<vmem_shared>>, %arg11: memref<!tpu.dma_semaphore, #tpu.memory_space<semaphore_mem>>, %arg12: memref<!tpu.dma_semaphore, #tpu.memory_space<semaphore_mem>>) attributes {dimension_semantics = [#tpu.dimension_semantics<core_parallel>, #tpu.dimension_semantics<subcore_parallel>], iteration_bounds = array<i64: 2, 16>, scalar_prefetch = 0 : i64, scratch_operands = 7 : i64, tpu.core_type = #tpu.core_type<sc_vector_subcore>, window_params = [{transform_indices = #map}, {transform_indices = #map1}, {transform_indices = #map1}, {transform_indices = #map1}]} {
    %mul3A = arith.constant 16 : i32
    %mul3A_0 = arith.muli %arg0, %mul3A : i32
    %add3A = arith.addi %mul3A_0, %arg1 : i32
    %scan3A = arith.constant 0 : i32
    %scan3A_1 = arith.constant 0 : i32
    %scan3A_2 = arith.constant 1024 : i32
    %scan3A_3 = arith.addi %scan3A_1, %scan3A_2 : i32
    %scan3A_4 = arith.constant 1 : i32
    scf.for %scan3A_69 = %scan3A_1 to %scan3A_3 step %scan3A_4  : i32 {
      %broadcast_in_dim3A = arith.constant 0.000000e+00 : f32
      %broadcast_in_dim3A_70 = vector.broadcast %broadcast_in_dim3A : f32 to vector<16xf32>
      %jit3A = arith.constant 8 : i32
      %div3A = arith.divsi %scan3A_69, %jit3A : i32
      %sign3A = arith.constant 0 : i32
      %sign3A_71 = arith.cmpi sgt, %scan3A_69, %sign3A : i32
      %sign3A_72 = arith.extui %sign3A_71 : i1 to i32
      %sign3A_73 = arith.constant 0 : i32
      %sign3A_74 = arith.cmpi slt, %scan3A_69, %sign3A_73 : i32
      %sign3A_75 = arith.extui %sign3A_74 : i1 to i32
      %sign3A_76 = arith.subi %sign3A_72, %sign3A_75 : i32
      %sign3A_77 = arith.constant 0 : i32
      %sign3A_78 = arith.cmpi sgt, %jit3A, %sign3A_77 : i32
      %sign3A_79 = arith.extui %sign3A_78 : i1 to i32
      %sign3A_80 = arith.constant 0 : i32
      %sign3A_81 = arith.cmpi slt, %jit3A, %sign3A_80 : i32
      %sign3A_82 = arith.extui %sign3A_81 : i1 to i32
      %sign3A_83 = arith.subi %sign3A_79, %sign3A_82 : i32
      %ne3A = arith.cmpi ne, %sign3A_76, %sign3A_83 : i32
      %rem3A = arith.remsi %scan3A_69, %jit3A : i32
      %ne3A_84 = arith.constant 0 : i32
      %ne3A_85 = arith.cmpi ne, %rem3A, %ne3A_84 : i32
      %and3A = arith.andi %ne3A, %ne3A_85 : i1
      %sub3A = arith.constant 1 : i32
      %sub3A_86 = arith.subi %div3A, %sub3A : i32
      %select_n3A = arith.select %and3A, %sub3A_86, %div3A : i32
      %jit3A_87 = arith.constant 8 : i32
      %eq3A = arith.constant 0 : i32
      %eq3A_88 = arith.cmpi eq, %jit3A_87, %eq3A : i32
      %jit3A_89 = arith.constant 1 : i32
      %select_n3A_90 = arith.select %eq3A_88, %jit3A_89, %jit3A_87 : i32
      %rem3A_91 = arith.remsi %scan3A_69, %select_n3A_90 : i32
      %ne3A_92 = arith.constant 0 : i32
      %ne3A_93 = arith.cmpi ne, %rem3A_91, %ne3A_92 : i32
      %lt3A = arith.constant 0 : i32
      %lt3A_94 = arith.cmpi slt, %rem3A_91, %lt3A : i32
      %lt3A_95 = arith.constant 0 : i32
      %lt3A_96 = arith.cmpi slt, %select_n3A_90, %lt3A_95 : i32
      %ne3A_97 = arith.xori %lt3A_94, %lt3A_96 : i1
      %and3A_98 = arith.andi %ne3A_97, %ne3A_93 : i1
      %add3A_99 = arith.addi %rem3A_91, %select_n3A_90 : i32
      %select_n3A_100 = arith.select %and3A_98, %add3A_99, %rem3A_91 : i32
      %mul3A_101 = arith.constant 16 : i32
      %mul3A_102 = arith.muli %select_n3A_100, %mul3A_101 : i32
      %swap3A = arith.index_cast %select_n3A : i32 to index
      %swap3A_103 = arith.index_cast %mul3A_102 : i32 to index
      %swap3A_104 = tpu.vector_load %arg8[%swap3A, %swap3A_103] {strides = array<i32>} : memref<128x128xf32, #tpu.memory_space<vmem>>, vector<1x16xf32>,
      %swap3A_105 = vector.shape_cast %swap3A_104 : vector<1x16xf32> to vector<16xf32>
      %swap3A_106 = vector.shape_cast %broadcast_in_dim3A_70 : vector<16xf32> to vector<1x16xf32>
      tpu.vector_store %arg8[%swap3A, %swap3A_103], %swap3A_106 {strides = array<i32>} : memref<128x128xf32, #tpu.memory_space<vmem>>, vector<1x16xf32>,
    }
    %scan3A_5 = arith.constant 1024 : i32
    %mul3A_6 = arith.constant 632 : i32
    %mul3A_7 = arith.muli %arg1, %mul3A_6 : i32
    %add3A_8 = arith.constant 0 : i32
    %add3A_9 = arith.addi %mul3A_7, %add3A_8 : i32
    "tpu.region"() ({
      %run_scoped3A = tpu.sem_alloc : memref<!tpu.dma_semaphore, #tpu.memory_space<semaphore_mem>>
      %dma_start3A_69 = arith.constant 0 : i32
      %dma_start3A_70 = arith.constant 0 : i32
      %dma_start3A_71 = tpu.memref_slice %arg8[%dma_start3A_69, %dma_start3A_70] : memref<128x128xf32, #tpu.memory_space<vmem>> -> memref<128x128xf32, #tpu.memory_space<vmem>>
      %dma_start3A_72 = arith.constant 0 : i32
      %dma_start3A_73 = tpu.memref_slice %arg10[%add3A_9, %dma_start3A_72] : memref<10112x128xf32, #tpu.memory_space<vmem_shared>> -> memref<128x128xf32, #tpu.memory_space<vmem_shared>>
      %dma_start3A_74 = arith.constant 0 : i32
      %dma_start3A_75 = tpu.memref_slice %arg10[%add3A_9, %dma_start3A_74] : memref<10112x128xf32, #tpu.memory_space<vmem_shared>> -> memref<128x128xf32, #tpu.memory_space<vmem_shared>>
      %dma_start3A_76 = arith.constant 0 : i32
      %dma_start3A_77 = arith.constant 0 : i32
      %dma_start3A_78 = tpu.memref_slice %arg8[%dma_start3A_76, %dma_start3A_77] : memref<128x128xf32, #tpu.memory_space<vmem>> -> memref<128x128xf32, #tpu.memory_space<vmem>>
      tpu.enqueue_dma source(%dma_start3A_78 : memref<128x128xf32, #tpu.memory_space<vmem>>) target(%dma_start3A_75 : memref<128x128xf32, #tpu.memory_space<vmem_shared>>) target_semaphore(%run_scoped3A : memref<!tpu.dma_semaphore, #tpu.memory_space<semaphore_mem>>)
      %dma_wait3A_79 = arith.constant 0 : i32
      %dma_wait3A_80 = arith.constant 0 : i32
      %dma_wait3A_81 = tpu.memref_slice %arg8[%dma_wait3A_79, %dma_wait3A_80] : memref<128x128xf32, #tpu.memory_space<vmem>> -> memref<128x128xf32, #tpu.memory_space<vmem>>
      %dma_wait3A_82 = arith.constant 0 : i32
      %dma_wait3A_83 = tpu.memref_slice %arg10[%add3A_9, %dma_wait3A_82] : memref<10112x128xf32, #tpu.memory_space<vmem_shared>> -> memref<128x128xf32, #tpu.memory_space<vmem_shared>>
      %dma_wait3A_84 = arith.constant 0 : i32
      %dma_wait3A_85 = tpu.memref_slice %arg10[%add3A_9, %dma_wait3A_84] : memref<10112x128xf32, #tpu.memory_space<vmem_shared>> -> memref<128x128xf32, #tpu.memory_space<vmem_shared>>
      %dma_wait3A_86 = arith.constant 0 : i32
      %dma_wait3A_87 = arith.constant 0 : i32
      %dma_wait3A_88 = tpu.memref_slice %arg8[%dma_wait3A_86, %dma_wait3A_87] : memref<128x128xf32, #tpu.memory_space<vmem>> -> memref<128x128xf32, #tpu.memory_space<vmem>>
      tpu.wait_dma2 semaphore(%run_scoped3A : memref<!tpu.dma_semaphore, #tpu.memory_space<semaphore_mem>>) src(%dma_wait3A_88 : memref<128x128xf32, #tpu.memory_space<vmem>>) dst(%dma_wait3A_85 : memref<128x128xf32, #tpu.memory_space<vmem_shared>>)
      tpu.yield
    }) : () -> ()
    %mul3A_10 = arith.constant 632 : i32
    %mul3A_11 = arith.muli %arg1, %mul3A_10 : i32
    %add3A_12 = arith.constant 128 : i32
    %add3A_13 = arith.addi %mul3A_11, %add3A_12 : i32
    "tpu.region"() ({
      %run_scoped3A = tpu.sem_alloc : memref<!tpu.dma_semaphore, #tpu.memory_space<semaphore_mem>>
      %dma_start3A_69 = arith.constant 0 : i32
      %dma_start3A_70 = arith.constant 0 : i32
      %dma_start3A_71 = tpu.memref_slice %arg8[%dma_start3A_69, %dma_start3A_70] : memref<128x128xf32, #tpu.memory_space<vmem>> -> memref<128x128xf32, #tpu.memory_space<vmem>>
      %dma_start3A_72 = arith.constant 0 : i32
      %dma_start3A_73 = tpu.memref_slice %arg10[%add3A_13, %dma_start3A_72] : memref<10112x128xf32, #tpu.memory_space<vmem_shared>> -> memref<128x128xf32, #tpu.memory_space<vmem_shared>>
      %dma_start3A_74 = arith.constant 0 : i32
      %dma_start3A_75 = tpu.memref_slice %arg10[%add3A_13, %dma_start3A_74] : memref<10112x128xf32, #tpu.memory_space<vmem_shared>> -> memref<128x128xf32, #tpu.memory_space<vmem_shared>>
      %dma_start3A_76 = arith.constant 0 : i32
      %dma_start3A_77 = arith.constant 0 : i32
      %dma_start3A_78 = tpu.memref_slice %arg8[%dma_start3A_76, %dma_start3A_77] : memref<128x128xf32, #tpu.memory_space<vmem>> -> memref<128x128xf32, #tpu.memory_space<vmem>>
      tpu.enqueue_dma source(%dma_start3A_78 : memref<128x128xf32, #tpu.memory_space<vmem>>) target(%dma_start3A_75 : memref<128x128xf32, #tpu.memory_space<vmem_shared>>) target_semaphore(%run_scoped3A : memref<!tpu.dma_semaphore, #tpu.memory_space<semaphore_mem>>)
      %dma_wait3A_79 = arith.constant 0 : i32
      %dma_wait3A_80 = arith.constant 0 : i32
      %dma_wait3A_81 = tpu.memref_slice %arg8[%dma_wait3A_79, %dma_wait3A_80] : memref<128x128xf32, #tpu.memory_space<vmem>> -> memref<128x128xf32, #tpu.memory_space<vmem>>
      %dma_wait3A_82 = arith.constant 0 : i32
      %dma_wait3A_83 = tpu.memref_slice %arg10[%add3A_13, %dma_wait3A_82] : memref<10112x128xf32, #tpu.memory_space<vmem_shared>> -> memref<128x128xf32, #tpu.memory_space<vmem_shared>>
      %dma_wait3A_84 = arith.constant 0 : i32
      %dma_wait3A_85 = tpu.memref_slice %arg10[%add3A_13, %dma_wait3A_84] : memref<10112x128xf32, #tpu.memory_space<vmem_shared>> -> memref<128x128xf32, #tpu.memory_space<vmem_shared>>
      %dma_wait3A_86 = arith.constant 0 : i32
      %dma_wait3A_87 = arith.constant 0 : i32
      %dma_wait3A_88 = tpu.memref_slice %arg8[%dma_wait3A_86, %dma_wait3A_87] : memref<128x128xf32, #tpu.memory_space<vmem>> -> memref<128x128xf32, #tpu.memory_space<vmem>>
      tpu.wait_dma2 semaphore(%run_scoped3A : memref<!tpu.dma_semaphore, #tpu.memory_space<semaphore_mem>>) src(%dma_wait3A_88 : memref<128x128xf32, #tpu.memory_space<vmem>>) dst(%dma_wait3A_85 : memref<128x128xf32, #tpu.memory_space<vmem_shared>>)
      tpu.yield
    }) : () -> ()
    %mul3A_14 = arith.constant 632 : i32
    %mul3A_15 = arith.muli %arg1, %mul3A_14 : i32
    %add3A_16 = arith.constant 256 : i32
    %add3A_17 = arith.addi %mul3A_15, %add3A_16 : i32
    "tpu.region"() ({
      %run_scoped3A = tpu.sem_alloc : memref<!tpu.dma_semaphore, #tpu.memory_space<semaphore_mem>>
      %dma_start3A_69 = arith.constant 0 : i32
      %dma_start3A_70 = arith.constant 0 : i32
      %dma_start3A_71 = tpu.memref_slice %arg8[%dma_start3A_69, %dma_start3A_70] : memref<128x128xf32, #tpu.memory_space<vmem>> -> memref<128x128xf32, #tpu.memory_space<vmem>>
      %dma_start3A_72 = arith.constant 0 : i32
      %dma_start3A_73 = tpu.memref_slice %arg10[%add3A_17, %dma_start3A_72] : memref<10112x128xf32, #tpu.memory_space<vmem_shared>> -> memref<128x128xf32, #tpu.memory_space<vmem_shared>>
      %dma_start3A_74 = arith.constant 0 : i32
      %dma_start3A_75 = tpu.memref_slice %arg10[%add3A_17, %dma_start3A_74] : memref<10112x128xf32, #tpu.memory_space<vmem_shared>> -> memref<128x128xf32, #tpu.memory_space<vmem_shared>>
      %dma_start3A_76 = arith.constant 0 : i32
      %dma_start3A_77 = arith.constant 0 : i32
      %dma_start3A_78 = tpu.memref_slice %arg8[%dma_start3A_76, %dma_start3A_77] : memref<128x128xf32, #tpu.memory_space<vmem>> -> memref<128x128xf32, #tpu.memory_space<vmem>>
      tpu.enqueue_dma source(%dma_start3A_78 : memref<128x128xf32, #tpu.memory_space<vmem>>) target(%dma_start3A_75 : memref<128x128xf32, #tpu.memory_space<vmem_shared>>) target_semaphore(%run_scoped3A : memref<!tpu.dma_semaphore, #tpu.memory_space<semaphore_mem>>)
      %dma_wait3A_79 = arith.constant 0 : i32
      %dma_wait3A_80 = arith.constant 0 : i32
      %dma_wait3A_81 = tpu.memref_slice %arg8[%dma_wait3A_79, %dma_wait3A_80] : memref<128x128xf32, #tpu.memory_space<vmem>> -> memref<128x128xf32, #tpu.memory_space<vmem>>
      %dma_wait3A_82 = arith.constant 0 : i32
      %dma_wait3A_83 = tpu.memref_slice %arg10[%add3A_17, %dma_wait3A_82] : memref<10112x128xf32, #tpu.memory_space<vmem_shared>> -> memref<128x128xf32, #tpu.memory_space<vmem_shared>>
      %dma_wait3A_84 = arith.constant 0 : i32
      %dma_wait3A_85 = tpu.memref_slice %arg10[%add3A_17, %dma_wait3A_84] : memref<10112x128xf32, #tpu.memory_space<vmem_shared>> -> memref<128x128xf32, #tpu.memory_space<vmem_shared>>
      %dma_wait3A_86 = arith.constant 0 : i32
      %dma_wait3A_87 = arith.constant 0 : i32
      %dma_wait3A_88 = tpu.memref_slice %arg8[%dma_wait3A_86, %dma_wait3A_87] : memref<128x128xf32, #tpu.memory_space<vmem>> -> memref<128x128xf32, #tpu.memory_space<vmem>>
      tpu.wait_dma2 semaphore(%run_scoped3A : memref<!tpu.dma_semaphore, #tpu.memory_space<semaphore_mem>>) src(%dma_wait3A_88 : memref<128x128xf32, #tpu.memory_space<vmem>>) dst(%dma_wait3A_85 : memref<128x128xf32, #tpu.memory_space<vmem_shared>>)
      tpu.yield
    }) : () -> ()
    %mul3A_18 = arith.constant 632 : i32
    %mul3A_19 = arith.muli %arg1, %mul3A_18 : i32
    %add3A_20 = arith.constant 384 : i32
    %add3A_21 = arith.addi %mul3A_19, %add3A_20 : i32
    "tpu.region"() ({
      %run_scoped3A = tpu.sem_alloc : memref<!tpu.dma_semaphore, #tpu.memory_space<semaphore_mem>>
      %dma_start3A_69 = arith.constant 0 : i32
      %dma_start3A_70 = arith.constant 0 : i32
      %dma_start3A_71 = tpu.memref_slice %arg8[%dma_start3A_69, %dma_start3A_70] : memref<128x128xf32, #tpu.memory_space<vmem>> -> memref<128x128xf32, #tpu.memory_space<vmem>>
      %dma_start3A_72 = arith.constant 0 : i32
      %dma_start3A_73 = tpu.memref_slice %arg10[%add3A_21, %dma_start3A_72] : memref<10112x128xf32, #tpu.memory_space<vmem_shared>> -> memref<128x128xf32, #tpu.memory_space<vmem_shared>>
      %dma_start3A_74 = arith.constant 0 : i32
      %dma_start3A_75 = tpu.memref_slice %arg10[%add3A_21, %dma_start3A_74] : memref<10112x128xf32, #tpu.memory_space<vmem_shared>> -> memref<128x128xf32, #tpu.memory_space<vmem_shared>>
      %dma_start3A_76 = arith.constant 0 : i32
      %dma_start3A_77 = arith.constant 0 : i32
      %dma_start3A_78 = tpu.memref_slice %arg8[%dma_start3A_76, %dma_start3A_77] : memref<128x128xf32, #tpu.memory_space<vmem>> -> memref<128x128xf32, #tpu.memory_space<vmem>>
      tpu.enqueue_dma source(%dma_start3A_78 : memref<128x128xf32, #tpu.memory_space<vmem>>) target(%dma_start3A_75 : memref<128x128xf32, #tpu.memory_space<vmem_shared>>) target_semaphore(%run_scoped3A : memref<!tpu.dma_semaphore, #tpu.memory_space<semaphore_mem>>)
      %dma_wait3A_79 = arith.constant 0 : i32
      %dma_wait3A_80 = arith.constant 0 : i32
      %dma_wait3A_81 = tpu.memref_slice %arg8[%dma_wait3A_79, %dma_wait3A_80] : memref<128x128xf32, #tpu.memory_space<vmem>> -> memref<128x128xf32, #tpu.memory_space<vmem>>
      %dma_wait3A_82 = arith.constant 0 : i32
      %dma_wait3A_83 = tpu.memref_slice %arg10[%add3A_21, %dma_wait3A_82] : memref<10112x128xf32, #tpu.memory_space<vmem_shared>> -> memref<128x128xf32, #tpu.memory_space<vmem_shared>>
      %dma_wait3A_84 = arith.constant 0 : i32
      %dma_wait3A_85 = tpu.memref_slice %arg10[%add3A_21, %dma_wait3A_84] : memref<10112x128xf32, #tpu.memory_space<vmem_shared>> -> memref<128x128xf32, #tpu.memory_space<vmem_shared>>
      %dma_wait3A_86 = arith.constant 0 : i32
      %dma_wait3A_87 = arith.constant 0 : i32
      %dma_wait3A_88 = tpu.memref_slice %arg8[%dma_wait3A_86, %dma_wait3A_87] : memref<128x128xf32, #tpu.memory_space<vmem>> -> memref<128x128xf32, #tpu.memory_space<vmem>>
      tpu.wait_dma2 semaphore(%run_scoped3A : memref<!tpu.dma_semaphore, #tpu.memory_space<semaphore_mem>>) src(%dma_wait3A_88 : memref<128x128xf32, #tpu.memory_space<vmem>>) dst(%dma_wait3A_85 : memref<128x128xf32, #tpu.memory_space<vmem_shared>>)
      tpu.yield
    }) : () -> ()
    %mul3A_22 = arith.constant 632 : i32
    %mul3A_23 = arith.muli %arg1, %mul3A_22 : i32
    %add3A_24 = arith.constant 512 : i32
    %add3A_25 = arith.addi %mul3A_23, %add3A_24 : i32
    "tpu.region"() ({
      %run_scoped3A = tpu.sem_alloc : memref<!tpu.dma_semaphore, #tpu.memory_space<semaphore_mem>>
      %dma_start3A_69 = arith.constant 0 : i32
      %dma_start3A_70 = arith.constant 0 : i32
      %dma_start3A_71 = tpu.memref_slice %arg8[%dma_start3A_69, %dma_start3A_70] : memref<128x128xf32, #tpu.memory_space<vmem>> -> memref<120x128xf32, #tpu.memory_space<vmem>>
      %dma_start3A_72 = arith.constant 0 : i32
      %dma_start3A_73 = tpu.memref_slice %arg10[%add3A_25, %dma_start3A_72] : memref<10112x128xf32, #tpu.memory_space<vmem_shared>> -> memref<120x128xf32, #tpu.memory_space<vmem_shared>>
      %dma_start3A_74 = arith.constant 0 : i32
      %dma_start3A_75 = tpu.memref_slice %arg10[%add3A_25, %dma_start3A_74] : memref<10112x128xf32, #tpu.memory_space<vmem_shared>> -> memref<120x128xf32, #tpu.memory_space<vmem_shared>>
      %dma_start3A_76 = arith.constant 0 : i32
      %dma_start3A_77 = arith.constant 0 : i32
      %dma_start3A_78 = tpu.memref_slice %arg8[%dma_start3A_76, %dma_start3A_77] : memref<128x128xf32, #tpu.memory_space<vmem>> -> memref<120x128xf32, #tpu.memory_space<vmem>>
      tpu.enqueue_dma source(%dma_start3A_78 : memref<120x128xf32, #tpu.memory_space<vmem>>) target(%dma_start3A_75 : memref<120x128xf32, #tpu.memory_space<vmem_shared>>) target_semaphore(%run_scoped3A : memref<!tpu.dma_semaphore, #tpu.memory_space<semaphore_mem>>)
      %dma_wait3A_79 = arith.constant 0 : i32
      %dma_wait3A_80 = arith.constant 0 : i32
      %dma_wait3A_81 = tpu.memref_slice %arg8[%dma_wait3A_79, %dma_wait3A_80] : memref<128x128xf32, #tpu.memory_space<vmem>> -> memref<120x128xf32, #tpu.memory_space<vmem>>
      %dma_wait3A_82 = arith.constant 0 : i32
      %dma_wait3A_83 = tpu.memref_slice %arg10[%add3A_25, %dma_wait3A_82] : memref<10112x128xf32, #tpu.memory_space<vmem_shared>> -> memref<120x128xf32, #tpu.memory_space<vmem_shared>>
      %dma_wait3A_84 = arith.constant 0 : i32
      %dma_wait3A_85 = tpu.memref_slice %arg10[%add3A_25, %dma_wait3A_84] : memref<10112x128xf32, #tpu.memory_space<vmem_shared>> -> memref<120x128xf32, #tpu.memory_space<vmem_shared>>
      %dma_wait3A_86 = arith.constant 0 : i32
      %dma_wait3A_87 = arith.constant 0 : i32
      %dma_wait3A_88 = tpu.memref_slice %arg8[%dma_wait3A_86, %dma_wait3A_87] : memref<128x128xf32, #tpu.memory_space<vmem>> -> memref<120x128xf32, #tpu.memory_space<vmem>>
      tpu.wait_dma2 semaphore(%run_scoped3A : memref<!tpu.dma_semaphore, #tpu.memory_space<semaphore_mem>>) src(%dma_wait3A_88 : memref<120x128xf32, #tpu.memory_space<vmem>>) dst(%dma_wait3A_85 : memref<120x128xf32, #tpu.memory_space<vmem_shared>>)
      tpu.yield
    }) : () -> ()
    %barrier3A = arith.constant 0 : index
    tpu.barrier barrier_id(%barrier3A)
    "tpu.region"() ({
      %run_scoped3A = tpu.sem_alloc : memref<!tpu.dma_semaphore, #tpu.memory_space<semaphore_mem>>
      %dma_start3A_69 = arith.constant 0 : i32
      %dma_start3A_70 = arith.constant 0 : i32
      %dma_start3A_71 = tpu.memref_slice %arg3[%add3A, %dma_start3A_69, %dma_start3A_70] : memref<32x80x128xi32, #tpu.memory_space<hbm>> -> memref<1x40x128xi32, #tpu.memory_space<hbm>>
      %dma_start3A_72 = tpu.memref_squeeze %dma_start3A_71 : memref<1x40x128xi32, #tpu.memory_space<hbm>> -> memref<40x128xi32, #tpu.memory_space<hbm>>
      %dma_start3A_73 = arith.constant 0 : i32
      %dma_start3A_74 = arith.constant 0 : i32
      %dma_start3A_75 = tpu.memref_slice %arg3[%add3A, %dma_start3A_73, %dma_start3A_74] : memref<32x80x128xi32, #tpu.memory_space<hbm>> -> memref<1x40x128xi32, #tpu.memory_space<hbm>>
      %dma_start3A_76 = tpu.memref_squeeze %dma_start3A_75 : memref<1x40x128xi32, #tpu.memory_space<hbm>> -> memref<40x128xi32, #tpu.memory_space<hbm>>
      tpu.enqueue_dma source(%dma_start3A_76 : memref<40x128xi32, #tpu.memory_space<hbm>>) target(%arg6 : memref<40x128xi32, #tpu.memory_space<vmem>>) target_semaphore(%run_scoped3A : memref<!tpu.dma_semaphore, #tpu.memory_space<semaphore_mem>>)
      %dma_wait3A_77 = arith.constant 0 : i32
      %dma_wait3A_78 = arith.constant 0 : i32
      %dma_wait3A_79 = tpu.memref_slice %arg3[%add3A, %dma_wait3A_77, %dma_wait3A_78] : memref<32x80x128xi32, #tpu.memory_space<hbm>> -> memref<1x40x128xi32, #tpu.memory_space<hbm>>
      %dma_wait3A_80 = tpu.memref_squeeze %dma_wait3A_79 : memref<1x40x128xi32, #tpu.memory_space<hbm>> -> memref<40x128xi32, #tpu.memory_space<hbm>>
      %dma_wait3A_81 = arith.constant 0 : i32
      %dma_wait3A_82 = arith.constant 0 : i32
      %dma_wait3A_83 = tpu.memref_slice %arg3[%add3A, %dma_wait3A_81, %dma_wait3A_82] : memref<32x80x128xi32, #tpu.memory_space<hbm>> -> memref<1x40x128xi32, #tpu.memory_space<hbm>>
      %dma_wait3A_84 = tpu.memref_squeeze %dma_wait3A_83 : memref<1x40x128xi32, #tpu.memory_space<hbm>> -> memref<40x128xi32, #tpu.memory_space<hbm>>
      tpu.wait_dma2 semaphore(%run_scoped3A : memref<!tpu.dma_semaphore, #tpu.memory_space<semaphore_mem>>) src(%dma_wait3A_84 : memref<40x128xi32, #tpu.memory_space<hbm>>) dst(%arg6 : memref<40x128xi32, #tpu.memory_space<vmem>>)
      tpu.yield
    }) : () -> ()
    "tpu.region"() ({
      %run_scoped3A = tpu.sem_alloc : memref<!tpu.dma_semaphore, #tpu.memory_space<semaphore_mem>>
      %dma_start3A_69 = arith.constant 0 : i32
      %dma_start3A_70 = arith.constant 0 : i32
      %dma_start3A_71 = tpu.memref_slice %arg4[%add3A, %dma_start3A_69, %dma_start3A_70] : memref<32x80x128xi32, #tpu.memory_space<hbm>> -> memref<1x40x128xi32, #tpu.memory_space<hbm>>
      %dma_start3A_72 = tpu.memref_squeeze %dma_start3A_71 : memref<1x40x128xi32, #tpu.memory_space<hbm>> -> memref<40x128xi32, #tpu.memory_space<hbm>>
      %dma_start3A_73 = arith.constant 0 : i32
      %dma_start3A_74 = arith.constant 0 : i32
      %dma_start3A_75 = tpu.memref_slice %arg4[%add3A, %dma_start3A_73, %dma_start3A_74] : memref<32x80x128xi32, #tpu.memory_space<hbm>> -> memref<1x40x128xi32, #tpu.memory_space<hbm>>
      %dma_start3A_76 = tpu.memref_squeeze %dma_start3A_75 : memref<1x40x128xi32, #tpu.memory_space<hbm>> -> memref<40x128xi32, #tpu.memory_space<hbm>>
      tpu.enqueue_dma source(%dma_start3A_76 : memref<40x128xi32, #tpu.memory_space<hbm>>) target(%arg7 : memref<40x128xi32, #tpu.memory_space<vmem>>) target_semaphore(%run_scoped3A : memref<!tpu.dma_semaphore, #tpu.memory_space<semaphore_mem>>)
      %dma_wait3A_77 = arith.constant 0 : i32
      %dma_wait3A_78 = arith.constant 0 : i32
      %dma_wait3A_79 = tpu.memref_slice %arg4[%add3A, %dma_wait3A_77, %dma_wait3A_78] : memref<32x80x128xi32, #tpu.memory_space<hbm>> -> memref<1x40x128xi32, #tpu.memory_space<hbm>>
      %dma_wait3A_80 = tpu.memref_squeeze %dma_wait3A_79 : memref<1x40x128xi32, #tpu.memory_space<hbm>> -> memref<40x128xi32, #tpu.memory_space<hbm>>
      %dma_wait3A_81 = arith.constant 0 : i32
      %dma_wait3A_82 = arith.constant 0 : i32
      %dma_wait3A_83 = tpu.memref_slice %arg4[%add3A, %dma_wait3A_81, %dma_wait3A_82] : memref<32x80x128xi32, #tpu.memory_space<hbm>> -> memref<1x40x128xi32, #tpu.memory_space<hbm>>
      %dma_wait3A_84 = tpu.memref_squeeze %dma_wait3A_83 : memref<1x40x128xi32, #tpu.memory_space<hbm>> -> memref<40x128xi32, #tpu.memory_space<hbm>>
      tpu.wait_dma2 semaphore(%run_scoped3A : memref<!tpu.dma_semaphore, #tpu.memory_space<semaphore_mem>>) src(%dma_wait3A_84 : memref<40x128xi32, #tpu.memory_space<hbm>>) dst(%arg7 : memref<40x128xi32, #tpu.memory_space<vmem>>)
      tpu.yield
    }) : () -> ()
    %dma_start3A = arith.constant 0 : i32
    %dma_start3A_26 = arith.constant 0 : i32
    %dma_start3A_27 = tpu.memref_slice %arg6[%dma_start3A, %dma_start3A_26] : memref<40x128xi32, #tpu.memory_space<vmem>> -> memref<1x128xi32, #tpu.memory_space<vmem>>
    %dma_start3A_28 = tpu.memref_squeeze %dma_start3A_27 : memref<1x128xi32, #tpu.memory_space<vmem>> -> memref<128xi32, #tpu.memory_space<vmem>>
    %dma_start3A_29 = arith.constant 0 : i32
    %dma_start3A_30 = arith.constant 0 : i32
    %dma_start3A_31 = tpu.memref_slice %arg2[%dma_start3A_29, %dma_start3A_30] : memref<10000x128xf32, #tpu.memory_space<hbm>> -> memref<10000x128xf32, #tpu.memory_space<hbm>>
    tpu.enqueue_indirect_dma source(%dma_start3A_31 : memref<10000x128xf32, #tpu.memory_space<hbm>>) target(%arg8 : memref<128x128xf32, #tpu.memory_space<vmem>>) offsets(%dma_start3A_28 : memref<128xi32, #tpu.memory_space<vmem>>) semaphore(%arg11 : memref<!tpu.dma_semaphore, #tpu.memory_space<semaphore_mem>>)
    %scan3A_32 = arith.constant 0 : i32
    %scan3A_33 = arith.constant 0 : i32
    %scan3A_34 = arith.constant 20 : i32
    %scan3A_35 = arith.addi %scan3A_33, %scan3A_34 : i32
    %scan3A_36 = arith.constant 1 : i32
    scf.for %scan3A_69 = %scan3A_33 to %scan3A_35 step %scan3A_36  : i32 {
      %mul3A_70 = arith.constant 2 : i32
      %mul3A_71 = arith.muli %mul3A_70, %scan3A_69 : i32
      %add3A_72 = arith.constant 1 : i32
      %add3A_73 = arith.addi %mul3A_71, %add3A_72 : i32
      %dma_start3A_74 = arith.constant 0 : i32
      %dma_start3A_75 = tpu.memref_slice %arg6[%add3A_73, %dma_start3A_74] : memref<40x128xi32, #tpu.memory_space<vmem>> -> memref<1x128xi32, #tpu.memory_space<vmem>>
      %dma_start3A_76 = tpu.memref_squeeze %dma_start3A_75 : memref<1x128xi32, #tpu.memory_space<vmem>> -> memref<128xi32, #tpu.memory_space<vmem>>
      %dma_start3A_77 = arith.constant 0 : i32
      %dma_start3A_78 = arith.constant 0 : i32
      %dma_start3A_79 = tpu.memref_slice %arg2[%dma_start3A_77, %dma_start3A_78] : memref<10000x128xf32, #tpu.memory_space<hbm>> -> memref<10000x128xf32, #tpu.memory_space<hbm>>
      tpu.enqueue_indirect_dma source(%dma_start3A_79 : memref<10000x128xf32, #tpu.memory_space<hbm>>) target(%arg9 : memref<128x128xf32, #tpu.memory_space<vmem>>) offsets(%dma_start3A_76 : memref<128xi32, #tpu.memory_space<vmem>>) semaphore(%arg12 : memref<!tpu.dma_semaphore, #tpu.memory_space<semaphore_mem>>)
      %dma_wait3A_80 = arith.constant 0 : i32
      %dma_wait3A_81 = tpu.memref_slice %arg6[%mul3A_71, %dma_wait3A_80] : memref<40x128xi32, #tpu.memory_space<vmem>> -> memref<1x128xi32, #tpu.memory_space<vmem>>
      %dma_wait3A_82 = tpu.memref_squeeze %dma_wait3A_81 : memref<1x128xi32, #tpu.memory_space<vmem>> -> memref<128xi32, #tpu.memory_space<vmem>>
      %dma_wait3A_83 = arith.constant 0 : i32
      %dma_wait3A_84 = arith.constant 0 : i32
      %dma_wait3A_85 = tpu.memref_slice %arg2[%dma_wait3A_83, %dma_wait3A_84] : memref<10000x128xf32, #tpu.memory_space<hbm>> -> memref<10000x128xf32, #tpu.memory_space<hbm>>
      tpu.wait_indirect_dma semaphore(%arg11 : memref<!tpu.dma_semaphore, #tpu.memory_space<semaphore_mem>>) src(%dma_wait3A_85 : memref<10000x128xf32, #tpu.memory_space<hbm>>) dst(%arg8 : memref<128x128xf32, #tpu.memory_space<vmem>>)
      "tpu.region"() ({
        %run_scoped3A = tpu.sem_alloc : memref<!tpu.dma_semaphore, #tpu.memory_space<semaphore_mem>>
        %dma_start3A_103 = arith.constant 0 : i32
        %dma_start3A_104 = tpu.memref_slice %arg7[%mul3A_71, %dma_start3A_103] : memref<40x128xi32, #tpu.memory_space<vmem>> -> memref<1x128xi32, #tpu.memory_space<vmem>>
        %dma_start3A_105 = tpu.memref_squeeze %dma_start3A_104 : memref<1x128xi32, #tpu.memory_space<vmem>> -> memref<128xi32, #tpu.memory_space<vmem>>
        %dma_start3A_106 = arith.constant 0 : i32
        %dma_start3A_107 = arith.constant 0 : i32
        %dma_start3A_108 = tpu.memref_slice %arg10[%dma_start3A_106, %dma_start3A_107] : memref<10112x128xf32, #tpu.memory_space<vmem_shared>> -> memref<10112x128xf32, #tpu.memory_space<vmem_shared>>
        tpu.enqueue_indirect_dma source(%arg8 : memref<128x128xf32, #tpu.memory_space<vmem>>) target(%dma_start3A_108 : memref<10112x128xf32, #tpu.memory_space<vmem_shared>>) offsets(%dma_start3A_105 : memref<128xi32, #tpu.memory_space<vmem>>) semaphore(%run_scoped3A : memref<!tpu.dma_semaphore, #tpu.memory_space<semaphore_mem>>) {add = true}
        %dma_wait3A_109 = arith.constant 0 : i32
        %dma_wait3A_110 = tpu.memref_slice %arg7[%mul3A_71, %dma_wait3A_109] : memref<40x128xi32, #tpu.memory_space<vmem>> -> memref<1x128xi32, #tpu.memory_space<vmem>>
        %dma_wait3A_111 = tpu.memref_squeeze %dma_wait3A_110 : memref<1x128xi32, #tpu.memory_space<vmem>> -> memref<128xi32, #tpu.memory_space<vmem>>
        %dma_wait3A_112 = arith.constant 0 : i32
        %dma_wait3A_113 = arith.constant 0 : i32
        %dma_wait3A_114 = tpu.memref_slice %arg10[%dma_wait3A_112, %dma_wait3A_113] : memref<10112x128xf32, #tpu.memory_space<vmem_shared>> -> memref<10112x128xf32, #tpu.memory_space<vmem_shared>>
        tpu.wait_indirect_dma semaphore(%run_scoped3A : memref<!tpu.dma_semaphore, #tpu.memory_space<semaphore_mem>>) src(%arg8 : memref<128x128xf32, #tpu.memory_space<vmem>>) dst(%dma_wait3A_114 : memref<10112x128xf32, #tpu.memory_space<vmem_shared>>)
        tpu.yield
      }) : () -> ()
      %add3A_86 = arith.constant 2 : i32
      %add3A_87 = arith.addi %mul3A_71, %add3A_86 : i32
      %min3A = arith.constant 39 : i32
      %min3A_88 = arith.minsi %add3A_87, %min3A : i32
      %dma_start3A_89 = arith.constant 0 : i32
      %dma_start3A_90 = tpu.memref_slice %arg6[%min3A_88, %dma_start3A_89] : memref<40x128xi32, #tpu.memory_space<vmem>> -> memref<1x128xi32, #tpu.memory_space<vmem>>
      %dma_start3A_91 = tpu.memref_squeeze %dma_start3A_90 : memref<1x128xi32, #tpu.memory_space<vmem>> -> memref<128xi32, #tpu.memory_space<vmem>>
      %dma_start3A_92 = arith.constant 0 : i32
      %dma_start3A_93 = arith.constant 0 : i32
      %dma_start3A_94 = tpu.memref_slice %arg2[%dma_start3A_92, %dma_start3A_93] : memref<10000x128xf32, #tpu.memory_space<hbm>> -> memref<10000x128xf32, #tpu.memory_space<hbm>>
      tpu.enqueue_indirect_dma source(%dma_start3A_94 : memref<10000x128xf32, #tpu.memory_space<hbm>>) target(%arg8 : memref<128x128xf32, #tpu.memory_space<vmem>>) offsets(%dma_start3A_91 : memref<128xi32, #tpu.memory_space<vmem>>) semaphore(%arg11 : memref<!tpu.dma_semaphore, #tpu.memory_space<semaphore_mem>>)
      %dma_wait3A_95 = arith.constant 0 : i32
      %dma_wait3A_96 = tpu.memref_slice %arg6[%mul3A_71, %dma_wait3A_95] : memref<40x128xi32, #tpu.memory_space<vmem>> -> memref<1x128xi32, #tpu.memory_space<vmem>>
      %dma_wait3A_97 = tpu.memref_squeeze %dma_wait3A_96 : memref<1x128xi32, #tpu.memory_space<vmem>> -> memref<128xi32, #tpu.memory_space<vmem>>
      %dma_wait3A_98 = arith.constant 0 : i32
      %dma_wait3A_99 = arith.constant 0 : i32
      %dma_wait3A_100 = tpu.memref_slice %arg2[%dma_wait3A_98, %dma_wait3A_99] : memref<10000x128xf32, #tpu.memory_space<hbm>> -> memref<10000x128xf32, #tpu.memory_space<hbm>>
      tpu.wait_indirect_dma semaphore(%arg12 : memref<!tpu.dma_semaphore, #tpu.memory_space<semaphore_mem>>) src(%dma_wait3A_100 : memref<10000x128xf32, #tpu.memory_space<hbm>>) dst(%arg9 : memref<128x128xf32, #tpu.memory_space<vmem>>)
      %add3A_101 = arith.constant 1 : i32
      %add3A_102 = arith.addi %mul3A_71, %add3A_101 : i32
      "tpu.region"() ({
        %run_scoped3A = tpu.sem_alloc : memref<!tpu.dma_semaphore, #tpu.memory_space<semaphore_mem>>
        %dma_start3A_103 = arith.constant 0 : i32
        %dma_start3A_104 = tpu.memref_slice %arg7[%add3A_102, %dma_start3A_103] : memref<40x128xi32, #tpu.memory_space<vmem>> -> memref<1x128xi32, #tpu.memory_space<vmem>>
        %dma_start3A_105 = tpu.memref_squeeze %dma_start3A_104 : memref<1x128xi32, #tpu.memory_space<vmem>> -> memref<128xi32, #tpu.memory_space<vmem>>
        %dma_start3A_106 = arith.constant 0 : i32
        %dma_start3A_107 = arith.constant 0 : i32
        %dma_start3A_108 = tpu.memref_slice %arg10[%dma_start3A_106, %dma_start3A_107] : memref<10112x128xf32, #tpu.memory_space<vmem_shared>> -> memref<10112x128xf32, #tpu.memory_space<vmem_shared>>
        tpu.enqueue_indirect_dma source(%arg9 : memref<128x128xf32, #tpu.memory_space<vmem>>) target(%dma_start3A_108 : memref<10112x128xf32, #tpu.memory_space<vmem_shared>>) offsets(%dma_start3A_105 : memref<128xi32, #tpu.memory_space<vmem>>) semaphore(%run_scoped3A : memref<!tpu.dma_semaphore, #tpu.memory_space<semaphore_mem>>) {add = true}
        %dma_wait3A_109 = arith.constant 0 : i32
        %dma_wait3A_110 = tpu.memref_slice %arg7[%add3A_102, %dma_wait3A_109] : memref<40x128xi32, #tpu.memory_space<vmem>> -> memref<1x128xi32, #tpu.memory_space<vmem>>
        %dma_wait3A_111 = tpu.memref_squeeze %dma_wait3A_110 : memref<1x128xi32, #tpu.memory_space<vmem>> -> memref<128xi32, #tpu.memory_space<vmem>>
        %dma_wait3A_112 = arith.constant 0 : i32
        %dma_wait3A_113 = arith.constant 0 : i32
        %dma_wait3A_114 = tpu.memref_slice %arg10[%dma_wait3A_112, %dma_wait3A_113] : memref<10112x128xf32, #tpu.memory_space<vmem_shared>> -> memref<10112x128xf32, #tpu.memory_space<vmem_shared>>
        tpu.wait_indirect_dma semaphore(%run_scoped3A : memref<!tpu.dma_semaphore, #tpu.memory_space<semaphore_mem>>) src(%arg9 : memref<128x128xf32, #tpu.memory_space<vmem>>) dst(%dma_wait3A_114 : memref<10112x128xf32, #tpu.memory_space<vmem_shared>>)
        tpu.yield
      }) : () -> ()
    }
    %scan3A_37 = arith.constant 20 : i32
    %dma_wait3A = arith.constant 0 : i32
    %dma_wait3A_38 = arith.constant 0 : i32
    %dma_wait3A_39 = tpu.memref_slice %arg6[%dma_wait3A, %dma_wait3A_38] : memref<40x128xi32, #tpu.memory_space<vmem>> -> memref<1x128xi32, #tpu.memory_space<vmem>>
    %dma_wait3A_40 = tpu.memref_squeeze %dma_wait3A_39 : memref<1x128xi32, #tpu.memory_space<vmem>> -> memref<128xi32, #tpu.memory_space<vmem>>
    %dma_wait3A_41 = arith.constant 0 : i32
    %dma_wait3A_42 = arith.constant 0 : i32
    %dma_wait3A_43 = tpu.memref_slice %arg2[%dma_wait3A_41, %dma_wait3A_42] : memref<10000x128xf32, #tpu.memory_space<hbm>> -> memref<10000x128xf32, #tpu.memory_space<hbm>>
    tpu.wait_indirect_dma semaphore(%arg11 : memref<!tpu.dma_semaphore, #tpu.memory_space<semaphore_mem>>) src(%dma_wait3A_43 : memref<10000x128xf32, #tpu.memory_space<hbm>>) dst(%arg8 : memref<128x128xf32, #tpu.memory_space<vmem>>)
    "tpu.region"() ({
      %run_scoped3A = tpu.sem_alloc : memref<!tpu.dma_semaphore, #tpu.memory_space<semaphore_mem>>
      %dma_start3A_69 = arith.constant 40 : i32
      %dma_start3A_70 = arith.constant 0 : i32
      %dma_start3A_71 = tpu.memref_slice %arg3[%add3A, %dma_start3A_69, %dma_start3A_70] : memref<32x80x128xi32, #tpu.memory_space<hbm>> -> memref<1x40x128xi32, #tpu.memory_space<hbm>>
      %dma_start3A_72 = tpu.memref_squeeze %dma_start3A_71 : memref<1x40x128xi32, #tpu.memory_space<hbm>> -> memref<40x128xi32, #tpu.memory_space<hbm>>
      %dma_start3A_73 = arith.constant 40 : i32
      %dma_start3A_74 = arith.constant 0 : i32
      %dma_start3A_75 = tpu.memref_slice %arg3[%add3A, %dma_start3A_73, %dma_start3A_74] : memref<32x80x128xi32, #tpu.memory_space<hbm>> -> memref<1x40x128xi32, #tpu.memory_space<hbm>>
      %dma_start3A_76 = tpu.memref_squeeze %dma_start3A_75 : memref<1x40x128xi32, #tpu.memory_space<hbm>> -> memref<40x128xi32, #tpu.memory_space<hbm>>
      tpu.enqueue_dma source(%dma_start3A_76 : memref<40x128xi32, #tpu.memory_space<hbm>>) target(%arg6 : memref<40x128xi32, #tpu.memory_space<vmem>>) target_semaphore(%run_scoped3A : memref<!tpu.dma_semaphore, #tpu.memory_space<semaphore_mem>>)
      %dma_wait3A_77 = arith.constant 40 : i32
      %dma_wait3A_78 = arith.constant 0 : i32
      %dma_wait3A_79 = tpu.memref_slice %arg3[%add3A, %dma_wait3A_77, %dma_wait3A_78] : memref<32x80x128xi32, #tpu.memory_space<hbm>> -> memref<1x40x128xi32, #tpu.memory_space<hbm>>
      %dma_wait3A_80 = tpu.memref_squeeze %dma_wait3A_79 : memref<1x40x128xi32, #tpu.memory_space<hbm>> -> memref<40x128xi32, #tpu.memory_space<hbm>>
      %dma_wait3A_81 = arith.constant 40 : i32
      %dma_wait3A_82 = arith.constant 0 : i32
      %dma_wait3A_83 = tpu.memref_slice %arg3[%add3A, %dma_wait3A_81, %dma_wait3A_82] : memref<32x80x128xi32, #tpu.memory_space<hbm>> -> memref<1x40x128xi32, #tpu.memory_space<hbm>>
      %dma_wait3A_84 = tpu.memref_squeeze %dma_wait3A_83 : memref<1x40x128xi32, #tpu.memory_space<hbm>> -> memref<40x128xi32, #tpu.memory_space<hbm>>
      tpu.wait_dma2 semaphore(%run_scoped3A : memref<!tpu.dma_semaphore, #tpu.memory_space<semaphore_mem>>) src(%dma_wait3A_84 : memref<40x128xi32, #tpu.memory_space<hbm>>) dst(%arg6 : memref<40x128xi32, #tpu.memory_space<vmem>>)
      tpu.yield
    }) : () -> ()
    "tpu.region"() ({
      %run_scoped3A = tpu.sem_alloc : memref<!tpu.dma_semaphore, #tpu.memory_space<semaphore_mem>>
      %dma_start3A_69 = arith.constant 40 : i32
      %dma_start3A_70 = arith.constant 0 : i32
      %dma_start3A_71 = tpu.memref_slice %arg4[%add3A, %dma_start3A_69, %dma_start3A_70] : memref<32x80x128xi32, #tpu.memory_space<hbm>> -> memref<1x40x128xi32, #tpu.memory_space<hbm>>
      %dma_start3A_72 = tpu.memref_squeeze %dma_start3A_71 : memref<1x40x128xi32, #tpu.memory_space<hbm>> -> memref<40x128xi32, #tpu.memory_space<hbm>>
      %dma_start3A_73 = arith.constant 40 : i32
      %dma_start3A_74 = arith.constant 0 : i32
      %dma_start3A_75 = tpu.memref_slice %arg4[%add3A, %dma_start3A_73, %dma_start3A_74] : memref<32x80x128xi32, #tpu.memory_space<hbm>> -> memref<1x40x128xi32, #tpu.memory_space<hbm>>
      %dma_start3A_76 = tpu.memref_squeeze %dma_start3A_75 : memref<1x40x128xi32, #tpu.memory_space<hbm>> -> memref<40x128xi32, #tpu.memory_space<hbm>>
      tpu.enqueue_dma source(%dma_start3A_76 : memref<40x128xi32, #tpu.memory_space<hbm>>) target(%arg7 : memref<40x128xi32, #tpu.memory_space<vmem>>) target_semaphore(%run_scoped3A : memref<!tpu.dma_semaphore, #tpu.memory_space<semaphore_mem>>)
      %dma_wait3A_77 = arith.constant 40 : i32
      %dma_wait3A_78 = arith.constant 0 : i32
      %dma_wait3A_79 = tpu.memref_slice %arg4[%add3A, %dma_wait3A_77, %dma_wait3A_78] : memref<32x80x128xi32, #tpu.memory_space<hbm>> -> memref<1x40x128xi32, #tpu.memory_space<hbm>>
      %dma_wait3A_80 = tpu.memref_squeeze %dma_wait3A_79 : memref<1x40x128xi32, #tpu.memory_space<hbm>> -> memref<40x128xi32, #tpu.memory_space<hbm>>
      %dma_wait3A_81 = arith.constant 40 : i32
      %dma_wait3A_82 = arith.constant 0 : i32
      %dma_wait3A_83 = tpu.memref_slice %arg4[%add3A, %dma_wait3A_81, %dma_wait3A_82] : memref<32x80x128xi32, #tpu.memory_space<hbm>> -> memref<1x40x128xi32, #tpu.memory_space<hbm>>
      %dma_wait3A_84 = tpu.memref_squeeze %dma_wait3A_83 : memref<1x40x128xi32, #tpu.memory_space<hbm>> -> memref<40x128xi32, #tpu.memory_space<hbm>>
      tpu.wait_dma2 semaphore(%run_scoped3A : memref<!tpu.dma_semaphore, #tpu.memory_space<semaphore_mem>>) src(%dma_wait3A_84 : memref<40x128xi32, #tpu.memory_space<hbm>>) dst(%arg7 : memref<40x128xi32, #tpu.memory_space<vmem>>)
      tpu.yield
    }) : () -> ()
    %dma_start3A_44 = arith.constant 0 : i32
    %dma_start3A_45 = arith.constant 0 : i32
    %dma_start3A_46 = tpu.memref_slice %arg6[%dma_start3A_44, %dma_start3A_45] : memref<40x128xi32, #tpu.memory_space<vmem>> -> memref<1x128xi32, #tpu.memory_space<vmem>>
    %dma_start3A_47 = tpu.memref_squeeze %dma_start3A_46 : memref<1x128xi32, #tpu.memory_space<vmem>> -> memref<128xi32, #tpu.memory_space<vmem>>
    %dma_start3A_48 = arith.constant 0 : i32
    %dma_start3A_49 = arith.constant 0 : i32
    %dma_start3A_50 = tpu.memref_slice %arg2[%dma_start3A_48, %dma_start3A_49] : memref<10000x128xf32, #tpu.memory_space<hbm>> -> memref<10000x128xf32, #tpu.memory_space<hbm>>
    tpu.enqueue_indirect_dma source(%dma_start3A_50 : memref<10000x128xf32, #tpu.memory_space<hbm>>) target(%arg8 : memref<128x128xf32, #tpu.memory_space<vmem>>) offsets(%dma_start3A_47 : memref<128xi32, #tpu.memory_space<vmem>>) semaphore(%arg11 : memref<!tpu.dma_semaphore, #tpu.memory_space<semaphore_mem>>)
    %scan3A_51 = arith.constant 0 : i32
    %scan3A_52 = arith.constant 0 : i32
    %scan3A_53 = arith.constant 20 : i32
    %scan3A_54 = arith.addi %scan3A_52, %scan3A_53 : i32
    %scan3A_55 = arith.constant 1 : i32
    scf.for %scan3A_69 = %scan3A_52 to %scan3A_54 step %scan3A_55  : i32 {
      %mul3A_70 = arith.constant 2 : i32
      %mul3A_71 = arith.muli %mul3A_70, %scan3A_69 : i32
      %add3A_72 = arith.constant 1 : i32
      %add3A_73 = arith.addi %mul3A_71, %add3A_72 : i32
      %dma_start3A_74 = arith.constant 0 : i32
      %dma_start3A_75 = tpu.memref_slice %arg6[%add3A_73, %dma_start3A_74] : memref<40x128xi32, #tpu.memory_space<vmem>> -> memref<1x128xi32, #tpu.memory_space<vmem>>
      %dma_start3A_76 = tpu.memref_squeeze %dma_start3A_75 : memref<1x128xi32, #tpu.memory_space<vmem>> -> memref<128xi32, #tpu.memory_space<vmem>>
      %dma_start3A_77 = arith.constant 0 : i32
      %dma_start3A_78 = arith.constant 0 : i32
      %dma_start3A_79 = tpu.memref_slice %arg2[%dma_start3A_77, %dma_start3A_78] : memref<10000x128xf32, #tpu.memory_space<hbm>> -> memref<10000x128xf32, #tpu.memory_space<hbm>>
      tpu.enqueue_indirect_dma source(%dma_start3A_79 : memref<10000x128xf32, #tpu.memory_space<hbm>>) target(%arg9 : memref<128x128xf32, #tpu.memory_space<vmem>>) offsets(%dma_start3A_76 : memref<128xi32, #tpu.memory_space<vmem>>) semaphore(%arg12 : memref<!tpu.dma_semaphore, #tpu.memory_space<semaphore_mem>>)
      %dma_wait3A_80 = arith.constant 0 : i32
      %dma_wait3A_81 = tpu.memref_slice %arg6[%mul3A_71, %dma_wait3A_80] : memref<40x128xi32, #tpu.memory_space<vmem>> -> memref<1x128xi32, #tpu.memory_space<vmem>>
      %dma_wait3A_82 = tpu.memref_squeeze %dma_wait3A_81 : memref<1x128xi32, #tpu.memory_space<vmem>> -> memref<128xi32, #tpu.memory_space<vmem>>
      %dma_wait3A_83 = arith.constant 0 : i32
      %dma_wait3A_84 = arith.constant 0 : i32
      %dma_wait3A_85 = tpu.memref_slice %arg2[%dma_wait3A_83, %dma_wait3A_84] : memref<10000x128xf32, #tpu.memory_space<hbm>> -> memref<10000x128xf32, #tpu.memory_space<hbm>>
      tpu.wait_indirect_dma semaphore(%arg11 : memref<!tpu.dma_semaphore, #tpu.memory_space<semaphore_mem>>) src(%dma_wait3A_85 : memref<10000x128xf32, #tpu.memory_space<hbm>>) dst(%arg8 : memref<128x128xf32, #tpu.memory_space<vmem>>)
      "tpu.region"() ({
        %run_scoped3A = tpu.sem_alloc : memref<!tpu.dma_semaphore, #tpu.memory_space<semaphore_mem>>
        %dma_start3A_103 = arith.constant 0 : i32
        %dma_start3A_104 = tpu.memref_slice %arg7[%mul3A_71, %dma_start3A_103] : memref<40x128xi32, #tpu.memory_space<vmem>> -> memref<1x128xi32, #tpu.memory_space<vmem>>
        %dma_start3A_105 = tpu.memref_squeeze %dma_start3A_104 : memref<1x128xi32, #tpu.memory_space<vmem>> -> memref<128xi32, #tpu.memory_space<vmem>>
        %dma_start3A_106 = arith.constant 0 : i32
        %dma_start3A_107 = arith.constant 0 : i32
        %dma_start3A_108 = tpu.memref_slice %arg10[%dma_start3A_106, %dma_start3A_107] : memref<10112x128xf32, #tpu.memory_space<vmem_shared>> -> memref<10112x128xf32, #tpu.memory_space<vmem_shared>>
        tpu.enqueue_indirect_dma source(%arg8 : memref<128x128xf32, #tpu.memory_space<vmem>>) target(%dma_start3A_108 : memref<10112x128xf32, #tpu.memory_space<vmem_shared>>) offsets(%dma_start3A_105 : memref<128xi32, #tpu.memory_space<vmem>>) semaphore(%run_scoped3A : memref<!tpu.dma_semaphore, #tpu.memory_space<semaphore_mem>>) {add = true}
        %dma_wait3A_109 = arith.constant 0 : i32
        %dma_wait3A_110 = tpu.memref_slice %arg7[%mul3A_71, %dma_wait3A_109] : memref<40x128xi32, #tpu.memory_space<vmem>> -> memref<1x128xi32, #tpu.memory_space<vmem>>
        %dma_wait3A_111 = tpu.memref_squeeze %dma_wait3A_110 : memref<1x128xi32, #tpu.memory_space<vmem>> -> memref<128xi32, #tpu.memory_space<vmem>>
        %dma_wait3A_112 = arith.constant 0 : i32
        %dma_wait3A_113 = arith.constant 0 : i32
        %dma_wait3A_114 = tpu.memref_slice %arg10[%dma_wait3A_112, %dma_wait3A_113] : memref<10112x128xf32, #tpu.memory_space<vmem_shared>> -> memref<10112x128xf32, #tpu.memory_space<vmem_shared>>
        tpu.wait_indirect_dma semaphore(%run_scoped3A : memref<!tpu.dma_semaphore, #tpu.memory_space<semaphore_mem>>) src(%arg8 : memref<128x128xf32, #tpu.memory_space<vmem>>) dst(%dma_wait3A_114 : memref<10112x128xf32, #tpu.memory_space<vmem_shared>>)
        tpu.yield
      }) : () -> ()
      %add3A_86 = arith.constant 2 : i32
      %add3A_87 = arith.addi %mul3A_71, %add3A_86 : i32
      %min3A = arith.constant 39 : i32
      %min3A_88 = arith.minsi %add3A_87, %min3A : i32
      %dma_start3A_89 = arith.constant 0 : i32
      %dma_start3A_90 = tpu.memref_slice %arg6[%min3A_88, %dma_start3A_89] : memref<40x128xi32, #tpu.memory_space<vmem>> -> memref<1x128xi32, #tpu.memory_space<vmem>>
      %dma_start3A_91 = tpu.memref_squeeze %dma_start3A_90 : memref<1x128xi32, #tpu.memory_space<vmem>> -> memref<128xi32, #tpu.memory_space<vmem>>
      %dma_start3A_92 = arith.constant 0 : i32
      %dma_start3A_93 = arith.constant 0 : i32
      %dma_start3A_94 = tpu.memref_slice %arg2[%dma_start3A_92, %dma_start3A_93] : memref<10000x128xf32, #tpu.memory_space<hbm>> -> memref<10000x128xf32, #tpu.memory_space<hbm>>
      tpu.enqueue_indirect_dma source(%dma_start3A_94 : memref<10000x128xf32, #tpu.memory_space<hbm>>) target(%arg8 : memref<128x128xf32, #tpu.memory_space<vmem>>) offsets(%dma_start3A_91 : memref<128xi32, #tpu.memory_space<vmem>>) semaphore(%arg11 : memref<!tpu.dma_semaphore, #tpu.memory_space<semaphore_mem>>)
      %dma_wait3A_95 = arith.constant 0 : i32
      %dma_wait3A_96 = tpu.memref_slice %arg6[%mul3A_71, %dma_wait3A_95] : memref<40x128xi32, #tpu.memory_space<vmem>> -> memref<1x128xi32, #tpu.memory_space<vmem>>
      %dma_wait3A_97 = tpu.memref_squeeze %dma_wait3A_96 : memref<1x128xi32, #tpu.memory_space<vmem>> -> memref<128xi32, #tpu.memory_space<vmem>>
      %dma_wait3A_98 = arith.constant 0 : i32
      %dma_wait3A_99 = arith.constant 0 : i32
      %dma_wait3A_100 = tpu.memref_slice %arg2[%dma_wait3A_98, %dma_wait3A_99] : memref<10000x128xf32, #tpu.memory_space<hbm>> -> memref<10000x128xf32, #tpu.memory_space<hbm>>
      tpu.wait_indirect_dma semaphore(%arg12 : memref<!tpu.dma_semaphore, #tpu.memory_space<semaphore_mem>>) src(%dma_wait3A_100 : memref<10000x128xf32, #tpu.memory_space<hbm>>) dst(%arg9 : memref<128x128xf32, #tpu.memory_space<vmem>>)
      %add3A_101 = arith.constant 1 : i32
      %add3A_102 = arith.addi %mul3A_71, %add3A_101 : i32
      "tpu.region"() ({
        %run_scoped3A = tpu.sem_alloc : memref<!tpu.dma_semaphore, #tpu.memory_space<semaphore_mem>>
        %dma_start3A_103 = arith.constant 0 : i32
        %dma_start3A_104 = tpu.memref_slice %arg7[%add3A_102, %dma_start3A_103] : memref<40x128xi32, #tpu.memory_space<vmem>> -> memref<1x128xi32, #tpu.memory_space<vmem>>
        %dma_start3A_105 = tpu.memref_squeeze %dma_start3A_104 : memref<1x128xi32, #tpu.memory_space<vmem>> -> memref<128xi32, #tpu.memory_space<vmem>>
        %dma_start3A_106 = arith.constant 0 : i32
        %dma_start3A_107 = arith.constant 0 : i32
        %dma_start3A_108 = tpu.memref_slice %arg10[%dma_start3A_106, %dma_start3A_107] : memref<10112x128xf32, #tpu.memory_space<vmem_shared>> -> memref<10112x128xf32, #tpu.memory_space<vmem_shared>>
        tpu.enqueue_indirect_dma source(%arg9 : memref<128x128xf32, #tpu.memory_space<vmem>>) target(%dma_start3A_108 : memref<10112x128xf32, #tpu.memory_space<vmem_shared>>) offsets(%dma_start3A_105 : memref<128xi32, #tpu.memory_space<vmem>>) semaphore(%run_scoped3A : memref<!tpu.dma_semaphore, #tpu.memory_space<semaphore_mem>>) {add = true}
        %dma_wait3A_109 = arith.constant 0 : i32
        %dma_wait3A_110 = tpu.memref_slice %arg7[%add3A_102, %dma_wait3A_109] : memref<40x128xi32, #tpu.memory_space<vmem>> -> memref<1x128xi32, #tpu.memory_space<vmem>>
        %dma_wait3A_111 = tpu.memref_squeeze %dma_wait3A_110 : memref<1x128xi32, #tpu.memory_space<vmem>> -> memref<128xi32, #tpu.memory_space<vmem>>
        %dma_wait3A_112 = arith.constant 0 : i32
        %dma_wait3A_113 = arith.constant 0 : i32
        %dma_wait3A_114 = tpu.memref_slice %arg10[%dma_wait3A_112, %dma_wait3A_113] : memref<10112x128xf32, #tpu.memory_space<vmem_shared>> -> memref<10112x128xf32, #tpu.memory_space<vmem_shared>>
        tpu.wait_indirect_dma semaphore(%run_scoped3A : memref<!tpu.dma_semaphore, #tpu.memory_space<semaphore_mem>>) src(%arg9 : memref<128x128xf32, #tpu.memory_space<vmem>>) dst(%dma_wait3A_114 : memref<10112x128xf32, #tpu.memory_space<vmem_shared>>)
        tpu.yield
      }) : () -> ()
    }
    %scan3A_56 = arith.constant 20 : i32
    %dma_wait3A_57 = arith.constant 0 : i32
    %dma_wait3A_58 = arith.constant 0 : i32
    %dma_wait3A_59 = tpu.memref_slice %arg6[%dma_wait3A_57, %dma_wait3A_58] : memref<40x128xi32, #tpu.memory_space<vmem>> -> memref<1x128xi32, #tpu.memory_space<vmem>>
    %dma_wait3A_60 = tpu.memref_squeeze %dma_wait3A_59 : memref<1x128xi32, #tpu.memory_space<vmem>> -> memref<128xi32, #tpu.memory_space<vmem>>
    %dma_wait3A_61 = arith.constant 0 : i32
    %dma_wait3A_62 = arith.constant 0 : i32
    %dma_wait3A_63 = tpu.memref_slice %arg2[%dma_wait3A_61, %dma_wait3A_62] : memref<10000x128xf32, #tpu.memory_space<hbm>> -> memref<10000x128xf32, #tpu.memory_space<hbm>>
    tpu.wait_indirect_dma semaphore(%arg11 : memref<!tpu.dma_semaphore, #tpu.memory_space<semaphore_mem>>) src(%dma_wait3A_63 : memref<10000x128xf32, #tpu.memory_space<hbm>>) dst(%arg8 : memref<128x128xf32, #tpu.memory_space<vmem>>)
    %barrier3A_64 = arith.constant 0 : index
    tpu.barrier barrier_id(%barrier3A_64)
    %mul3A_65 = arith.constant 632 : i32
    %mul3A_66 = arith.muli %arg1, %mul3A_65 : i32
    %mul3A_67 = arith.constant 632 : i32
    %mul3A_68 = arith.muli %arg1, %mul3A_67 : i32
    "tpu.region"() ({
      %run_scoped3A = tpu.sem_alloc : memref<!tpu.dma_semaphore, #tpu.memory_space<semaphore_mem>>
      %dma_start3A_69 = arith.constant 0 : i32
      %dma_start3A_70 = tpu.memref_slice %arg5[%arg0, %mul3A_68, %dma_start3A_69] : memref<2x10112x128xf32, #tpu.memory_space<hbm>> -> memref<1x632x128xf32, #tpu.memory_space<hbm>>
      %dma_start3A_71 = tpu.memref_squeeze %dma_start3A_70 : memref<1x632x128xf32, #tpu.memory_space<hbm>> -> memref<632x128xf32, #tpu.memory_space<hbm>>
      %dma_start3A_72 = arith.constant 0 : i32
      %dma_start3A_73 = tpu.memref_slice %arg10[%mul3A_66, %dma_start3A_72] : memref<10112x128xf32, #tpu.memory_space<vmem_shared>> -> memref<632x128xf32, #tpu.memory_space<vmem_shared>>
      tpu.enqueue_dma source(%dma_start3A_73 : memref<632x128xf32, #tpu.memory_space<vmem_shared>>) target(%dma_start3A_71 : memref<632x128xf32, #tpu.memory_space<hbm>>) target_semaphore(%run_scoped3A : memref<!tpu.dma_semaphore, #tpu.memory_space<semaphore_mem>>)
      %dma_wait3A_74 = arith.constant 0 : i32
      %dma_wait3A_75 = tpu.memref_slice %arg5[%arg0, %mul3A_68, %dma_wait3A_74] : memref<2x10112x128xf32, #tpu.memory_space<hbm>> -> memref<1x632x128xf32, #tpu.memory_space<hbm>>
      %dma_wait3A_76 = tpu.memref_squeeze %dma_wait3A_75 : memref<1x632x128xf32, #tpu.memory_space<hbm>> -> memref<632x128xf32, #tpu.memory_space<hbm>>
      %dma_wait3A_77 = arith.constant 0 : i32
      %dma_wait3A_78 = tpu.memref_slice %arg10[%mul3A_66, %dma_wait3A_77] : memref<10112x128xf32, #tpu.memory_space<vmem_shared>> -> memref<632x128xf32, #tpu.memory_space<vmem_shared>>
      tpu.wait_dma2 semaphore(%run_scoped3A : memref<!tpu.dma_semaphore, #tpu.memory_space<semaphore_mem>>) src(%dma_wait3A_78 : memref<632x128xf32, #tpu.memory_space<vmem_shared>>) dst(%dma_wait3A_76 : memref<632x128xf32, #tpu.memory_space<hbm>>)
      tpu.yield
    }) : () -> ()
    return
  }
}

#map = affine_map<(d0, d1) -> (0, 0, 0)>
#map1 = affine_map<(d0, d1) -> (0)>
module attributes {stable_mosaic.version = 14 : i64} {
  func.func @_deg_body(%arg0: i32, %arg1: i32, %arg2: memref<32x80x128xi32, #tpu.memory_space<hbm>>, %arg3: memref<20480xf32, #tpu.memory_space<hbm>>, %arg4: memref<80x128xi32, #tpu.memory_space<vmem>>, %arg5: memref<128xf32, #tpu.memory_space<vmem>>, %arg6: memref<640xf32, #tpu.memory_space<vmem>>, %arg7: memref<10240xf32, #tpu.memory_space<vmem_shared>>) attributes {dimension_semantics = [#tpu.dimension_semantics<core_parallel>, #tpu.dimension_semantics<subcore_parallel>], iteration_bounds = array<i64: 2, 16>, scalar_prefetch = 0 : i64, scratch_operands = 4 : i64, tpu.core_type = #tpu.core_type<sc_vector_subcore>, window_params = [{transform_indices = #map}, {transform_indices = #map1}]} {
    %mul3A = arith.constant 16 : i32
    %mul3A_0 = arith.muli %arg0, %mul3A : i32
    %add3A = arith.addi %mul3A_0, %arg1 : i32
    "tpu.region"() ({
      %run_scoped3A = tpu.sem_alloc : memref<!tpu.dma_semaphore, #tpu.memory_space<semaphore_mem>>
      %dma_start3A = arith.constant 0 : i32
      %dma_start3A_302 = arith.constant 0 : i32
      %dma_start3A_303 = tpu.memref_slice %arg2[%add3A, %dma_start3A, %dma_start3A_302] : memref<32x80x128xi32, #tpu.memory_space<hbm>> -> memref<1x80x128xi32, #tpu.memory_space<hbm>>
      %dma_start3A_304 = tpu.memref_squeeze %dma_start3A_303 : memref<1x80x128xi32, #tpu.memory_space<hbm>> -> memref<80x128xi32, #tpu.memory_space<hbm>>
      %dma_start3A_305 = arith.constant 0 : i32
      %dma_start3A_306 = arith.constant 0 : i32
      %dma_start3A_307 = tpu.memref_slice %arg2[%add3A, %dma_start3A_305, %dma_start3A_306] : memref<32x80x128xi32, #tpu.memory_space<hbm>> -> memref<1x80x128xi32, #tpu.memory_space<hbm>>
      %dma_start3A_308 = tpu.memref_squeeze %dma_start3A_307 : memref<1x80x128xi32, #tpu.memory_space<hbm>> -> memref<80x128xi32, #tpu.memory_space<hbm>>
      tpu.enqueue_dma source(%dma_start3A_308 : memref<80x128xi32, #tpu.memory_space<hbm>>) target(%arg4 : memref<80x128xi32, #tpu.memory_space<vmem>>) target_semaphore(%run_scoped3A : memref<!tpu.dma_semaphore, #tpu.memory_space<semaphore_mem>>)
      %dma_wait3A = arith.constant 0 : i32
      %dma_wait3A_309 = arith.constant 0 : i32
      %dma_wait3A_310 = tpu.memref_slice %arg2[%add3A, %dma_wait3A, %dma_wait3A_309] : memref<32x80x128xi32, #tpu.memory_space<hbm>> -> memref<1x80x128xi32, #tpu.memory_space<hbm>>
      %dma_wait3A_311 = tpu.memref_squeeze %dma_wait3A_310 : memref<1x80x128xi32, #tpu.memory_space<hbm>> -> memref<80x128xi32, #tpu.memory_space<hbm>>
      %dma_wait3A_312 = arith.constant 0 : i32
      %dma_wait3A_313 = arith.constant 0 : i32
      %dma_wait3A_314 = tpu.memref_slice %arg2[%add3A, %dma_wait3A_312, %dma_wait3A_313] : memref<32x80x128xi32, #tpu.memory_space<hbm>> -> memref<1x80x128xi32, #tpu.memory_space<hbm>>
      %dma_wait3A_315 = tpu.memref_squeeze %dma_wait3A_314 : memref<1x80x128xi32, #tpu.memory_space<hbm>> -> memref<80x128xi32, #tpu.memory_space<hbm>>
      tpu.wait_dma2 semaphore(%run_scoped3A : memref<!tpu.dma_semaphore, #tpu.memory_space<semaphore_mem>>) src(%dma_wait3A_315 : memref<80x128xi32, #tpu.memory_space<hbm>>) dst(%arg4 : memref<80x128xi32, #tpu.memory_space<vmem>>)
      tpu.yield
    }) : () -> ()
    %broadcast_in_dim3A = arith.constant 1.000000e+00 : f32
    %broadcast_in_dim3A_1 = vector.broadcast %broadcast_in_dim3A : f32 to vector<16xf32>
    %swap3A = arith.constant 0 : index
    %swap3A_2 = tpu.vector_load %arg5[%swap3A] {strides = array<i32>} : memref<128xf32, #tpu.memory_space<vmem>>, vector<16xf32>,
    %swap3A_3 = vector.shape_cast %swap3A_2 : vector<16xf32> to vector<16xf32>
    %swap3A_4 = vector.shape_cast %broadcast_in_dim3A_1 : vector<16xf32> to vector<16xf32>
    tpu.vector_store %arg5[%swap3A], %swap3A_4 {strides = array<i32>} : memref<128xf32, #tpu.memory_space<vmem>>, vector<16xf32>,
    %broadcast_in_dim3A_5 = arith.constant 1.000000e+00 : f32
    %broadcast_in_dim3A_6 = vector.broadcast %broadcast_in_dim3A_5 : f32 to vector<16xf32>
    %swap3A_7 = arith.constant 16 : index
    %swap3A_8 = tpu.vector_load %arg5[%swap3A_7] {strides = array<i32>} : memref<128xf32, #tpu.memory_space<vmem>>, vector<16xf32>,
    %swap3A_9 = vector.shape_cast %swap3A_8 : vector<16xf32> to vector<16xf32>
    %swap3A_10 = vector.shape_cast %broadcast_in_dim3A_6 : vector<16xf32> to vector<16xf32>
    tpu.vector_store %arg5[%swap3A_7], %swap3A_10 {strides = array<i32>} : memref<128xf32, #tpu.memory_space<vmem>>, vector<16xf32>,
    %broadcast_in_dim3A_11 = arith.constant 1.000000e+00 : f32
    %broadcast_in_dim3A_12 = vector.broadcast %broadcast_in_dim3A_11 : f32 to vector<16xf32>
    %swap3A_13 = arith.constant 32 : index
    %swap3A_14 = tpu.vector_load %arg5[%swap3A_13] {strides = array<i32>} : memref<128xf32, #tpu.memory_space<vmem>>, vector<16xf32>,
    %swap3A_15 = vector.shape_cast %swap3A_14 : vector<16xf32> to vector<16xf32>
    %swap3A_16 = vector.shape_cast %broadcast_in_dim3A_12 : vector<16xf32> to vector<16xf32>
    tpu.vector_store %arg5[%swap3A_13], %swap3A_16 {strides = array<i32>} : memref<128xf32, #tpu.memory_space<vmem>>, vector<16xf32>,
    %broadcast_in_dim3A_17 = arith.constant 1.000000e+00 : f32
    %broadcast_in_dim3A_18 = vector.broadcast %broadcast_in_dim3A_17 : f32 to vector<16xf32>
    %swap3A_19 = arith.constant 48 : index
    %swap3A_20 = tpu.vector_load %arg5[%swap3A_19] {strides = array<i32>} : memref<128xf32, #tpu.memory_space<vmem>>, vector<16xf32>,
    %swap3A_21 = vector.shape_cast %swap3A_20 : vector<16xf32> to vector<16xf32>
    %swap3A_22 = vector.shape_cast %broadcast_in_dim3A_18 : vector<16xf32> to vector<16xf32>
    tpu.vector_store %arg5[%swap3A_19], %swap3A_22 {strides = array<i32>} : memref<128xf32, #tpu.memory_space<vmem>>, vector<16xf32>,
    %broadcast_in_dim3A_23 = arith.constant 1.000000e+00 : f32
    %broadcast_in_dim3A_24 = vector.broadcast %broadcast_in_dim3A_23 : f32 to vector<16xf32>
    %swap3A_25 = arith.constant 64 : index
    %swap3A_26 = tpu.vector_load %arg5[%swap3A_25] {strides = array<i32>} : memref<128xf32, #tpu.memory_space<vmem>>, vector<16xf32>,
    %swap3A_27 = vector.shape_cast %swap3A_26 : vector<16xf32> to vector<16xf32>
    %swap3A_28 = vector.shape_cast %broadcast_in_dim3A_24 : vector<16xf32> to vector<16xf32>
    tpu.vector_store %arg5[%swap3A_25], %swap3A_28 {strides = array<i32>} : memref<128xf32, #tpu.memory_space<vmem>>, vector<16xf32>,
    %broadcast_in_dim3A_29 = arith.constant 1.000000e+00 : f32
    %broadcast_in_dim3A_30 = vector.broadcast %broadcast_in_dim3A_29 : f32 to vector<16xf32>
    %swap3A_31 = arith.constant 80 : index
    %swap3A_32 = tpu.vector_load %arg5[%swap3A_31] {strides = array<i32>} : memref<128xf32, #tpu.memory_space<vmem>>, vector<16xf32>,
    %swap3A_33 = vector.shape_cast %swap3A_32 : vector<16xf32> to vector<16xf32>
    %swap3A_34 = vector.shape_cast %broadcast_in_dim3A_30 : vector<16xf32> to vector<16xf32>
    tpu.vector_store %arg5[%swap3A_31], %swap3A_34 {strides = array<i32>} : memref<128xf32, #tpu.memory_space<vmem>>, vector<16xf32>,
    %broadcast_in_dim3A_35 = arith.constant 1.000000e+00 : f32
    %broadcast_in_dim3A_36 = vector.broadcast %broadcast_in_dim3A_35 : f32 to vector<16xf32>
    %swap3A_37 = arith.constant 96 : index
    %swap3A_38 = tpu.vector_load %arg5[%swap3A_37] {strides = array<i32>} : memref<128xf32, #tpu.memory_space<vmem>>, vector<16xf32>,
    %swap3A_39 = vector.shape_cast %swap3A_38 : vector<16xf32> to vector<16xf32>
    %swap3A_40 = vector.shape_cast %broadcast_in_dim3A_36 : vector<16xf32> to vector<16xf32>
    tpu.vector_store %arg5[%swap3A_37], %swap3A_40 {strides = array<i32>} : memref<128xf32, #tpu.memory_space<vmem>>, vector<16xf32>,
    %broadcast_in_dim3A_41 = arith.constant 1.000000e+00 : f32
    %broadcast_in_dim3A_42 = vector.broadcast %broadcast_in_dim3A_41 : f32 to vector<16xf32>
    %swap3A_43 = arith.constant 112 : index
    %swap3A_44 = tpu.vector_load %arg5[%swap3A_43] {strides = array<i32>} : memref<128xf32, #tpu.memory_space<vmem>>, vector<16xf32>,
    %swap3A_45 = vector.shape_cast %swap3A_44 : vector<16xf32> to vector<16xf32>
    %swap3A_46 = vector.shape_cast %broadcast_in_dim3A_42 : vector<16xf32> to vector<16xf32>
    tpu.vector_store %arg5[%swap3A_43], %swap3A_46 {strides = array<i32>} : memref<128xf32, #tpu.memory_space<vmem>>, vector<16xf32>,
    %broadcast_in_dim3A_47 = arith.constant 0.000000e+00 : f32
    %broadcast_in_dim3A_48 = vector.broadcast %broadcast_in_dim3A_47 : f32 to vector<16xf32>
    %swap3A_49 = arith.constant 0 : index
    %swap3A_50 = tpu.vector_load %arg6[%swap3A_49] {strides = array<i32>} : memref<640xf32, #tpu.memory_space<vmem>>, vector<16xf32>,
    %swap3A_51 = vector.shape_cast %swap3A_50 : vector<16xf32> to vector<16xf32>
    %swap3A_52 = vector.shape_cast %broadcast_in_dim3A_48 : vector<16xf32> to vector<16xf32>
    tpu.vector_store %arg6[%swap3A_49], %swap3A_52 {strides = array<i32>} : memref<640xf32, #tpu.memory_space<vmem>>, vector<16xf32>,
    %broadcast_in_dim3A_53 = arith.constant 0.000000e+00 : f32
    %broadcast_in_dim3A_54 = vector.broadcast %broadcast_in_dim3A_53 : f32 to vector<16xf32>
    %swap3A_55 = arith.constant 16 : index
    %swap3A_56 = tpu.vector_load %arg6[%swap3A_55] {strides = array<i32>} : memref<640xf32, #tpu.memory_space<vmem>>, vector<16xf32>,
    %swap3A_57 = vector.shape_cast %swap3A_56 : vector<16xf32> to vector<16xf32>
    %swap3A_58 = vector.shape_cast %broadcast_in_dim3A_54 : vector<16xf32> to vector<16xf32>
    tpu.vector_store %arg6[%swap3A_55], %swap3A_58 {strides = array<i32>} : memref<640xf32, #tpu.memory_space<vmem>>, vector<16xf32>,
    %broadcast_in_dim3A_59 = arith.constant 0.000000e+00 : f32
    %broadcast_in_dim3A_60 = vector.broadcast %broadcast_in_dim3A_59 : f32 to vector<16xf32>
    %swap3A_61 = arith.constant 32 : index
    %swap3A_62 = tpu.vector_load %arg6[%swap3A_61] {strides = array<i32>} : memref<640xf32, #tpu.memory_space<vmem>>, vector<16xf32>,
    %swap3A_63 = vector.shape_cast %swap3A_62 : vector<16xf32> to vector<16xf32>
    %swap3A_64 = vector.shape_cast %broadcast_in_dim3A_60 : vector<16xf32> to vector<16xf32>
    tpu.vector_store %arg6[%swap3A_61], %swap3A_64 {strides = array<i32>} : memref<640xf32, #tpu.memory_space<vmem>>, vector<16xf32>,
    %broadcast_in_dim3A_65 = arith.constant 0.000000e+00 : f32
    %broadcast_in_dim3A_66 = vector.broadcast %broadcast_in_dim3A_65 : f32 to vector<16xf32>
    %swap3A_67 = arith.constant 48 : index
    %swap3A_68 = tpu.vector_load %arg6[%swap3A_67] {strides = array<i32>} : memref<640xf32, #tpu.memory_space<vmem>>, vector<16xf32>,
    %swap3A_69 = vector.shape_cast %swap3A_68 : vector<16xf32> to vector<16xf32>
    %swap3A_70 = vector.shape_cast %broadcast_in_dim3A_66 : vector<16xf32> to vector<16xf32>
    tpu.vector_store %arg6[%swap3A_67], %swap3A_70 {strides = array<i32>} : memref<640xf32, #tpu.memory_space<vmem>>, vector<16xf32>,
    %broadcast_in_dim3A_71 = arith.constant 0.000000e+00 : f32
    %broadcast_in_dim3A_72 = vector.broadcast %broadcast_in_dim3A_71 : f32 to vector<16xf32>
    %swap3A_73 = arith.constant 64 : index
    %swap3A_74 = tpu.vector_load %arg6[%swap3A_73] {strides = array<i32>} : memref<640xf32, #tpu.memory_space<vmem>>, vector<16xf32>,
    %swap3A_75 = vector.shape_cast %swap3A_74 : vector<16xf32> to vector<16xf32>
    %swap3A_76 = vector.shape_cast %broadcast_in_dim3A_72 : vector<16xf32> to vector<16xf32>
    tpu.vector_store %arg6[%swap3A_73], %swap3A_76 {strides = array<i32>} : memref<640xf32, #tpu.memory_space<vmem>>, vector<16xf32>,
    %broadcast_in_dim3A_77 = arith.constant 0.000000e+00 : f32
    %broadcast_in_dim3A_78 = vector.broadcast %broadcast_in_dim3A_77 : f32 to vector<16xf32>
    %swap3A_79 = arith.constant 80 : index
    %swap3A_80 = tpu.vector_load %arg6[%swap3A_79] {strides = array<i32>} : memref<640xf32, #tpu.memory_space<vmem>>, vector<16xf32>,
    %swap3A_81 = vector.shape_cast %swap3A_80 : vector<16xf32> to vector<16xf32>
    %swap3A_82 = vector.shape_cast %broadcast_in_dim3A_78 : vector<16xf32> to vector<16xf32>
    tpu.vector_store %arg6[%swap3A_79], %swap3A_82 {strides = array<i32>} : memref<640xf32, #tpu.memory_space<vmem>>, vector<16xf32>,
    %broadcast_in_dim3A_83 = arith.constant 0.000000e+00 : f32
    %broadcast_in_dim3A_84 = vector.broadcast %broadcast_in_dim3A_83 : f32 to vector<16xf32>
    %swap3A_85 = arith.constant 96 : index
    %swap3A_86 = tpu.vector_load %arg6[%swap3A_85] {strides = array<i32>} : memref<640xf32, #tpu.memory_space<vmem>>, vector<16xf32>,
    %swap3A_87 = vector.shape_cast %swap3A_86 : vector<16xf32> to vector<16xf32>
    %swap3A_88 = vector.shape_cast %broadcast_in_dim3A_84 : vector<16xf32> to vector<16xf32>
    tpu.vector_store %arg6[%swap3A_85], %swap3A_88 {strides = array<i32>} : memref<640xf32, #tpu.memory_space<vmem>>, vector<16xf32>,
    %broadcast_in_dim3A_89 = arith.constant 0.000000e+00 : f32
    %broadcast_in_dim3A_90 = vector.broadcast %broadcast_in_dim3A_89 : f32 to vector<16xf32>
    %swap3A_91 = arith.constant 112 : index
    %swap3A_92 = tpu.vector_load %arg6[%swap3A_91] {strides = array<i32>} : memref<640xf32, #tpu.memory_space<vmem>>, vector<16xf32>,
    %swap3A_93 = vector.shape_cast %swap3A_92 : vector<16xf32> to vector<16xf32>
    %swap3A_94 = vector.shape_cast %broadcast_in_dim3A_90 : vector<16xf32> to vector<16xf32>
    tpu.vector_store %arg6[%swap3A_91], %swap3A_94 {strides = array<i32>} : memref<640xf32, #tpu.memory_space<vmem>>, vector<16xf32>,
    %broadcast_in_dim3A_95 = arith.constant 0.000000e+00 : f32
    %broadcast_in_dim3A_96 = vector.broadcast %broadcast_in_dim3A_95 : f32 to vector<16xf32>
    %swap3A_97 = arith.constant 128 : index
    %swap3A_98 = tpu.vector_load %arg6[%swap3A_97] {strides = array<i32>} : memref<640xf32, #tpu.memory_space<vmem>>, vector<16xf32>,
    %swap3A_99 = vector.shape_cast %swap3A_98 : vector<16xf32> to vector<16xf32>
    %swap3A_100 = vector.shape_cast %broadcast_in_dim3A_96 : vector<16xf32> to vector<16xf32>
    tpu.vector_store %arg6[%swap3A_97], %swap3A_100 {strides = array<i32>} : memref<640xf32, #tpu.memory_space<vmem>>, vector<16xf32>,
    %broadcast_in_dim3A_101 = arith.constant 0.000000e+00 : f32
    %broadcast_in_dim3A_102 = vector.broadcast %broadcast_in_dim3A_101 : f32 to vector<16xf32>
    %swap3A_103 = arith.constant 144 : index
    %swap3A_104 = tpu.vector_load %arg6[%swap3A_103] {strides = array<i32>} : memref<640xf32, #tpu.memory_space<vmem>>, vector<16xf32>,
    %swap3A_105 = vector.shape_cast %swap3A_104 : vector<16xf32> to vector<16xf32>
    %swap3A_106 = vector.shape_cast %broadcast_in_dim3A_102 : vector<16xf32> to vector<16xf32>
    tpu.vector_store %arg6[%swap3A_103], %swap3A_106 {strides = array<i32>} : memref<640xf32, #tpu.memory_space<vmem>>, vector<16xf32>,
    %broadcast_in_dim3A_107 = arith.constant 0.000000e+00 : f32
    %broadcast_in_dim3A_108 = vector.broadcast %broadcast_in_dim3A_107 : f32 to vector<16xf32>
    %swap3A_109 = arith.constant 160 : index
    %swap3A_110 = tpu.vector_load %arg6[%swap3A_109] {strides = array<i32>} : memref<640xf32, #tpu.memory_space<vmem>>, vector<16xf32>,
    %swap3A_111 = vector.shape_cast %swap3A_110 : vector<16xf32> to vector<16xf32>
    %swap3A_112 = vector.shape_cast %broadcast_in_dim3A_108 : vector<16xf32> to vector<16xf32>
    tpu.vector_store %arg6[%swap3A_109], %swap3A_112 {strides = array<i32>} : memref<640xf32, #tpu.memory_space<vmem>>, vector<16xf32>,
    %broadcast_in_dim3A_113 = arith.constant 0.000000e+00 : f32
    %broadcast_in_dim3A_114 = vector.broadcast %broadcast_in_dim3A_113 : f32 to vector<16xf32>
    %swap3A_115 = arith.constant 176 : index
    %swap3A_116 = tpu.vector_load %arg6[%swap3A_115] {strides = array<i32>} : memref<640xf32, #tpu.memory_space<vmem>>, vector<16xf32>,
    %swap3A_117 = vector.shape_cast %swap3A_116 : vector<16xf32> to vector<16xf32>
    %swap3A_118 = vector.shape_cast %broadcast_in_dim3A_114 : vector<16xf32> to vector<16xf32>
    tpu.vector_store %arg6[%swap3A_115], %swap3A_118 {strides = array<i32>} : memref<640xf32, #tpu.memory_space<vmem>>, vector<16xf32>,
    %broadcast_in_dim3A_119 = arith.constant 0.000000e+00 : f32
    %broadcast_in_dim3A_120 = vector.broadcast %broadcast_in_dim3A_119 : f32 to vector<16xf32>
    %swap3A_121 = arith.constant 192 : index
    %swap3A_122 = tpu.vector_load %arg6[%swap3A_121] {strides = array<i32>} : memref<640xf32, #tpu.memory_space<vmem>>, vector<16xf32>,
    %swap3A_123 = vector.shape_cast %swap3A_122 : vector<16xf32> to vector<16xf32>
    %swap3A_124 = vector.shape_cast %broadcast_in_dim3A_120 : vector<16xf32> to vector<16xf32>
    tpu.vector_store %arg6[%swap3A_121], %swap3A_124 {strides = array<i32>} : memref<640xf32, #tpu.memory_space<vmem>>, vector<16xf32>,
    %broadcast_in_dim3A_125 = arith.constant 0.000000e+00 : f32
    %broadcast_in_dim3A_126 = vector.broadcast %broadcast_in_dim3A_125 : f32 to vector<16xf32>
    %swap3A_127 = arith.constant 208 : index
    %swap3A_128 = tpu.vector_load %arg6[%swap3A_127] {strides = array<i32>} : memref<640xf32, #tpu.memory_space<vmem>>, vector<16xf32>,
    %swap3A_129 = vector.shape_cast %swap3A_128 : vector<16xf32> to vector<16xf32>
    %swap3A_130 = vector.shape_cast %broadcast_in_dim3A_126 : vector<16xf32> to vector<16xf32>
    tpu.vector_store %arg6[%swap3A_127], %swap3A_130 {strides = array<i32>} : memref<640xf32, #tpu.memory_space<vmem>>, vector<16xf32>,
    %broadcast_in_dim3A_131 = arith.constant 0.000000e+00 : f32
    %broadcast_in_dim3A_132 = vector.broadcast %broadcast_in_dim3A_131 : f32 to vector<16xf32>
    %swap3A_133 = arith.constant 224 : index
    %swap3A_134 = tpu.vector_load %arg6[%swap3A_133] {strides = array<i32>} : memref<640xf32, #tpu.memory_space<vmem>>, vector<16xf32>,
    %swap3A_135 = vector.shape_cast %swap3A_134 : vector<16xf32> to vector<16xf32>
    %swap3A_136 = vector.shape_cast %broadcast_in_dim3A_132 : vector<16xf32> to vector<16xf32>
    tpu.vector_store %arg6[%swap3A_133], %swap3A_136 {strides = array<i32>} : memref<640xf32, #tpu.memory_space<vmem>>, vector<16xf32>,
    %broadcast_in_dim3A_137 = arith.constant 0.000000e+00 : f32
    %broadcast_in_dim3A_138 = vector.broadcast %broadcast_in_dim3A_137 : f32 to vector<16xf32>
    %swap3A_139 = arith.constant 240 : index
    %swap3A_140 = tpu.vector_load %arg6[%swap3A_139] {strides = array<i32>} : memref<640xf32, #tpu.memory_space<vmem>>, vector<16xf32>,
    %swap3A_141 = vector.shape_cast %swap3A_140 : vector<16xf32> to vector<16xf32>
    %swap3A_142 = vector.shape_cast %broadcast_in_dim3A_138 : vector<16xf32> to vector<16xf32>
    tpu.vector_store %arg6[%swap3A_139], %swap3A_142 {strides = array<i32>} : memref<640xf32, #tpu.memory_space<vmem>>, vector<16xf32>,
    %broadcast_in_dim3A_143 = arith.constant 0.000000e+00 : f32
    %broadcast_in_dim3A_144 = vector.broadcast %broadcast_in_dim3A_143 : f32 to vector<16xf32>
    %swap3A_145 = arith.constant 256 : index
    %swap3A_146 = tpu.vector_load %arg6[%swap3A_145] {strides = array<i32>} : memref<640xf32, #tpu.memory_space<vmem>>, vector<16xf32>,
    %swap3A_147 = vector.shape_cast %swap3A_146 : vector<16xf32> to vector<16xf32>
    %swap3A_148 = vector.shape_cast %broadcast_in_dim3A_144 : vector<16xf32> to vector<16xf32>
    tpu.vector_store %arg6[%swap3A_145], %swap3A_148 {strides = array<i32>} : memref<640xf32, #tpu.memory_space<vmem>>, vector<16xf32>,
    %broadcast_in_dim3A_149 = arith.constant 0.000000e+00 : f32
    %broadcast_in_dim3A_150 = vector.broadcast %broadcast_in_dim3A_149 : f32 to vector<16xf32>
    %swap3A_151 = arith.constant 272 : index
    %swap3A_152 = tpu.vector_load %arg6[%swap3A_151] {strides = array<i32>} : memref<640xf32, #tpu.memory_space<vmem>>, vector<16xf32>,
    %swap3A_153 = vector.shape_cast %swap3A_152 : vector<16xf32> to vector<16xf32>
    %swap3A_154 = vector.shape_cast %broadcast_in_dim3A_150 : vector<16xf32> to vector<16xf32>
    tpu.vector_store %arg6[%swap3A_151], %swap3A_154 {strides = array<i32>} : memref<640xf32, #tpu.memory_space<vmem>>, vector<16xf32>,
    %broadcast_in_dim3A_155 = arith.constant 0.000000e+00 : f32
    %broadcast_in_dim3A_156 = vector.broadcast %broadcast_in_dim3A_155 : f32 to vector<16xf32>
    %swap3A_157 = arith.constant 288 : index
    %swap3A_158 = tpu.vector_load %arg6[%swap3A_157] {strides = array<i32>} : memref<640xf32, #tpu.memory_space<vmem>>, vector<16xf32>,
    %swap3A_159 = vector.shape_cast %swap3A_158 : vector<16xf32> to vector<16xf32>
    %swap3A_160 = vector.shape_cast %broadcast_in_dim3A_156 : vector<16xf32> to vector<16xf32>
    tpu.vector_store %arg6[%swap3A_157], %swap3A_160 {strides = array<i32>} : memref<640xf32, #tpu.memory_space<vmem>>, vector<16xf32>,
    %broadcast_in_dim3A_161 = arith.constant 0.000000e+00 : f32
    %broadcast_in_dim3A_162 = vector.broadcast %broadcast_in_dim3A_161 : f32 to vector<16xf32>
    %swap3A_163 = arith.constant 304 : index
    %swap3A_164 = tpu.vector_load %arg6[%swap3A_163] {strides = array<i32>} : memref<640xf32, #tpu.memory_space<vmem>>, vector<16xf32>,
    %swap3A_165 = vector.shape_cast %swap3A_164 : vector<16xf32> to vector<16xf32>
    %swap3A_166 = vector.shape_cast %broadcast_in_dim3A_162 : vector<16xf32> to vector<16xf32>
    tpu.vector_store %arg6[%swap3A_163], %swap3A_166 {strides = array<i32>} : memref<640xf32, #tpu.memory_space<vmem>>, vector<16xf32>,
    %broadcast_in_dim3A_167 = arith.constant 0.000000e+00 : f32
    %broadcast_in_dim3A_168 = vector.broadcast %broadcast_in_dim3A_167 : f32 to vector<16xf32>
    %swap3A_169 = arith.constant 320 : index
    %swap3A_170 = tpu.vector_load %arg6[%swap3A_169] {strides = array<i32>} : memref<640xf32, #tpu.memory_space<vmem>>, vector<16xf32>,
    %swap3A_171 = vector.shape_cast %swap3A_170 : vector<16xf32> to vector<16xf32>
    %swap3A_172 = vector.shape_cast %broadcast_in_dim3A_168 : vector<16xf32> to vector<16xf32>
    tpu.vector_store %arg6[%swap3A_169], %swap3A_172 {strides = array<i32>} : memref<640xf32, #tpu.memory_space<vmem>>, vector<16xf32>,
    %broadcast_in_dim3A_173 = arith.constant 0.000000e+00 : f32
    %broadcast_in_dim3A_174 = vector.broadcast %broadcast_in_dim3A_173 : f32 to vector<16xf32>
    %swap3A_175 = arith.constant 336 : index
    %swap3A_176 = tpu.vector_load %arg6[%swap3A_175] {strides = array<i32>} : memref<640xf32, #tpu.memory_space<vmem>>, vector<16xf32>,
    %swap3A_177 = vector.shape_cast %swap3A_176 : vector<16xf32> to vector<16xf32>
    %swap3A_178 = vector.shape_cast %broadcast_in_dim3A_174 : vector<16xf32> to vector<16xf32>
    tpu.vector_store %arg6[%swap3A_175], %swap3A_178 {strides = array<i32>} : memref<640xf32, #tpu.memory_space<vmem>>, vector<16xf32>,
    %broadcast_in_dim3A_179 = arith.constant 0.000000e+00 : f32
    %broadcast_in_dim3A_180 = vector.broadcast %broadcast_in_dim3A_179 : f32 to vector<16xf32>
    %swap3A_181 = arith.constant 352 : index
    %swap3A_182 = tpu.vector_load %arg6[%swap3A_181] {strides = array<i32>} : memref<640xf32, #tpu.memory_space<vmem>>, vector<16xf32>,
    %swap3A_183 = vector.shape_cast %swap3A_182 : vector<16xf32> to vector<16xf32>
    %swap3A_184 = vector.shape_cast %broadcast_in_dim3A_180 : vector<16xf32> to vector<16xf32>
    tpu.vector_store %arg6[%swap3A_181], %swap3A_184 {strides = array<i32>} : memref<640xf32, #tpu.memory_space<vmem>>, vector<16xf32>,
    %broadcast_in_dim3A_185 = arith.constant 0.000000e+00 : f32
    %broadcast_in_dim3A_186 = vector.broadcast %broadcast_in_dim3A_185 : f32 to vector<16xf32>
    %swap3A_187 = arith.constant 368 : index
    %swap3A_188 = tpu.vector_load %arg6[%swap3A_187] {strides = array<i32>} : memref<640xf32, #tpu.memory_space<vmem>>, vector<16xf32>,
    %swap3A_189 = vector.shape_cast %swap3A_188 : vector<16xf32> to vector<16xf32>
    %swap3A_190 = vector.shape_cast %broadcast_in_dim3A_186 : vector<16xf32> to vector<16xf32>
    tpu.vector_store %arg6[%swap3A_187], %swap3A_190 {strides = array<i32>} : memref<640xf32, #tpu.memory_space<vmem>>, vector<16xf32>,
    %broadcast_in_dim3A_191 = arith.constant 0.000000e+00 : f32
    %broadcast_in_dim3A_192 = vector.broadcast %broadcast_in_dim3A_191 : f32 to vector<16xf32>
    %swap3A_193 = arith.constant 384 : index
    %swap3A_194 = tpu.vector_load %arg6[%swap3A_193] {strides = array<i32>} : memref<640xf32, #tpu.memory_space<vmem>>, vector<16xf32>,
    %swap3A_195 = vector.shape_cast %swap3A_194 : vector<16xf32> to vector<16xf32>
    %swap3A_196 = vector.shape_cast %broadcast_in_dim3A_192 : vector<16xf32> to vector<16xf32>
    tpu.vector_store %arg6[%swap3A_193], %swap3A_196 {strides = array<i32>} : memref<640xf32, #tpu.memory_space<vmem>>, vector<16xf32>,
    %broadcast_in_dim3A_197 = arith.constant 0.000000e+00 : f32
    %broadcast_in_dim3A_198 = vector.broadcast %broadcast_in_dim3A_197 : f32 to vector<16xf32>
    %swap3A_199 = arith.constant 400 : index
    %swap3A_200 = tpu.vector_load %arg6[%swap3A_199] {strides = array<i32>} : memref<640xf32, #tpu.memory_space<vmem>>, vector<16xf32>,
    %swap3A_201 = vector.shape_cast %swap3A_200 : vector<16xf32> to vector<16xf32>
    %swap3A_202 = vector.shape_cast %broadcast_in_dim3A_198 : vector<16xf32> to vector<16xf32>
    tpu.vector_store %arg6[%swap3A_199], %swap3A_202 {strides = array<i32>} : memref<640xf32, #tpu.memory_space<vmem>>, vector<16xf32>,
    %broadcast_in_dim3A_203 = arith.constant 0.000000e+00 : f32
    %broadcast_in_dim3A_204 = vector.broadcast %broadcast_in_dim3A_203 : f32 to vector<16xf32>
    %swap3A_205 = arith.constant 416 : index
    %swap3A_206 = tpu.vector_load %arg6[%swap3A_205] {strides = array<i32>} : memref<640xf32, #tpu.memory_space<vmem>>, vector<16xf32>,
    %swap3A_207 = vector.shape_cast %swap3A_206 : vector<16xf32> to vector<16xf32>
    %swap3A_208 = vector.shape_cast %broadcast_in_dim3A_204 : vector<16xf32> to vector<16xf32>
    tpu.vector_store %arg6[%swap3A_205], %swap3A_208 {strides = array<i32>} : memref<640xf32, #tpu.memory_space<vmem>>, vector<16xf32>,
    %broadcast_in_dim3A_209 = arith.constant 0.000000e+00 : f32
    %broadcast_in_dim3A_210 = vector.broadcast %broadcast_in_dim3A_209 : f32 to vector<16xf32>
    %swap3A_211 = arith.constant 432 : index
    %swap3A_212 = tpu.vector_load %arg6[%swap3A_211] {strides = array<i32>} : memref<640xf32, #tpu.memory_space<vmem>>, vector<16xf32>,
    %swap3A_213 = vector.shape_cast %swap3A_212 : vector<16xf32> to vector<16xf32>
    %swap3A_214 = vector.shape_cast %broadcast_in_dim3A_210 : vector<16xf32> to vector<16xf32>
    tpu.vector_store %arg6[%swap3A_211], %swap3A_214 {strides = array<i32>} : memref<640xf32, #tpu.memory_space<vmem>>, vector<16xf32>,
    %broadcast_in_dim3A_215 = arith.constant 0.000000e+00 : f32
    %broadcast_in_dim3A_216 = vector.broadcast %broadcast_in_dim3A_215 : f32 to vector<16xf32>
    %swap3A_217 = arith.constant 448 : index
    %swap3A_218 = tpu.vector_load %arg6[%swap3A_217] {strides = array<i32>} : memref<640xf32, #tpu.memory_space<vmem>>, vector<16xf32>,
    %swap3A_219 = vector.shape_cast %swap3A_218 : vector<16xf32> to vector<16xf32>
    %swap3A_220 = vector.shape_cast %broadcast_in_dim3A_216 : vector<16xf32> to vector<16xf32>
    tpu.vector_store %arg6[%swap3A_217], %swap3A_220 {strides = array<i32>} : memref<640xf32, #tpu.memory_space<vmem>>, vector<16xf32>,
    %broadcast_in_dim3A_221 = arith.constant 0.000000e+00 : f32
    %broadcast_in_dim3A_222 = vector.broadcast %broadcast_in_dim3A_221 : f32 to vector<16xf32>
    %swap3A_223 = arith.constant 464 : index
    %swap3A_224 = tpu.vector_load %arg6[%swap3A_223] {strides = array<i32>} : memref<640xf32, #tpu.memory_space<vmem>>, vector<16xf32>,
    %swap3A_225 = vector.shape_cast %swap3A_224 : vector<16xf32> to vector<16xf32>
    %swap3A_226 = vector.shape_cast %broadcast_in_dim3A_222 : vector<16xf32> to vector<16xf32>
    tpu.vector_store %arg6[%swap3A_223], %swap3A_226 {strides = array<i32>} : memref<640xf32, #tpu.memory_space<vmem>>, vector<16xf32>,
    %broadcast_in_dim3A_227 = arith.constant 0.000000e+00 : f32
    %broadcast_in_dim3A_228 = vector.broadcast %broadcast_in_dim3A_227 : f32 to vector<16xf32>
    %swap3A_229 = arith.constant 480 : index
    %swap3A_230 = tpu.vector_load %arg6[%swap3A_229] {strides = array<i32>} : memref<640xf32, #tpu.memory_space<vmem>>, vector<16xf32>,
    %swap3A_231 = vector.shape_cast %swap3A_230 : vector<16xf32> to vector<16xf32>
    %swap3A_232 = vector.shape_cast %broadcast_in_dim3A_228 : vector<16xf32> to vector<16xf32>
    tpu.vector_store %arg6[%swap3A_229], %swap3A_232 {strides = array<i32>} : memref<640xf32, #tpu.memory_space<vmem>>, vector<16xf32>,
    %broadcast_in_dim3A_233 = arith.constant 0.000000e+00 : f32
    %broadcast_in_dim3A_234 = vector.broadcast %broadcast_in_dim3A_233 : f32 to vector<16xf32>
    %swap3A_235 = arith.constant 496 : index
    %swap3A_236 = tpu.vector_load %arg6[%swap3A_235] {strides = array<i32>} : memref<640xf32, #tpu.memory_space<vmem>>, vector<16xf32>,
    %swap3A_237 = vector.shape_cast %swap3A_236 : vector<16xf32> to vector<16xf32>
    %swap3A_238 = vector.shape_cast %broadcast_in_dim3A_234 : vector<16xf32> to vector<16xf32>
    tpu.vector_store %arg6[%swap3A_235], %swap3A_238 {strides = array<i32>} : memref<640xf32, #tpu.memory_space<vmem>>, vector<16xf32>,
    %broadcast_in_dim3A_239 = arith.constant 0.000000e+00 : f32
    %broadcast_in_dim3A_240 = vector.broadcast %broadcast_in_dim3A_239 : f32 to vector<16xf32>
    %swap3A_241 = arith.constant 512 : index
    %swap3A_242 = tpu.vector_load %arg6[%swap3A_241] {strides = array<i32>} : memref<640xf32, #tpu.memory_space<vmem>>, vector<16xf32>,
    %swap3A_243 = vector.shape_cast %swap3A_242 : vector<16xf32> to vector<16xf32>
    %swap3A_244 = vector.shape_cast %broadcast_in_dim3A_240 : vector<16xf32> to vector<16xf32>
    tpu.vector_store %arg6[%swap3A_241], %swap3A_244 {strides = array<i32>} : memref<640xf32, #tpu.memory_space<vmem>>, vector<16xf32>,
    %broadcast_in_dim3A_245 = arith.constant 0.000000e+00 : f32
    %broadcast_in_dim3A_246 = vector.broadcast %broadcast_in_dim3A_245 : f32 to vector<16xf32>
    %swap3A_247 = arith.constant 528 : index
    %swap3A_248 = tpu.vector_load %arg6[%swap3A_247] {strides = array<i32>} : memref<640xf32, #tpu.memory_space<vmem>>, vector<16xf32>,
    %swap3A_249 = vector.shape_cast %swap3A_248 : vector<16xf32> to vector<16xf32>
    %swap3A_250 = vector.shape_cast %broadcast_in_dim3A_246 : vector<16xf32> to vector<16xf32>
    tpu.vector_store %arg6[%swap3A_247], %swap3A_250 {strides = array<i32>} : memref<640xf32, #tpu.memory_space<vmem>>, vector<16xf32>,
    %broadcast_in_dim3A_251 = arith.constant 0.000000e+00 : f32
    %broadcast_in_dim3A_252 = vector.broadcast %broadcast_in_dim3A_251 : f32 to vector<16xf32>
    %swap3A_253 = arith.constant 544 : index
    %swap3A_254 = tpu.vector_load %arg6[%swap3A_253] {strides = array<i32>} : memref<640xf32, #tpu.memory_space<vmem>>, vector<16xf32>,
    %swap3A_255 = vector.shape_cast %swap3A_254 : vector<16xf32> to vector<16xf32>
    %swap3A_256 = vector.shape_cast %broadcast_in_dim3A_252 : vector<16xf32> to vector<16xf32>
    tpu.vector_store %arg6[%swap3A_253], %swap3A_256 {strides = array<i32>} : memref<640xf32, #tpu.memory_space<vmem>>, vector<16xf32>,
    %broadcast_in_dim3A_257 = arith.constant 0.000000e+00 : f32
    %broadcast_in_dim3A_258 = vector.broadcast %broadcast_in_dim3A_257 : f32 to vector<16xf32>
    %swap3A_259 = arith.constant 560 : index
    %swap3A_260 = tpu.vector_load %arg6[%swap3A_259] {strides = array<i32>} : memref<640xf32, #tpu.memory_space<vmem>>, vector<16xf32>,
    %swap3A_261 = vector.shape_cast %swap3A_260 : vector<16xf32> to vector<16xf32>
    %swap3A_262 = vector.shape_cast %broadcast_in_dim3A_258 : vector<16xf32> to vector<16xf32>
    tpu.vector_store %arg6[%swap3A_259], %swap3A_262 {strides = array<i32>} : memref<640xf32, #tpu.memory_space<vmem>>, vector<16xf32>,
    %broadcast_in_dim3A_263 = arith.constant 0.000000e+00 : f32
    %broadcast_in_dim3A_264 = vector.broadcast %broadcast_in_dim3A_263 : f32 to vector<16xf32>
    %swap3A_265 = arith.constant 576 : index
    %swap3A_266 = tpu.vector_load %arg6[%swap3A_265] {strides = array<i32>} : memref<640xf32, #tpu.memory_space<vmem>>, vector<16xf32>,
    %swap3A_267 = vector.shape_cast %swap3A_266 : vector<16xf32> to vector<16xf32>
    %swap3A_268 = vector.shape_cast %broadcast_in_dim3A_264 : vector<16xf32> to vector<16xf32>
    tpu.vector_store %arg6[%swap3A_265], %swap3A_268 {strides = array<i32>} : memref<640xf32, #tpu.memory_space<vmem>>, vector<16xf32>,
    %broadcast_in_dim3A_269 = arith.constant 0.000000e+00 : f32
    %broadcast_in_dim3A_270 = vector.broadcast %broadcast_in_dim3A_269 : f32 to vector<16xf32>
    %swap3A_271 = arith.constant 592 : index
    %swap3A_272 = tpu.vector_load %arg6[%swap3A_271] {strides = array<i32>} : memref<640xf32, #tpu.memory_space<vmem>>, vector<16xf32>,
    %swap3A_273 = vector.shape_cast %swap3A_272 : vector<16xf32> to vector<16xf32>
    %swap3A_274 = vector.shape_cast %broadcast_in_dim3A_270 : vector<16xf32> to vector<16xf32>
    tpu.vector_store %arg6[%swap3A_271], %swap3A_274 {strides = array<i32>} : memref<640xf32, #tpu.memory_space<vmem>>, vector<16xf32>,
    %broadcast_in_dim3A_275 = arith.constant 0.000000e+00 : f32
    %broadcast_in_dim3A_276 = vector.broadcast %broadcast_in_dim3A_275 : f32 to vector<16xf32>
    %swap3A_277 = arith.constant 608 : index
    %swap3A_278 = tpu.vector_load %arg6[%swap3A_277] {strides = array<i32>} : memref<640xf32, #tpu.memory_space<vmem>>, vector<16xf32>,
    %swap3A_279 = vector.shape_cast %swap3A_278 : vector<16xf32> to vector<16xf32>
    %swap3A_280 = vector.shape_cast %broadcast_in_dim3A_276 : vector<16xf32> to vector<16xf32>
    tpu.vector_store %arg6[%swap3A_277], %swap3A_280 {strides = array<i32>} : memref<640xf32, #tpu.memory_space<vmem>>, vector<16xf32>,
    %broadcast_in_dim3A_281 = arith.constant 0.000000e+00 : f32
    %broadcast_in_dim3A_282 = vector.broadcast %broadcast_in_dim3A_281 : f32 to vector<16xf32>
    %swap3A_283 = arith.constant 624 : index
    %swap3A_284 = tpu.vector_load %arg6[%swap3A_283] {strides = array<i32>} : memref<640xf32, #tpu.memory_space<vmem>>, vector<16xf32>,
    %swap3A_285 = vector.shape_cast %swap3A_284 : vector<16xf32> to vector<16xf32>
    %swap3A_286 = vector.shape_cast %broadcast_in_dim3A_282 : vector<16xf32> to vector<16xf32>
    tpu.vector_store %arg6[%swap3A_283], %swap3A_286 {strides = array<i32>} : memref<640xf32, #tpu.memory_space<vmem>>, vector<16xf32>,
    %mul3A_287 = arith.constant 640 : i32
    %mul3A_288 = arith.muli %arg1, %mul3A_287 : i32
    "tpu.region"() ({
      %run_scoped3A = tpu.sem_alloc : memref<!tpu.dma_semaphore, #tpu.memory_space<semaphore_mem>>
      %dma_start3A = tpu.memref_slice %arg7[%mul3A_288] : memref<10240xf32, #tpu.memory_space<vmem_shared>> -> memref<640xf32, #tpu.memory_space<vmem_shared>>
      %dma_start3A_302 = tpu.memref_slice %arg7[%mul3A_288] : memref<10240xf32, #tpu.memory_space<vmem_shared>> -> memref<640xf32, #tpu.memory_space<vmem_shared>>
      tpu.enqueue_dma source(%arg6 : memref<640xf32, #tpu.memory_space<vmem>>) target(%dma_start3A_302 : memref<640xf32, #tpu.memory_space<vmem_shared>>) target_semaphore(%run_scoped3A : memref<!tpu.dma_semaphore, #tpu.memory_space<semaphore_mem>>)
      %dma_wait3A = tpu.memref_slice %arg7[%mul3A_288] : memref<10240xf32, #tpu.memory_space<vmem_shared>> -> memref<640xf32, #tpu.memory_space<vmem_shared>>
      %dma_wait3A_303 = tpu.memref_slice %arg7[%mul3A_288] : memref<10240xf32, #tpu.memory_space<vmem_shared>> -> memref<640xf32, #tpu.memory_space<vmem_shared>>
      tpu.wait_dma2 semaphore(%run_scoped3A : memref<!tpu.dma_semaphore, #tpu.memory_space<semaphore_mem>>) src(%arg6 : memref<640xf32, #tpu.memory_space<vmem>>) dst(%dma_wait3A_303 : memref<640xf32, #tpu.memory_space<vmem_shared>>)
      tpu.yield
    }) : () -> ()
    %barrier3A = arith.constant 0 : index
    tpu.barrier barrier_id(%barrier3A)
    %scan3A = arith.constant 0 : i32
    %scan3A_289 = arith.constant 0 : i32
    %scan3A_290 = arith.constant 80 : i32
    %scan3A_291 = arith.addi %scan3A_289, %scan3A_290 : i32
    %scan3A_292 = arith.constant 1 : i32
    scf.for %scan3A_302 = %scan3A_289 to %scan3A_291 step %scan3A_292  : i32 {
      "tpu.region"() ({
        %run_scoped3A = tpu.sem_alloc : memref<!tpu.dma_semaphore, #tpu.memory_space<semaphore_mem>>
        %dma_start3A = arith.constant 0 : i32
        %dma_start3A_303 = tpu.memref_slice %arg4[%scan3A_302, %dma_start3A] : memref<80x128xi32, #tpu.memory_space<vmem>> -> memref<1x128xi32, #tpu.memory_space<vmem>>
        %dma_start3A_304 = tpu.memref_squeeze %dma_start3A_303 : memref<1x128xi32, #tpu.memory_space<vmem>> -> memref<128xi32, #tpu.memory_space<vmem>>
        %dma_start3A_305 = arith.constant 0 : i32
        %dma_start3A_306 = tpu.memref_slice %arg7[%dma_start3A_305] : memref<10240xf32, #tpu.memory_space<vmem_shared>> -> memref<10240xf32, #tpu.memory_space<vmem_shared>>
        tpu.enqueue_indirect_dma source(%arg5 : memref<128xf32, #tpu.memory_space<vmem>>) target(%dma_start3A_306 : memref<10240xf32, #tpu.memory_space<vmem_shared>>) offsets(%dma_start3A_304 : memref<128xi32, #tpu.memory_space<vmem>>) semaphore(%run_scoped3A : memref<!tpu.dma_semaphore, #tpu.memory_space<semaphore_mem>>) {add = true}
        %dma_wait3A = arith.constant 0 : i32
        %dma_wait3A_307 = tpu.memref_slice %arg4[%scan3A_302, %dma_wait3A] : memref<80x128xi32, #tpu.memory_space<vmem>> -> memref<1x128xi32, #tpu.memory_space<vmem>>
        %dma_wait3A_308 = tpu.memref_squeeze %dma_wait3A_307 : memref<1x128xi32, #tpu.memory_space<vmem>> -> memref<128xi32, #tpu.memory_space<vmem>>
        %dma_wait3A_309 = arith.constant 0 : i32
        %dma_wait3A_310 = tpu.memref_slice %arg7[%dma_wait3A_309] : memref<10240xf32, #tpu.memory_space<vmem_shared>> -> memref<10240xf32, #tpu.memory_space<vmem_shared>>
        tpu.wait_indirect_dma semaphore(%run_scoped3A : memref<!tpu.dma_semaphore, #tpu.memory_space<semaphore_mem>>) src(%arg5 : memref<128xf32, #tpu.memory_space<vmem>>) dst(%dma_wait3A_310 : memref<10240xf32, #tpu.memory_space<vmem_shared>>)
        tpu.yield
      }) : () -> ()
    }
    %scan3A_293 = arith.constant 80 : i32
    %barrier3A_294 = arith.constant 0 : index
    tpu.barrier barrier_id(%barrier3A_294)
    %mul3A_295 = arith.constant 640 : i32
    %mul3A_296 = arith.muli %arg1, %mul3A_295 : i32
    %mul3A_297 = arith.constant 10240 : i32
    %mul3A_298 = arith.muli %arg0, %mul3A_297 : i32
    %mul3A_299 = arith.constant 640 : i32
    %mul3A_300 = arith.muli %arg1, %mul3A_299 : i32
    %add3A_301 = arith.addi %mul3A_298, %mul3A_300 : i32
    "tpu.region"() ({
      %run_scoped3A = tpu.sem_alloc : memref<!tpu.dma_semaphore, #tpu.memory_space<semaphore_mem>>
      %dma_start3A = tpu.memref_slice %arg3[%add3A_301] : memref<20480xf32, #tpu.memory_space<hbm>> -> memref<640xf32, #tpu.memory_space<hbm>>
      %dma_start3A_302 = tpu.memref_slice %arg7[%mul3A_296] : memref<10240xf32, #tpu.memory_space<vmem_shared>> -> memref<640xf32, #tpu.memory_space<vmem_shared>>
      tpu.enqueue_dma source(%dma_start3A_302 : memref<640xf32, #tpu.memory_space<vmem_shared>>) target(%dma_start3A : memref<640xf32, #tpu.memory_space<hbm>>) target_semaphore(%run_scoped3A : memref<!tpu.dma_semaphore, #tpu.memory_space<semaphore_mem>>)
      %dma_wait3A = tpu.memref_slice %arg3[%add3A_301] : memref<20480xf32, #tpu.memory_space<hbm>> -> memref<640xf32, #tpu.memory_space<hbm>>
      %dma_wait3A_303 = tpu.memref_slice %arg7[%mul3A_296] : memref<10240xf32, #tpu.memory_space<vmem_shared>> -> memref<640xf32, #tpu.memory_space<vmem_shared>>
      tpu.wait_dma2 semaphore(%run_scoped3A : memref<!tpu.dma_semaphore, #tpu.memory_space<semaphore_mem>>) src(%dma_wait3A_303 : memref<640xf32, #tpu.memory_space<vmem_shared>>) dst(%dma_wait3A : memref<640xf32, #tpu.memory_space<hbm>>)
      tpu.yield
    }) : () -> ()
    return
  }
}

#map = affine_map<(d0, d1) -> (0, 0)>
#map1 = affine_map<(d0, d1) -> (0, 0, 0)>
module attributes {stable_mosaic.version = 14 : i64} {
  func.func @_conv_body(%arg0: i32, %arg1: i32, %arg2: memref<10000x128xf32, #tpu.memory_space<hbm>>, %arg3: memref<32x80x128xi32, #tpu.memory_space<hbm>>, %arg4: memref<32x80x128xi32, #tpu.memory_space<hbm>>, %arg5: memref<2x10112x128xf32, #tpu.memory_space<hbm>>, %arg6: memref<40x128xi32, #tpu.memory_space<vmem>>, %arg7: memref<40x128xi32, #tpu.memory_space<vmem>>, %arg8: memref<128x128xf32, #tpu.memory_space<vmem>>, %arg9: memref<128x128xf32, #tpu.memory_space<vmem>>, %arg10: memref<10112x128xf32, #tpu.memory_space<vmem_shared>>, %arg11: memref<!tpu.dma_semaphore, #tpu.memory_space<semaphore_mem>>, %arg12: memref<!tpu.dma_semaphore, #tpu.memory_space<semaphore_mem>>) attributes {dimension_semantics = [#tpu.dimension_semantics<core_parallel>, #tpu.dimension_semantics<subcore_parallel>], iteration_bounds = array<i64: 2, 16>, scalar_prefetch = 0 : i64, scratch_operands = 7 : i64, tpu.core_type = #tpu.core_type<sc_vector_subcore>, window_params = [{transform_indices = #map}, {transform_indices = #map1}, {transform_indices = #map1}, {transform_indices = #map1}]} {
    %mul3A = arith.constant 16 : i32
    %mul3A_0 = arith.muli %arg0, %mul3A : i32
    %add3A = arith.addi %mul3A_0, %arg1 : i32
    %scan3A = arith.constant 0 : i32
    %scan3A_1 = arith.constant 0 : i32
    %scan3A_2 = arith.constant 1024 : i32
    %scan3A_3 = arith.addi %scan3A_1, %scan3A_2 : i32
    %scan3A_4 = arith.constant 1 : i32
    scf.for %scan3A_69 = %scan3A_1 to %scan3A_3 step %scan3A_4  : i32 {
      %broadcast_in_dim3A = arith.constant 0.000000e+00 : f32
      %broadcast_in_dim3A_70 = vector.broadcast %broadcast_in_dim3A : f32 to vector<16xf32>
      %jit3A = arith.constant 8 : i32
      %div3A = arith.divsi %scan3A_69, %jit3A : i32
      %sign3A = arith.constant 0 : i32
      %sign3A_71 = arith.cmpi sgt, %scan3A_69, %sign3A : i32
      %sign3A_72 = arith.extui %sign3A_71 : i1 to i32
      %sign3A_73 = arith.constant 0 : i32
      %sign3A_74 = arith.cmpi slt, %scan3A_69, %sign3A_73 : i32
      %sign3A_75 = arith.extui %sign3A_74 : i1 to i32
      %sign3A_76 = arith.subi %sign3A_72, %sign3A_75 : i32
      %sign3A_77 = arith.constant 0 : i32
      %sign3A_78 = arith.cmpi sgt, %jit3A, %sign3A_77 : i32
      %sign3A_79 = arith.extui %sign3A_78 : i1 to i32
      %sign3A_80 = arith.constant 0 : i32
      %sign3A_81 = arith.cmpi slt, %jit3A, %sign3A_80 : i32
      %sign3A_82 = arith.extui %sign3A_81 : i1 to i32
      %sign3A_83 = arith.subi %sign3A_79, %sign3A_82 : i32
      %ne3A = arith.cmpi ne, %sign3A_76, %sign3A_83 : i32
      %rem3A = arith.remsi %scan3A_69, %jit3A : i32
      %ne3A_84 = arith.constant 0 : i32
      %ne3A_85 = arith.cmpi ne, %rem3A, %ne3A_84 : i32
      %and3A = arith.andi %ne3A, %ne3A_85 : i1
      %sub3A = arith.constant 1 : i32
      %sub3A_86 = arith.subi %div3A, %sub3A : i32
      %select_n3A = arith.select %and3A, %sub3A_86, %div3A : i32
      %jit3A_87 = arith.constant 8 : i32
      %eq3A = arith.constant 0 : i32
      %eq3A_88 = arith.cmpi eq, %jit3A_87, %eq3A : i32
      %jit3A_89 = arith.constant 1 : i32
      %select_n3A_90 = arith.select %eq3A_88, %jit3A_89, %jit3A_87 : i32
      %rem3A_91 = arith.remsi %scan3A_69, %select_n3A_90 : i32
      %ne3A_92 = arith.constant 0 : i32
      %ne3A_93 = arith.cmpi ne, %rem3A_91, %ne3A_92 : i32
      %lt3A = arith.constant 0 : i32
      %lt3A_94 = arith.cmpi slt, %rem3A_91, %lt3A : i32
      %lt3A_95 = arith.constant 0 : i32
      %lt3A_96 = arith.cmpi slt, %select_n3A_90, %lt3A_95 : i32
      %ne3A_97 = arith.xori %lt3A_94, %lt3A_96 : i1
      %and3A_98 = arith.andi %ne3A_97, %ne3A_93 : i1
      %add3A_99 = arith.addi %rem3A_91, %select_n3A_90 : i32
      %select_n3A_100 = arith.select %and3A_98, %add3A_99, %rem3A_91 : i32
      %mul3A_101 = arith.constant 16 : i32
      %mul3A_102 = arith.muli %select_n3A_100, %mul3A_101 : i32
      %swap3A = arith.index_cast %select_n3A : i32 to index
      %swap3A_103 = arith.index_cast %mul3A_102 : i32 to index
      %swap3A_104 = tpu.vector_load %arg8[%swap3A, %swap3A_103] {strides = array<i32>} : memref<128x128xf32, #tpu.memory_space<vmem>>, vector<1x16xf32>,
      %swap3A_105 = vector.shape_cast %swap3A_104 : vector<1x16xf32> to vector<16xf32>
      %swap3A_106 = vector.shape_cast %broadcast_in_dim3A_70 : vector<16xf32> to vector<1x16xf32>
      tpu.vector_store %arg8[%swap3A, %swap3A_103], %swap3A_106 {strides = array<i32>} : memref<128x128xf32, #tpu.memory_space<vmem>>, vector<1x16xf32>,
    }
    %scan3A_5 = arith.constant 1024 : i32
    %mul3A_6 = arith.constant 632 : i32
    %mul3A_7 = arith.muli %arg1, %mul3A_6 : i32
    %add3A_8 = arith.constant 0 : i32
    %add3A_9 = arith.addi %mul3A_7, %add3A_8 : i32
    "tpu.region"() ({
      %run_scoped3A = tpu.sem_alloc : memref<!tpu.dma_semaphore, #tpu.memory_space<semaphore_mem>>
      %dma_start3A_69 = arith.constant 0 : i32
      %dma_start3A_70 = arith.constant 0 : i32
      %dma_start3A_71 = tpu.memref_slice %arg8[%dma_start3A_69, %dma_start3A_70] : memref<128x128xf32, #tpu.memory_space<vmem>> -> memref<128x128xf32, #tpu.memory_space<vmem>>
      %dma_start3A_72 = arith.constant 0 : i32
      %dma_start3A_73 = tpu.memref_slice %arg10[%add3A_9, %dma_start3A_72] : memref<10112x128xf32, #tpu.memory_space<vmem_shared>> -> memref<128x128xf32, #tpu.memory_space<vmem_shared>>
      %dma_start3A_74 = arith.constant 0 : i32
      %dma_start3A_75 = tpu.memref_slice %arg10[%add3A_9, %dma_start3A_74] : memref<10112x128xf32, #tpu.memory_space<vmem_shared>> -> memref<128x128xf32, #tpu.memory_space<vmem_shared>>
      %dma_start3A_76 = arith.constant 0 : i32
      %dma_start3A_77 = arith.constant 0 : i32
      %dma_start3A_78 = tpu.memref_slice %arg8[%dma_start3A_76, %dma_start3A_77] : memref<128x128xf32, #tpu.memory_space<vmem>> -> memref<128x128xf32, #tpu.memory_space<vmem>>
      tpu.enqueue_dma source(%dma_start3A_78 : memref<128x128xf32, #tpu.memory_space<vmem>>) target(%dma_start3A_75 : memref<128x128xf32, #tpu.memory_space<vmem_shared>>) target_semaphore(%run_scoped3A : memref<!tpu.dma_semaphore, #tpu.memory_space<semaphore_mem>>)
      %dma_wait3A_79 = arith.constant 0 : i32
      %dma_wait3A_80 = arith.constant 0 : i32
      %dma_wait3A_81 = tpu.memref_slice %arg8[%dma_wait3A_79, %dma_wait3A_80] : memref<128x128xf32, #tpu.memory_space<vmem>> -> memref<128x128xf32, #tpu.memory_space<vmem>>
      %dma_wait3A_82 = arith.constant 0 : i32
      %dma_wait3A_83 = tpu.memref_slice %arg10[%add3A_9, %dma_wait3A_82] : memref<10112x128xf32, #tpu.memory_space<vmem_shared>> -> memref<128x128xf32, #tpu.memory_space<vmem_shared>>
      %dma_wait3A_84 = arith.constant 0 : i32
      %dma_wait3A_85 = tpu.memref_slice %arg10[%add3A_9, %dma_wait3A_84] : memref<10112x128xf32, #tpu.memory_space<vmem_shared>> -> memref<128x128xf32, #tpu.memory_space<vmem_shared>>
      %dma_wait3A_86 = arith.constant 0 : i32
      %dma_wait3A_87 = arith.constant 0 : i32
      %dma_wait3A_88 = tpu.memref_slice %arg8[%dma_wait3A_86, %dma_wait3A_87] : memref<128x128xf32, #tpu.memory_space<vmem>> -> memref<128x128xf32, #tpu.memory_space<vmem>>
      tpu.wait_dma2 semaphore(%run_scoped3A : memref<!tpu.dma_semaphore, #tpu.memory_space<semaphore_mem>>) src(%dma_wait3A_88 : memref<128x128xf32, #tpu.memory_space<vmem>>) dst(%dma_wait3A_85 : memref<128x128xf32, #tpu.memory_space<vmem_shared>>)
      tpu.yield
    }) : () -> ()
    %mul3A_10 = arith.constant 632 : i32
    %mul3A_11 = arith.muli %arg1, %mul3A_10 : i32
    %add3A_12 = arith.constant 128 : i32
    %add3A_13 = arith.addi %mul3A_11, %add3A_12 : i32
    "tpu.region"() ({
      %run_scoped3A = tpu.sem_alloc : memref<!tpu.dma_semaphore, #tpu.memory_space<semaphore_mem>>
      %dma_start3A_69 = arith.constant 0 : i32
      %dma_start3A_70 = arith.constant 0 : i32
      %dma_start3A_71 = tpu.memref_slice %arg8[%dma_start3A_69, %dma_start3A_70] : memref<128x128xf32, #tpu.memory_space<vmem>> -> memref<128x128xf32, #tpu.memory_space<vmem>>
      %dma_start3A_72 = arith.constant 0 : i32
      %dma_start3A_73 = tpu.memref_slice %arg10[%add3A_13, %dma_start3A_72] : memref<10112x128xf32, #tpu.memory_space<vmem_shared>> -> memref<128x128xf32, #tpu.memory_space<vmem_shared>>
      %dma_start3A_74 = arith.constant 0 : i32
      %dma_start3A_75 = tpu.memref_slice %arg10[%add3A_13, %dma_start3A_74] : memref<10112x128xf32, #tpu.memory_space<vmem_shared>> -> memref<128x128xf32, #tpu.memory_space<vmem_shared>>
      %dma_start3A_76 = arith.constant 0 : i32
      %dma_start3A_77 = arith.constant 0 : i32
      %dma_start3A_78 = tpu.memref_slice %arg8[%dma_start3A_76, %dma_start3A_77] : memref<128x128xf32, #tpu.memory_space<vmem>> -> memref<128x128xf32, #tpu.memory_space<vmem>>
      tpu.enqueue_dma source(%dma_start3A_78 : memref<128x128xf32, #tpu.memory_space<vmem>>) target(%dma_start3A_75 : memref<128x128xf32, #tpu.memory_space<vmem_shared>>) target_semaphore(%run_scoped3A : memref<!tpu.dma_semaphore, #tpu.memory_space<semaphore_mem>>)
      %dma_wait3A_79 = arith.constant 0 : i32
      %dma_wait3A_80 = arith.constant 0 : i32
      %dma_wait3A_81 = tpu.memref_slice %arg8[%dma_wait3A_79, %dma_wait3A_80] : memref<128x128xf32, #tpu.memory_space<vmem>> -> memref<128x128xf32, #tpu.memory_space<vmem>>
      %dma_wait3A_82 = arith.constant 0 : i32
      %dma_wait3A_83 = tpu.memref_slice %arg10[%add3A_13, %dma_wait3A_82] : memref<10112x128xf32, #tpu.memory_space<vmem_shared>> -> memref<128x128xf32, #tpu.memory_space<vmem_shared>>
      %dma_wait3A_84 = arith.constant 0 : i32
      %dma_wait3A_85 = tpu.memref_slice %arg10[%add3A_13, %dma_wait3A_84] : memref<10112x128xf32, #tpu.memory_space<vmem_shared>> -> memref<128x128xf32, #tpu.memory_space<vmem_shared>>
      %dma_wait3A_86 = arith.constant 0 : i32
      %dma_wait3A_87 = arith.constant 0 : i32
      %dma_wait3A_88 = tpu.memref_slice %arg8[%dma_wait3A_86, %dma_wait3A_87] : memref<128x128xf32, #tpu.memory_space<vmem>> -> memref<128x128xf32, #tpu.memory_space<vmem>>
      tpu.wait_dma2 semaphore(%run_scoped3A : memref<!tpu.dma_semaphore, #tpu.memory_space<semaphore_mem>>) src(%dma_wait3A_88 : memref<128x128xf32, #tpu.memory_space<vmem>>) dst(%dma_wait3A_85 : memref<128x128xf32, #tpu.memory_space<vmem_shared>>)
      tpu.yield
    }) : () -> ()
    %mul3A_14 = arith.constant 632 : i32
    %mul3A_15 = arith.muli %arg1, %mul3A_14 : i32
    %add3A_16 = arith.constant 256 : i32
    %add3A_17 = arith.addi %mul3A_15, %add3A_16 : i32
    "tpu.region"() ({
      %run_scoped3A = tpu.sem_alloc : memref<!tpu.dma_semaphore, #tpu.memory_space<semaphore_mem>>
      %dma_start3A_69 = arith.constant 0 : i32
      %dma_start3A_70 = arith.constant 0 : i32
      %dma_start3A_71 = tpu.memref_slice %arg8[%dma_start3A_69, %dma_start3A_70] : memref<128x128xf32, #tpu.memory_space<vmem>> -> memref<128x128xf32, #tpu.memory_space<vmem>>
      %dma_start3A_72 = arith.constant 0 : i32
      %dma_start3A_73 = tpu.memref_slice %arg10[%add3A_17, %dma_start3A_72] : memref<10112x128xf32, #tpu.memory_space<vmem_shared>> -> memref<128x128xf32, #tpu.memory_space<vmem_shared>>
      %dma_start3A_74 = arith.constant 0 : i32
      %dma_start3A_75 = tpu.memref_slice %arg10[%add3A_17, %dma_start3A_74] : memref<10112x128xf32, #tpu.memory_space<vmem_shared>> -> memref<128x128xf32, #tpu.memory_space<vmem_shared>>
      %dma_start3A_76 = arith.constant 0 : i32
      %dma_start3A_77 = arith.constant 0 : i32
      %dma_start3A_78 = tpu.memref_slice %arg8[%dma_start3A_76, %dma_start3A_77] : memref<128x128xf32, #tpu.memory_space<vmem>> -> memref<128x128xf32, #tpu.memory_space<vmem>>
      tpu.enqueue_dma source(%dma_start3A_78 : memref<128x128xf32, #tpu.memory_space<vmem>>) target(%dma_start3A_75 : memref<128x128xf32, #tpu.memory_space<vmem_shared>>) target_semaphore(%run_scoped3A : memref<!tpu.dma_semaphore, #tpu.memory_space<semaphore_mem>>)
      %dma_wait3A_79 = arith.constant 0 : i32
      %dma_wait3A_80 = arith.constant 0 : i32
      %dma_wait3A_81 = tpu.memref_slice %arg8[%dma_wait3A_79, %dma_wait3A_80] : memref<128x128xf32, #tpu.memory_space<vmem>> -> memref<128x128xf32, #tpu.memory_space<vmem>>
      %dma_wait3A_82 = arith.constant 0 : i32
      %dma_wait3A_83 = tpu.memref_slice %arg10[%add3A_17, %dma_wait3A_82] : memref<10112x128xf32, #tpu.memory_space<vmem_shared>> -> memref<128x128xf32, #tpu.memory_space<vmem_shared>>
      %dma_wait3A_84 = arith.constant 0 : i32
      %dma_wait3A_85 = tpu.memref_slice %arg10[%add3A_17, %dma_wait3A_84] : memref<10112x128xf32, #tpu.memory_space<vmem_shared>> -> memref<128x128xf32, #tpu.memory_space<vmem_shared>>
      %dma_wait3A_86 = arith.constant 0 : i32
      %dma_wait3A_87 = arith.constant 0 : i32
      %dma_wait3A_88 = tpu.memref_slice %arg8[%dma_wait3A_86, %dma_wait3A_87] : memref<128x128xf32, #tpu.memory_space<vmem>> -> memref<128x128xf32, #tpu.memory_space<vmem>>
      tpu.wait_dma2 semaphore(%run_scoped3A : memref<!tpu.dma_semaphore, #tpu.memory_space<semaphore_mem>>) src(%dma_wait3A_88 : memref<128x128xf32, #tpu.memory_space<vmem>>) dst(%dma_wait3A_85 : memref<128x128xf32, #tpu.memory_space<vmem_shared>>)
      tpu.yield
    }) : () -> ()
    %mul3A_18 = arith.constant 632 : i32
    %mul3A_19 = arith.muli %arg1, %mul3A_18 : i32
    %add3A_20 = arith.constant 384 : i32
    %add3A_21 = arith.addi %mul3A_19, %add3A_20 : i32
    "tpu.region"() ({
      %run_scoped3A = tpu.sem_alloc : memref<!tpu.dma_semaphore, #tpu.memory_space<semaphore_mem>>
      %dma_start3A_69 = arith.constant 0 : i32
      %dma_start3A_70 = arith.constant 0 : i32
      %dma_start3A_71 = tpu.memref_slice %arg8[%dma_start3A_69, %dma_start3A_70] : memref<128x128xf32, #tpu.memory_space<vmem>> -> memref<128x128xf32, #tpu.memory_space<vmem>>
      %dma_start3A_72 = arith.constant 0 : i32
      %dma_start3A_73 = tpu.memref_slice %arg10[%add3A_21, %dma_start3A_72] : memref<10112x128xf32, #tpu.memory_space<vmem_shared>> -> memref<128x128xf32, #tpu.memory_space<vmem_shared>>
      %dma_start3A_74 = arith.constant 0 : i32
      %dma_start3A_75 = tpu.memref_slice %arg10[%add3A_21, %dma_start3A_74] : memref<10112x128xf32, #tpu.memory_space<vmem_shared>> -> memref<128x128xf32, #tpu.memory_space<vmem_shared>>
      %dma_start3A_76 = arith.constant 0 : i32
      %dma_start3A_77 = arith.constant 0 : i32
      %dma_start3A_78 = tpu.memref_slice %arg8[%dma_start3A_76, %dma_start3A_77] : memref<128x128xf32, #tpu.memory_space<vmem>> -> memref<128x128xf32, #tpu.memory_space<vmem>>
      tpu.enqueue_dma source(%dma_start3A_78 : memref<128x128xf32, #tpu.memory_space<vmem>>) target(%dma_start3A_75 : memref<128x128xf32, #tpu.memory_space<vmem_shared>>) target_semaphore(%run_scoped3A : memref<!tpu.dma_semaphore, #tpu.memory_space<semaphore_mem>>)
      %dma_wait3A_79 = arith.constant 0 : i32
      %dma_wait3A_80 = arith.constant 0 : i32
      %dma_wait3A_81 = tpu.memref_slice %arg8[%dma_wait3A_79, %dma_wait3A_80] : memref<128x128xf32, #tpu.memory_space<vmem>> -> memref<128x128xf32, #tpu.memory_space<vmem>>
      %dma_wait3A_82 = arith.constant 0 : i32
      %dma_wait3A_83 = tpu.memref_slice %arg10[%add3A_21, %dma_wait3A_82] : memref<10112x128xf32, #tpu.memory_space<vmem_shared>> -> memref<128x128xf32, #tpu.memory_space<vmem_shared>>
      %dma_wait3A_84 = arith.constant 0 : i32
      %dma_wait3A_85 = tpu.memref_slice %arg10[%add3A_21, %dma_wait3A_84] : memref<10112x128xf32, #tpu.memory_space<vmem_shared>> -> memref<128x128xf32, #tpu.memory_space<vmem_shared>>
      %dma_wait3A_86 = arith.constant 0 : i32
      %dma_wait3A_87 = arith.constant 0 : i32
      %dma_wait3A_88 = tpu.memref_slice %arg8[%dma_wait3A_86, %dma_wait3A_87] : memref<128x128xf32, #tpu.memory_space<vmem>> -> memref<128x128xf32, #tpu.memory_space<vmem>>
      tpu.wait_dma2 semaphore(%run_scoped3A : memref<!tpu.dma_semaphore, #tpu.memory_space<semaphore_mem>>) src(%dma_wait3A_88 : memref<128x128xf32, #tpu.memory_space<vmem>>) dst(%dma_wait3A_85 : memref<128x128xf32, #tpu.memory_space<vmem_shared>>)
      tpu.yield
    }) : () -> ()
    %mul3A_22 = arith.constant 632 : i32
    %mul3A_23 = arith.muli %arg1, %mul3A_22 : i32
    %add3A_24 = arith.constant 512 : i32
    %add3A_25 = arith.addi %mul3A_23, %add3A_24 : i32
    "tpu.region"() ({
      %run_scoped3A = tpu.sem_alloc : memref<!tpu.dma_semaphore, #tpu.memory_space<semaphore_mem>>
      %dma_start3A_69 = arith.constant 0 : i32
      %dma_start3A_70 = arith.constant 0 : i32
      %dma_start3A_71 = tpu.memref_slice %arg8[%dma_start3A_69, %dma_start3A_70] : memref<128x128xf32, #tpu.memory_space<vmem>> -> memref<120x128xf32, #tpu.memory_space<vmem>>
      %dma_start3A_72 = arith.constant 0 : i32
      %dma_start3A_73 = tpu.memref_slice %arg10[%add3A_25, %dma_start3A_72] : memref<10112x128xf32, #tpu.memory_space<vmem_shared>> -> memref<120x128xf32, #tpu.memory_space<vmem_shared>>
      %dma_start3A_74 = arith.constant 0 : i32
      %dma_start3A_75 = tpu.memref_slice %arg10[%add3A_25, %dma_start3A_74] : memref<10112x128xf32, #tpu.memory_space<vmem_shared>> -> memref<120x128xf32, #tpu.memory_space<vmem_shared>>
      %dma_start3A_76 = arith.constant 0 : i32
      %dma_start3A_77 = arith.constant 0 : i32
      %dma_start3A_78 = tpu.memref_slice %arg8[%dma_start3A_76, %dma_start3A_77] : memref<128x128xf32, #tpu.memory_space<vmem>> -> memref<120x128xf32, #tpu.memory_space<vmem>>
      tpu.enqueue_dma source(%dma_start3A_78 : memref<120x128xf32, #tpu.memory_space<vmem>>) target(%dma_start3A_75 : memref<120x128xf32, #tpu.memory_space<vmem_shared>>) target_semaphore(%run_scoped3A : memref<!tpu.dma_semaphore, #tpu.memory_space<semaphore_mem>>)
      %dma_wait3A_79 = arith.constant 0 : i32
      %dma_wait3A_80 = arith.constant 0 : i32
      %dma_wait3A_81 = tpu.memref_slice %arg8[%dma_wait3A_79, %dma_wait3A_80] : memref<128x128xf32, #tpu.memory_space<vmem>> -> memref<120x128xf32, #tpu.memory_space<vmem>>
      %dma_wait3A_82 = arith.constant 0 : i32
      %dma_wait3A_83 = tpu.memref_slice %arg10[%add3A_25, %dma_wait3A_82] : memref<10112x128xf32, #tpu.memory_space<vmem_shared>> -> memref<120x128xf32, #tpu.memory_space<vmem_shared>>
      %dma_wait3A_84 = arith.constant 0 : i32
      %dma_wait3A_85 = tpu.memref_slice %arg10[%add3A_25, %dma_wait3A_84] : memref<10112x128xf32, #tpu.memory_space<vmem_shared>> -> memref<120x128xf32, #tpu.memory_space<vmem_shared>>
      %dma_wait3A_86 = arith.constant 0 : i32
      %dma_wait3A_87 = arith.constant 0 : i32
      %dma_wait3A_88 = tpu.memref_slice %arg8[%dma_wait3A_86, %dma_wait3A_87] : memref<128x128xf32, #tpu.memory_space<vmem>> -> memref<120x128xf32, #tpu.memory_space<vmem>>
      tpu.wait_dma2 semaphore(%run_scoped3A : memref<!tpu.dma_semaphore, #tpu.memory_space<semaphore_mem>>) src(%dma_wait3A_88 : memref<120x128xf32, #tpu.memory_space<vmem>>) dst(%dma_wait3A_85 : memref<120x128xf32, #tpu.memory_space<vmem_shared>>)
      tpu.yield
    }) : () -> ()
    %barrier3A = arith.constant 0 : index
    tpu.barrier barrier_id(%barrier3A)
    "tpu.region"() ({
      %run_scoped3A = tpu.sem_alloc : memref<!tpu.dma_semaphore, #tpu.memory_space<semaphore_mem>>
      %dma_start3A_69 = arith.constant 0 : i32
      %dma_start3A_70 = arith.constant 0 : i32
      %dma_start3A_71 = tpu.memref_slice %arg3[%add3A, %dma_start3A_69, %dma_start3A_70] : memref<32x80x128xi32, #tpu.memory_space<hbm>> -> memref<1x40x128xi32, #tpu.memory_space<hbm>>
      %dma_start3A_72 = tpu.memref_squeeze %dma_start3A_71 : memref<1x40x128xi32, #tpu.memory_space<hbm>> -> memref<40x128xi32, #tpu.memory_space<hbm>>
      %dma_start3A_73 = arith.constant 0 : i32
      %dma_start3A_74 = arith.constant 0 : i32
      %dma_start3A_75 = tpu.memref_slice %arg3[%add3A, %dma_start3A_73, %dma_start3A_74] : memref<32x80x128xi32, #tpu.memory_space<hbm>> -> memref<1x40x128xi32, #tpu.memory_space<hbm>>
      %dma_start3A_76 = tpu.memref_squeeze %dma_start3A_75 : memref<1x40x128xi32, #tpu.memory_space<hbm>> -> memref<40x128xi32, #tpu.memory_space<hbm>>
      tpu.enqueue_dma source(%dma_start3A_76 : memref<40x128xi32, #tpu.memory_space<hbm>>) target(%arg6 : memref<40x128xi32, #tpu.memory_space<vmem>>) target_semaphore(%run_scoped3A : memref<!tpu.dma_semaphore, #tpu.memory_space<semaphore_mem>>)
      %dma_wait3A_77 = arith.constant 0 : i32
      %dma_wait3A_78 = arith.constant 0 : i32
      %dma_wait3A_79 = tpu.memref_slice %arg3[%add3A, %dma_wait3A_77, %dma_wait3A_78] : memref<32x80x128xi32, #tpu.memory_space<hbm>> -> memref<1x40x128xi32, #tpu.memory_space<hbm>>
      %dma_wait3A_80 = tpu.memref_squeeze %dma_wait3A_79 : memref<1x40x128xi32, #tpu.memory_space<hbm>> -> memref<40x128xi32, #tpu.memory_space<hbm>>
      %dma_wait3A_81 = arith.constant 0 : i32
      %dma_wait3A_82 = arith.constant 0 : i32
      %dma_wait3A_83 = tpu.memref_slice %arg3[%add3A, %dma_wait3A_81, %dma_wait3A_82] : memref<32x80x128xi32, #tpu.memory_space<hbm>> -> memref<1x40x128xi32, #tpu.memory_space<hbm>>
      %dma_wait3A_84 = tpu.memref_squeeze %dma_wait3A_83 : memref<1x40x128xi32, #tpu.memory_space<hbm>> -> memref<40x128xi32, #tpu.memory_space<hbm>>
      tpu.wait_dma2 semaphore(%run_scoped3A : memref<!tpu.dma_semaphore, #tpu.memory_space<semaphore_mem>>) src(%dma_wait3A_84 : memref<40x128xi32, #tpu.memory_space<hbm>>) dst(%arg6 : memref<40x128xi32, #tpu.memory_space<vmem>>)
      tpu.yield
    }) : () -> ()
    "tpu.region"() ({
      %run_scoped3A = tpu.sem_alloc : memref<!tpu.dma_semaphore, #tpu.memory_space<semaphore_mem>>
      %dma_start3A_69 = arith.constant 0 : i32
      %dma_start3A_70 = arith.constant 0 : i32
      %dma_start3A_71 = tpu.memref_slice %arg4[%add3A, %dma_start3A_69, %dma_start3A_70] : memref<32x80x128xi32, #tpu.memory_space<hbm>> -> memref<1x40x128xi32, #tpu.memory_space<hbm>>
      %dma_start3A_72 = tpu.memref_squeeze %dma_start3A_71 : memref<1x40x128xi32, #tpu.memory_space<hbm>> -> memref<40x128xi32, #tpu.memory_space<hbm>>
      %dma_start3A_73 = arith.constant 0 : i32
      %dma_start3A_74 = arith.constant 0 : i32
      %dma_start3A_75 = tpu.memref_slice %arg4[%add3A, %dma_start3A_73, %dma_start3A_74] : memref<32x80x128xi32, #tpu.memory_space<hbm>> -> memref<1x40x128xi32, #tpu.memory_space<hbm>>
      %dma_start3A_76 = tpu.memref_squeeze %dma_start3A_75 : memref<1x40x128xi32, #tpu.memory_space<hbm>> -> memref<40x128xi32, #tpu.memory_space<hbm>>
      tpu.enqueue_dma source(%dma_start3A_76 : memref<40x128xi32, #tpu.memory_space<hbm>>) target(%arg7 : memref<40x128xi32, #tpu.memory_space<vmem>>) target_semaphore(%run_scoped3A : memref<!tpu.dma_semaphore, #tpu.memory_space<semaphore_mem>>)
      %dma_wait3A_77 = arith.constant 0 : i32
      %dma_wait3A_78 = arith.constant 0 : i32
      %dma_wait3A_79 = tpu.memref_slice %arg4[%add3A, %dma_wait3A_77, %dma_wait3A_78] : memref<32x80x128xi32, #tpu.memory_space<hbm>> -> memref<1x40x128xi32, #tpu.memory_space<hbm>>
      %dma_wait3A_80 = tpu.memref_squeeze %dma_wait3A_79 : memref<1x40x128xi32, #tpu.memory_space<hbm>> -> memref<40x128xi32, #tpu.memory_space<hbm>>
      %dma_wait3A_81 = arith.constant 0 : i32
      %dma_wait3A_82 = arith.constant 0 : i32
      %dma_wait3A_83 = tpu.memref_slice %arg4[%add3A, %dma_wait3A_81, %dma_wait3A_82] : memref<32x80x128xi32, #tpu.memory_space<hbm>> -> memref<1x40x128xi32, #tpu.memory_space<hbm>>
      %dma_wait3A_84 = tpu.memref_squeeze %dma_wait3A_83 : memref<1x40x128xi32, #tpu.memory_space<hbm>> -> memref<40x128xi32, #tpu.memory_space<hbm>>
      tpu.wait_dma2 semaphore(%run_scoped3A : memref<!tpu.dma_semaphore, #tpu.memory_space<semaphore_mem>>) src(%dma_wait3A_84 : memref<40x128xi32, #tpu.memory_space<hbm>>) dst(%arg7 : memref<40x128xi32, #tpu.memory_space<vmem>>)
      tpu.yield
    }) : () -> ()
    %dma_start3A = arith.constant 0 : i32
    %dma_start3A_26 = arith.constant 0 : i32
    %dma_start3A_27 = tpu.memref_slice %arg6[%dma_start3A, %dma_start3A_26] : memref<40x128xi32, #tpu.memory_space<vmem>> -> memref<1x128xi32, #tpu.memory_space<vmem>>
    %dma_start3A_28 = tpu.memref_squeeze %dma_start3A_27 : memref<1x128xi32, #tpu.memory_space<vmem>> -> memref<128xi32, #tpu.memory_space<vmem>>
    %dma_start3A_29 = arith.constant 0 : i32
    %dma_start3A_30 = arith.constant 0 : i32
    %dma_start3A_31 = tpu.memref_slice %arg2[%dma_start3A_29, %dma_start3A_30] : memref<10000x128xf32, #tpu.memory_space<hbm>> -> memref<10000x128xf32, #tpu.memory_space<hbm>>
    tpu.enqueue_indirect_dma source(%dma_start3A_31 : memref<10000x128xf32, #tpu.memory_space<hbm>>) target(%arg8 : memref<128x128xf32, #tpu.memory_space<vmem>>) offsets(%dma_start3A_28 : memref<128xi32, #tpu.memory_space<vmem>>) semaphore(%arg11 : memref<!tpu.dma_semaphore, #tpu.memory_space<semaphore_mem>>)
    %scan3A_32 = arith.constant 0 : i32
    %scan3A_33 = arith.constant 0 : i32
    %scan3A_34 = arith.constant 20 : i32
    %scan3A_35 = arith.addi %scan3A_33, %scan3A_34 : i32
    %scan3A_36 = arith.constant 1 : i32
    scf.for %scan3A_69 = %scan3A_33 to %scan3A_35 step %scan3A_36  : i32 {
      %mul3A_70 = arith.constant 2 : i32
      %mul3A_71 = arith.muli %mul3A_70, %scan3A_69 : i32
      %add3A_72 = arith.constant 1 : i32
      %add3A_73 = arith.addi %mul3A_71, %add3A_72 : i32
      %dma_start3A_74 = arith.constant 0 : i32
      %dma_start3A_75 = tpu.memref_slice %arg6[%add3A_73, %dma_start3A_74] : memref<40x128xi32, #tpu.memory_space<vmem>> -> memref<1x128xi32, #tpu.memory_space<vmem>>
      %dma_start3A_76 = tpu.memref_squeeze %dma_start3A_75 : memref<1x128xi32, #tpu.memory_space<vmem>> -> memref<128xi32, #tpu.memory_space<vmem>>
      %dma_start3A_77 = arith.constant 0 : i32
      %dma_start3A_78 = arith.constant 0 : i32
      %dma_start3A_79 = tpu.memref_slice %arg2[%dma_start3A_77, %dma_start3A_78] : memref<10000x128xf32, #tpu.memory_space<hbm>> -> memref<10000x128xf32, #tpu.memory_space<hbm>>
      tpu.enqueue_indirect_dma source(%dma_start3A_79 : memref<10000x128xf32, #tpu.memory_space<hbm>>) target(%arg9 : memref<128x128xf32, #tpu.memory_space<vmem>>) offsets(%dma_start3A_76 : memref<128xi32, #tpu.memory_space<vmem>>) semaphore(%arg12 : memref<!tpu.dma_semaphore, #tpu.memory_space<semaphore_mem>>)
      %dma_wait3A_80 = arith.constant 0 : i32
      %dma_wait3A_81 = tpu.memref_slice %arg6[%mul3A_71, %dma_wait3A_80] : memref<40x128xi32, #tpu.memory_space<vmem>> -> memref<1x128xi32, #tpu.memory_space<vmem>>
      %dma_wait3A_82 = tpu.memref_squeeze %dma_wait3A_81 : memref<1x128xi32, #tpu.memory_space<vmem>> -> memref<128xi32, #tpu.memory_space<vmem>>
      %dma_wait3A_83 = arith.constant 0 : i32
      %dma_wait3A_84 = arith.constant 0 : i32
      %dma_wait3A_85 = tpu.memref_slice %arg2[%dma_wait3A_83, %dma_wait3A_84] : memref<10000x128xf32, #tpu.memory_space<hbm>> -> memref<10000x128xf32, #tpu.memory_space<hbm>>
      tpu.wait_indirect_dma semaphore(%arg11 : memref<!tpu.dma_semaphore, #tpu.memory_space<semaphore_mem>>) src(%dma_wait3A_85 : memref<10000x128xf32, #tpu.memory_space<hbm>>) dst(%arg8 : memref<128x128xf32, #tpu.memory_space<vmem>>)
      "tpu.region"() ({
        %run_scoped3A = tpu.sem_alloc : memref<!tpu.dma_semaphore, #tpu.memory_space<semaphore_mem>>
        %dma_start3A_103 = arith.constant 0 : i32
        %dma_start3A_104 = tpu.memref_slice %arg7[%mul3A_71, %dma_start3A_103] : memref<40x128xi32, #tpu.memory_space<vmem>> -> memref<1x128xi32, #tpu.memory_space<vmem>>
        %dma_start3A_105 = tpu.memref_squeeze %dma_start3A_104 : memref<1x128xi32, #tpu.memory_space<vmem>> -> memref<128xi32, #tpu.memory_space<vmem>>
        %dma_start3A_106 = arith.constant 0 : i32
        %dma_start3A_107 = arith.constant 0 : i32
        %dma_start3A_108 = tpu.memref_slice %arg10[%dma_start3A_106, %dma_start3A_107] : memref<10112x128xf32, #tpu.memory_space<vmem_shared>> -> memref<10112x128xf32, #tpu.memory_space<vmem_shared>>
        tpu.enqueue_indirect_dma source(%arg8 : memref<128x128xf32, #tpu.memory_space<vmem>>) target(%dma_start3A_108 : memref<10112x128xf32, #tpu.memory_space<vmem_shared>>) offsets(%dma_start3A_105 : memref<128xi32, #tpu.memory_space<vmem>>) semaphore(%run_scoped3A : memref<!tpu.dma_semaphore, #tpu.memory_space<semaphore_mem>>) {add = true}
        %dma_wait3A_109 = arith.constant 0 : i32
        %dma_wait3A_110 = tpu.memref_slice %arg7[%mul3A_71, %dma_wait3A_109] : memref<40x128xi32, #tpu.memory_space<vmem>> -> memref<1x128xi32, #tpu.memory_space<vmem>>
        %dma_wait3A_111 = tpu.memref_squeeze %dma_wait3A_110 : memref<1x128xi32, #tpu.memory_space<vmem>> -> memref<128xi32, #tpu.memory_space<vmem>>
        %dma_wait3A_112 = arith.constant 0 : i32
        %dma_wait3A_113 = arith.constant 0 : i32
        %dma_wait3A_114 = tpu.memref_slice %arg10[%dma_wait3A_112, %dma_wait3A_113] : memref<10112x128xf32, #tpu.memory_space<vmem_shared>> -> memref<10112x128xf32, #tpu.memory_space<vmem_shared>>
        tpu.wait_indirect_dma semaphore(%run_scoped3A : memref<!tpu.dma_semaphore, #tpu.memory_space<semaphore_mem>>) src(%arg8 : memref<128x128xf32, #tpu.memory_space<vmem>>) dst(%dma_wait3A_114 : memref<10112x128xf32, #tpu.memory_space<vmem_shared>>)
        tpu.yield
      }) : () -> ()
      %add3A_86 = arith.constant 2 : i32
      %add3A_87 = arith.addi %mul3A_71, %add3A_86 : i32
      %min3A = arith.constant 39 : i32
      %min3A_88 = arith.minsi %add3A_87, %min3A : i32
      %dma_start3A_89 = arith.constant 0 : i32
      %dma_start3A_90 = tpu.memref_slice %arg6[%min3A_88, %dma_start3A_89] : memref<40x128xi32, #tpu.memory_space<vmem>> -> memref<1x128xi32, #tpu.memory_space<vmem>>
      %dma_start3A_91 = tpu.memref_squeeze %dma_start3A_90 : memref<1x128xi32, #tpu.memory_space<vmem>> -> memref<128xi32, #tpu.memory_space<vmem>>
      %dma_start3A_92 = arith.constant 0 : i32
      %dma_start3A_93 = arith.constant 0 : i32
      %dma_start3A_94 = tpu.memref_slice %arg2[%dma_start3A_92, %dma_start3A_93] : memref<10000x128xf32, #tpu.memory_space<hbm>> -> memref<10000x128xf32, #tpu.memory_space<hbm>>
      tpu.enqueue_indirect_dma source(%dma_start3A_94 : memref<10000x128xf32, #tpu.memory_space<hbm>>) target(%arg8 : memref<128x128xf32, #tpu.memory_space<vmem>>) offsets(%dma_start3A_91 : memref<128xi32, #tpu.memory_space<vmem>>) semaphore(%arg11 : memref<!tpu.dma_semaphore, #tpu.memory_space<semaphore_mem>>)
      %dma_wait3A_95 = arith.constant 0 : i32
      %dma_wait3A_96 = tpu.memref_slice %arg6[%mul3A_71, %dma_wait3A_95] : memref<40x128xi32, #tpu.memory_space<vmem>> -> memref<1x128xi32, #tpu.memory_space<vmem>>
      %dma_wait3A_97 = tpu.memref_squeeze %dma_wait3A_96 : memref<1x128xi32, #tpu.memory_space<vmem>> -> memref<128xi32, #tpu.memory_space<vmem>>
      %dma_wait3A_98 = arith.constant 0 : i32
      %dma_wait3A_99 = arith.constant 0 : i32
      %dma_wait3A_100 = tpu.memref_slice %arg2[%dma_wait3A_98, %dma_wait3A_99] : memref<10000x128xf32, #tpu.memory_space<hbm>> -> memref<10000x128xf32, #tpu.memory_space<hbm>>
      tpu.wait_indirect_dma semaphore(%arg12 : memref<!tpu.dma_semaphore, #tpu.memory_space<semaphore_mem>>) src(%dma_wait3A_100 : memref<10000x128xf32, #tpu.memory_space<hbm>>) dst(%arg9 : memref<128x128xf32, #tpu.memory_space<vmem>>)
      %add3A_101 = arith.constant 1 : i32
      %add3A_102 = arith.addi %mul3A_71, %add3A_101 : i32
      "tpu.region"() ({
        %run_scoped3A = tpu.sem_alloc : memref<!tpu.dma_semaphore, #tpu.memory_space<semaphore_mem>>
        %dma_start3A_103 = arith.constant 0 : i32
        %dma_start3A_104 = tpu.memref_slice %arg7[%add3A_102, %dma_start3A_103] : memref<40x128xi32, #tpu.memory_space<vmem>> -> memref<1x128xi32, #tpu.memory_space<vmem>>
        %dma_start3A_105 = tpu.memref_squeeze %dma_start3A_104 : memref<1x128xi32, #tpu.memory_space<vmem>> -> memref<128xi32, #tpu.memory_space<vmem>>
        %dma_start3A_106 = arith.constant 0 : i32
        %dma_start3A_107 = arith.constant 0 : i32
        %dma_start3A_108 = tpu.memref_slice %arg10[%dma_start3A_106, %dma_start3A_107] : memref<10112x128xf32, #tpu.memory_space<vmem_shared>> -> memref<10112x128xf32, #tpu.memory_space<vmem_shared>>
        tpu.enqueue_indirect_dma source(%arg9 : memref<128x128xf32, #tpu.memory_space<vmem>>) target(%dma_start3A_108 : memref<10112x128xf32, #tpu.memory_space<vmem_shared>>) offsets(%dma_start3A_105 : memref<128xi32, #tpu.memory_space<vmem>>) semaphore(%run_scoped3A : memref<!tpu.dma_semaphore, #tpu.memory_space<semaphore_mem>>) {add = true}
        %dma_wait3A_109 = arith.constant 0 : i32
        %dma_wait3A_110 = tpu.memref_slice %arg7[%add3A_102, %dma_wait3A_109] : memref<40x128xi32, #tpu.memory_space<vmem>> -> memref<1x128xi32, #tpu.memory_space<vmem>>
        %dma_wait3A_111 = tpu.memref_squeeze %dma_wait3A_110 : memref<1x128xi32, #tpu.memory_space<vmem>> -> memref<128xi32, #tpu.memory_space<vmem>>
        %dma_wait3A_112 = arith.constant 0 : i32
        %dma_wait3A_113 = arith.constant 0 : i32
        %dma_wait3A_114 = tpu.memref_slice %arg10[%dma_wait3A_112, %dma_wait3A_113] : memref<10112x128xf32, #tpu.memory_space<vmem_shared>> -> memref<10112x128xf32, #tpu.memory_space<vmem_shared>>
        tpu.wait_indirect_dma semaphore(%run_scoped3A : memref<!tpu.dma_semaphore, #tpu.memory_space<semaphore_mem>>) src(%arg9 : memref<128x128xf32, #tpu.memory_space<vmem>>) dst(%dma_wait3A_114 : memref<10112x128xf32, #tpu.memory_space<vmem_shared>>)
        tpu.yield
      }) : () -> ()
    }
    %scan3A_37 = arith.constant 20 : i32
    %dma_wait3A = arith.constant 0 : i32
    %dma_wait3A_38 = arith.constant 0 : i32
    %dma_wait3A_39 = tpu.memref_slice %arg6[%dma_wait3A, %dma_wait3A_38] : memref<40x128xi32, #tpu.memory_space<vmem>> -> memref<1x128xi32, #tpu.memory_space<vmem>>
    %dma_wait3A_40 = tpu.memref_squeeze %dma_wait3A_39 : memref<1x128xi32, #tpu.memory_space<vmem>> -> memref<128xi32, #tpu.memory_space<vmem>>
    %dma_wait3A_41 = arith.constant 0 : i32
    %dma_wait3A_42 = arith.constant 0 : i32
    %dma_wait3A_43 = tpu.memref_slice %arg2[%dma_wait3A_41, %dma_wait3A_42] : memref<10000x128xf32, #tpu.memory_space<hbm>> -> memref<10000x128xf32, #tpu.memory_space<hbm>>
    tpu.wait_indirect_dma semaphore(%arg11 : memref<!tpu.dma_semaphore, #tpu.memory_space<semaphore_mem>>) src(%dma_wait3A_43 : memref<10000x128xf32, #tpu.memory_space<hbm>>) dst(%arg8 : memref<128x128xf32, #tpu.memory_space<vmem>>)
    "tpu.region"() ({
      %run_scoped3A = tpu.sem_alloc : memref<!tpu.dma_semaphore, #tpu.memory_space<semaphore_mem>>
      %dma_start3A_69 = arith.constant 40 : i32
      %dma_start3A_70 = arith.constant 0 : i32
      %dma_start3A_71 = tpu.memref_slice %arg3[%add3A, %dma_start3A_69, %dma_start3A_70] : memref<32x80x128xi32, #tpu.memory_space<hbm>> -> memref<1x40x128xi32, #tpu.memory_space<hbm>>
      %dma_start3A_72 = tpu.memref_squeeze %dma_start3A_71 : memref<1x40x128xi32, #tpu.memory_space<hbm>> -> memref<40x128xi32, #tpu.memory_space<hbm>>
      %dma_start3A_73 = arith.constant 40 : i32
      %dma_start3A_74 = arith.constant 0 : i32
      %dma_start3A_75 = tpu.memref_slice %arg3[%add3A, %dma_start3A_73, %dma_start3A_74] : memref<32x80x128xi32, #tpu.memory_space<hbm>> -> memref<1x40x128xi32, #tpu.memory_space<hbm>>
      %dma_start3A_76 = tpu.memref_squeeze %dma_start3A_75 : memref<1x40x128xi32, #tpu.memory_space<hbm>> -> memref<40x128xi32, #tpu.memory_space<hbm>>
      tpu.enqueue_dma source(%dma_start3A_76 : memref<40x128xi32, #tpu.memory_space<hbm>>) target(%arg6 : memref<40x128xi32, #tpu.memory_space<vmem>>) target_semaphore(%run_scoped3A : memref<!tpu.dma_semaphore, #tpu.memory_space<semaphore_mem>>)
      %dma_wait3A_77 = arith.constant 40 : i32
      %dma_wait3A_78 = arith.constant 0 : i32
      %dma_wait3A_79 = tpu.memref_slice %arg3[%add3A, %dma_wait3A_77, %dma_wait3A_78] : memref<32x80x128xi32, #tpu.memory_space<hbm>> -> memref<1x40x128xi32, #tpu.memory_space<hbm>>
      %dma_wait3A_80 = tpu.memref_squeeze %dma_wait3A_79 : memref<1x40x128xi32, #tpu.memory_space<hbm>> -> memref<40x128xi32, #tpu.memory_space<hbm>>
      %dma_wait3A_81 = arith.constant 40 : i32
      %dma_wait3A_82 = arith.constant 0 : i32
      %dma_wait3A_83 = tpu.memref_slice %arg3[%add3A, %dma_wait3A_81, %dma_wait3A_82] : memref<32x80x128xi32, #tpu.memory_space<hbm>> -> memref<1x40x128xi32, #tpu.memory_space<hbm>>
      %dma_wait3A_84 = tpu.memref_squeeze %dma_wait3A_83 : memref<1x40x128xi32, #tpu.memory_space<hbm>> -> memref<40x128xi32, #tpu.memory_space<hbm>>
      tpu.wait_dma2 semaphore(%run_scoped3A : memref<!tpu.dma_semaphore, #tpu.memory_space<semaphore_mem>>) src(%dma_wait3A_84 : memref<40x128xi32, #tpu.memory_space<hbm>>) dst(%arg6 : memref<40x128xi32, #tpu.memory_space<vmem>>)
      tpu.yield
    }) : () -> ()
    "tpu.region"() ({
      %run_scoped3A = tpu.sem_alloc : memref<!tpu.dma_semaphore, #tpu.memory_space<semaphore_mem>>
      %dma_start3A_69 = arith.constant 40 : i32
      %dma_start3A_70 = arith.constant 0 : i32
      %dma_start3A_71 = tpu.memref_slice %arg4[%add3A, %dma_start3A_69, %dma_start3A_70] : memref<32x80x128xi32, #tpu.memory_space<hbm>> -> memref<1x40x128xi32, #tpu.memory_space<hbm>>
      %dma_start3A_72 = tpu.memref_squeeze %dma_start3A_71 : memref<1x40x128xi32, #tpu.memory_space<hbm>> -> memref<40x128xi32, #tpu.memory_space<hbm>>
      %dma_start3A_73 = arith.constant 40 : i32
      %dma_start3A_74 = arith.constant 0 : i32
      %dma_start3A_75 = tpu.memref_slice %arg4[%add3A, %dma_start3A_73, %dma_start3A_74] : memref<32x80x128xi32, #tpu.memory_space<hbm>> -> memref<1x40x128xi32, #tpu.memory_space<hbm>>
      %dma_start3A_76 = tpu.memref_squeeze %dma_start3A_75 : memref<1x40x128xi32, #tpu.memory_space<hbm>> -> memref<40x128xi32, #tpu.memory_space<hbm>>
      tpu.enqueue_dma source(%dma_start3A_76 : memref<40x128xi32, #tpu.memory_space<hbm>>) target(%arg7 : memref<40x128xi32, #tpu.memory_space<vmem>>) target_semaphore(%run_scoped3A : memref<!tpu.dma_semaphore, #tpu.memory_space<semaphore_mem>>)
      %dma_wait3A_77 = arith.constant 40 : i32
      %dma_wait3A_78 = arith.constant 0 : i32
      %dma_wait3A_79 = tpu.memref_slice %arg4[%add3A, %dma_wait3A_77, %dma_wait3A_78] : memref<32x80x128xi32, #tpu.memory_space<hbm>> -> memref<1x40x128xi32, #tpu.memory_space<hbm>>
      %dma_wait3A_80 = tpu.memref_squeeze %dma_wait3A_79 : memref<1x40x128xi32, #tpu.memory_space<hbm>> -> memref<40x128xi32, #tpu.memory_space<hbm>>
      %dma_wait3A_81 = arith.constant 40 : i32
      %dma_wait3A_82 = arith.constant 0 : i32
      %dma_wait3A_83 = tpu.memref_slice %arg4[%add3A, %dma_wait3A_81, %dma_wait3A_82] : memref<32x80x128xi32, #tpu.memory_space<hbm>> -> memref<1x40x128xi32, #tpu.memory_space<hbm>>
      %dma_wait3A_84 = tpu.memref_squeeze %dma_wait3A_83 : memref<1x40x128xi32, #tpu.memory_space<hbm>> -> memref<40x128xi32, #tpu.memory_space<hbm>>
      tpu.wait_dma2 semaphore(%run_scoped3A : memref<!tpu.dma_semaphore, #tpu.memory_space<semaphore_mem>>) src(%dma_wait3A_84 : memref<40x128xi32, #tpu.memory_space<hbm>>) dst(%arg7 : memref<40x128xi32, #tpu.memory_space<vmem>>)
      tpu.yield
    }) : () -> ()
    %dma_start3A_44 = arith.constant 0 : i32
    %dma_start3A_45 = arith.constant 0 : i32
    %dma_start3A_46 = tpu.memref_slice %arg6[%dma_start3A_44, %dma_start3A_45] : memref<40x128xi32, #tpu.memory_space<vmem>> -> memref<1x128xi32, #tpu.memory_space<vmem>>
    %dma_start3A_47 = tpu.memref_squeeze %dma_start3A_46 : memref<1x128xi32, #tpu.memory_space<vmem>> -> memref<128xi32, #tpu.memory_space<vmem>>
    %dma_start3A_48 = arith.constant 0 : i32
    %dma_start3A_49 = arith.constant 0 : i32
    %dma_start3A_50 = tpu.memref_slice %arg2[%dma_start3A_48, %dma_start3A_49] : memref<10000x128xf32, #tpu.memory_space<hbm>> -> memref<10000x128xf32, #tpu.memory_space<hbm>>
    tpu.enqueue_indirect_dma source(%dma_start3A_50 : memref<10000x128xf32, #tpu.memory_space<hbm>>) target(%arg8 : memref<128x128xf32, #tpu.memory_space<vmem>>) offsets(%dma_start3A_47 : memref<128xi32, #tpu.memory_space<vmem>>) semaphore(%arg11 : memref<!tpu.dma_semaphore, #tpu.memory_space<semaphore_mem>>)
    %scan3A_51 = arith.constant 0 : i32
    %scan3A_52 = arith.constant 0 : i32
    %scan3A_53 = arith.constant 20 : i32
    %scan3A_54 = arith.addi %scan3A_52, %scan3A_53 : i32
    %scan3A_55 = arith.constant 1 : i32
    scf.for %scan3A_69 = %scan3A_52 to %scan3A_54 step %scan3A_55  : i32 {
      %mul3A_70 = arith.constant 2 : i32
      %mul3A_71 = arith.muli %mul3A_70, %scan3A_69 : i32
      %add3A_72 = arith.constant 1 : i32
      %add3A_73 = arith.addi %mul3A_71, %add3A_72 : i32
      %dma_start3A_74 = arith.constant 0 : i32
      %dma_start3A_75 = tpu.memref_slice %arg6[%add3A_73, %dma_start3A_74] : memref<40x128xi32, #tpu.memory_space<vmem>> -> memref<1x128xi32, #tpu.memory_space<vmem>>
      %dma_start3A_76 = tpu.memref_squeeze %dma_start3A_75 : memref<1x128xi32, #tpu.memory_space<vmem>> -> memref<128xi32, #tpu.memory_space<vmem>>
      %dma_start3A_77 = arith.constant 0 : i32
      %dma_start3A_78 = arith.constant 0 : i32
      %dma_start3A_79 = tpu.memref_slice %arg2[%dma_start3A_77, %dma_start3A_78] : memref<10000x128xf32, #tpu.memory_space<hbm>> -> memref<10000x128xf32, #tpu.memory_space<hbm>>
      tpu.enqueue_indirect_dma source(%dma_start3A_79 : memref<10000x128xf32, #tpu.memory_space<hbm>>) target(%arg9 : memref<128x128xf32, #tpu.memory_space<vmem>>) offsets(%dma_start3A_76 : memref<128xi32, #tpu.memory_space<vmem>>) semaphore(%arg12 : memref<!tpu.dma_semaphore, #tpu.memory_space<semaphore_mem>>)
      %dma_wait3A_80 = arith.constant 0 : i32
      %dma_wait3A_81 = tpu.memref_slice %arg6[%mul3A_71, %dma_wait3A_80] : memref<40x128xi32, #tpu.memory_space<vmem>> -> memref<1x128xi32, #tpu.memory_space<vmem>>
      %dma_wait3A_82 = tpu.memref_squeeze %dma_wait3A_81 : memref<1x128xi32, #tpu.memory_space<vmem>> -> memref<128xi32, #tpu.memory_space<vmem>>
      %dma_wait3A_83 = arith.constant 0 : i32
      %dma_wait3A_84 = arith.constant 0 : i32
      %dma_wait3A_85 = tpu.memref_slice %arg2[%dma_wait3A_83, %dma_wait3A_84] : memref<10000x128xf32, #tpu.memory_space<hbm>> -> memref<10000x128xf32, #tpu.memory_space<hbm>>
      tpu.wait_indirect_dma semaphore(%arg11 : memref<!tpu.dma_semaphore, #tpu.memory_space<semaphore_mem>>) src(%dma_wait3A_85 : memref<10000x128xf32, #tpu.memory_space<hbm>>) dst(%arg8 : memref<128x128xf32, #tpu.memory_space<vmem>>)
      "tpu.region"() ({
        %run_scoped3A = tpu.sem_alloc : memref<!tpu.dma_semaphore, #tpu.memory_space<semaphore_mem>>
        %dma_start3A_103 = arith.constant 0 : i32
        %dma_start3A_104 = tpu.memref_slice %arg7[%mul3A_71, %dma_start3A_103] : memref<40x128xi32, #tpu.memory_space<vmem>> -> memref<1x128xi32, #tpu.memory_space<vmem>>
        %dma_start3A_105 = tpu.memref_squeeze %dma_start3A_104 : memref<1x128xi32, #tpu.memory_space<vmem>> -> memref<128xi32, #tpu.memory_space<vmem>>
        %dma_start3A_106 = arith.constant 0 : i32
        %dma_start3A_107 = arith.constant 0 : i32
        %dma_start3A_108 = tpu.memref_slice %arg10[%dma_start3A_106, %dma_start3A_107] : memref<10112x128xf32, #tpu.memory_space<vmem_shared>> -> memref<10112x128xf32, #tpu.memory_space<vmem_shared>>
        tpu.enqueue_indirect_dma source(%arg8 : memref<128x128xf32, #tpu.memory_space<vmem>>) target(%dma_start3A_108 : memref<10112x128xf32, #tpu.memory_space<vmem_shared>>) offsets(%dma_start3A_105 : memref<128xi32, #tpu.memory_space<vmem>>) semaphore(%run_scoped3A : memref<!tpu.dma_semaphore, #tpu.memory_space<semaphore_mem>>) {add = true}
        %dma_wait3A_109 = arith.constant 0 : i32
        %dma_wait3A_110 = tpu.memref_slice %arg7[%mul3A_71, %dma_wait3A_109] : memref<40x128xi32, #tpu.memory_space<vmem>> -> memref<1x128xi32, #tpu.memory_space<vmem>>
        %dma_wait3A_111 = tpu.memref_squeeze %dma_wait3A_110 : memref<1x128xi32, #tpu.memory_space<vmem>> -> memref<128xi32, #tpu.memory_space<vmem>>
        %dma_wait3A_112 = arith.constant 0 : i32
        %dma_wait3A_113 = arith.constant 0 : i32
        %dma_wait3A_114 = tpu.memref_slice %arg10[%dma_wait3A_112, %dma_wait3A_113] : memref<10112x128xf32, #tpu.memory_space<vmem_shared>> -> memref<10112x128xf32, #tpu.memory_space<vmem_shared>>
        tpu.wait_indirect_dma semaphore(%run_scoped3A : memref<!tpu.dma_semaphore, #tpu.memory_space<semaphore_mem>>) src(%arg8 : memref<128x128xf32, #tpu.memory_space<vmem>>) dst(%dma_wait3A_114 : memref<10112x128xf32, #tpu.memory_space<vmem_shared>>)
        tpu.yield
      }) : () -> ()
      %add3A_86 = arith.constant 2 : i32
      %add3A_87 = arith.addi %mul3A_71, %add3A_86 : i32
      %min3A = arith.constant 39 : i32
      %min3A_88 = arith.minsi %add3A_87, %min3A : i32
      %dma_start3A_89 = arith.constant 0 : i32
      %dma_start3A_90 = tpu.memref_slice %arg6[%min3A_88, %dma_start3A_89] : memref<40x128xi32, #tpu.memory_space<vmem>> -> memref<1x128xi32, #tpu.memory_space<vmem>>
      %dma_start3A_91 = tpu.memref_squeeze %dma_start3A_90 : memref<1x128xi32, #tpu.memory_space<vmem>> -> memref<128xi32, #tpu.memory_space<vmem>>
      %dma_start3A_92 = arith.constant 0 : i32
      %dma_start3A_93 = arith.constant 0 : i32
      %dma_start3A_94 = tpu.memref_slice %arg2[%dma_start3A_92, %dma_start3A_93] : memref<10000x128xf32, #tpu.memory_space<hbm>> -> memref<10000x128xf32, #tpu.memory_space<hbm>>
      tpu.enqueue_indirect_dma source(%dma_start3A_94 : memref<10000x128xf32, #tpu.memory_space<hbm>>) target(%arg8 : memref<128x128xf32, #tpu.memory_space<vmem>>) offsets(%dma_start3A_91 : memref<128xi32, #tpu.memory_space<vmem>>) semaphore(%arg11 : memref<!tpu.dma_semaphore, #tpu.memory_space<semaphore_mem>>)
      %dma_wait3A_95 = arith.constant 0 : i32
      %dma_wait3A_96 = tpu.memref_slice %arg6[%mul3A_71, %dma_wait3A_95] : memref<40x128xi32, #tpu.memory_space<vmem>> -> memref<1x128xi32, #tpu.memory_space<vmem>>
      %dma_wait3A_97 = tpu.memref_squeeze %dma_wait3A_96 : memref<1x128xi32, #tpu.memory_space<vmem>> -> memref<128xi32, #tpu.memory_space<vmem>>
      %dma_wait3A_98 = arith.constant 0 : i32
      %dma_wait3A_99 = arith.constant 0 : i32
      %dma_wait3A_100 = tpu.memref_slice %arg2[%dma_wait3A_98, %dma_wait3A_99] : memref<10000x128xf32, #tpu.memory_space<hbm>> -> memref<10000x128xf32, #tpu.memory_space<hbm>>
      tpu.wait_indirect_dma semaphore(%arg12 : memref<!tpu.dma_semaphore, #tpu.memory_space<semaphore_mem>>) src(%dma_wait3A_100 : memref<10000x128xf32, #tpu.memory_space<hbm>>) dst(%arg9 : memref<128x128xf32, #tpu.memory_space<vmem>>)
      %add3A_101 = arith.constant 1 : i32
      %add3A_102 = arith.addi %mul3A_71, %add3A_101 : i32
      "tpu.region"() ({
        %run_scoped3A = tpu.sem_alloc : memref<!tpu.dma_semaphore, #tpu.memory_space<semaphore_mem>>
        %dma_start3A_103 = arith.constant 0 : i32
        %dma_start3A_104 = tpu.memref_slice %arg7[%add3A_102, %dma_start3A_103] : memref<40x128xi32, #tpu.memory_space<vmem>> -> memref<1x128xi32, #tpu.memory_space<vmem>>
        %dma_start3A_105 = tpu.memref_squeeze %dma_start3A_104 : memref<1x128xi32, #tpu.memory_space<vmem>> -> memref<128xi32, #tpu.memory_space<vmem>>
        %dma_start3A_106 = arith.constant 0 : i32
        %dma_start3A_107 = arith.constant 0 : i32
        %dma_start3A_108 = tpu.memref_slice %arg10[%dma_start3A_106, %dma_start3A_107] : memref<10112x128xf32, #tpu.memory_space<vmem_shared>> -> memref<10112x128xf32, #tpu.memory_space<vmem_shared>>
        tpu.enqueue_indirect_dma source(%arg9 : memref<128x128xf32, #tpu.memory_space<vmem>>) target(%dma_start3A_108 : memref<10112x128xf32, #tpu.memory_space<vmem_shared>>) offsets(%dma_start3A_105 : memref<128xi32, #tpu.memory_space<vmem>>) semaphore(%run_scoped3A : memref<!tpu.dma_semaphore, #tpu.memory_space<semaphore_mem>>) {add = true}
        %dma_wait3A_109 = arith.constant 0 : i32
        %dma_wait3A_110 = tpu.memref_slice %arg7[%add3A_102, %dma_wait3A_109] : memref<40x128xi32, #tpu.memory_space<vmem>> -> memref<1x128xi32, #tpu.memory_space<vmem>>
        %dma_wait3A_111 = tpu.memref_squeeze %dma_wait3A_110 : memref<1x128xi32, #tpu.memory_space<vmem>> -> memref<128xi32, #tpu.memory_space<vmem>>
        %dma_wait3A_112 = arith.constant 0 : i32
        %dma_wait3A_113 = arith.constant 0 : i32
        %dma_wait3A_114 = tpu.memref_slice %arg10[%dma_wait3A_112, %dma_wait3A_113] : memref<10112x128xf32, #tpu.memory_space<vmem_shared>> -> memref<10112x128xf32, #tpu.memory_space<vmem_shared>>
        tpu.wait_indirect_dma semaphore(%run_scoped3A : memref<!tpu.dma_semaphore, #tpu.memory_space<semaphore_mem>>) src(%arg9 : memref<128x128xf32, #tpu.memory_space<vmem>>) dst(%dma_wait3A_114 : memref<10112x128xf32, #tpu.memory_space<vmem_shared>>)
        tpu.yield
      }) : () -> ()
    }
    %scan3A_56 = arith.constant 20 : i32
    %dma_wait3A_57 = arith.constant 0 : i32
    %dma_wait3A_58 = arith.constant 0 : i32
    %dma_wait3A_59 = tpu.memref_slice %arg6[%dma_wait3A_57, %dma_wait3A_58] : memref<40x128xi32, #tpu.memory_space<vmem>> -> memref<1x128xi32, #tpu.memory_space<vmem>>
    %dma_wait3A_60 = tpu.memref_squeeze %dma_wait3A_59 : memref<1x128xi32, #tpu.memory_space<vmem>> -> memref<128xi32, #tpu.memory_space<vmem>>
    %dma_wait3A_61 = arith.constant 0 : i32
    %dma_wait3A_62 = arith.constant 0 : i32
    %dma_wait3A_63 = tpu.memref_slice %arg2[%dma_wait3A_61, %dma_wait3A_62] : memref<10000x128xf32, #tpu.memory_space<hbm>> -> memref<10000x128xf32, #tpu.memory_space<hbm>>
    tpu.wait_indirect_dma semaphore(%arg11 : memref<!tpu.dma_semaphore, #tpu.memory_space<semaphore_mem>>) src(%dma_wait3A_63 : memref<10000x128xf32, #tpu.memory_space<hbm>>) dst(%arg8 : memref<128x128xf32, #tpu.memory_space<vmem>>)
    %barrier3A_64 = arith.constant 0 : index
    tpu.barrier barrier_id(%barrier3A_64)
    %mul3A_65 = arith.constant 632 : i32
    %mul3A_66 = arith.muli %arg1, %mul3A_65 : i32
    %mul3A_67 = arith.constant 632 : i32
    %mul3A_68 = arith.muli %arg1, %mul3A_67 : i32
    "tpu.region"() ({
      %run_scoped3A = tpu.sem_alloc : memref<!tpu.dma_semaphore, #tpu.memory_space<semaphore_mem>>
      %dma_start3A_69 = arith.constant 0 : i32
      %dma_start3A_70 = tpu.memref_slice %arg5[%arg0, %mul3A_68, %dma_start3A_69] : memref<2x10112x128xf32, #tpu.memory_space<hbm>> -> memref<1x632x128xf32, #tpu.memory_space<hbm>>
      %dma_start3A_71 = tpu.memref_squeeze %dma_start3A_70 : memref<1x632x128xf32, #tpu.memory_space<hbm>> -> memref<632x128xf32, #tpu.memory_space<hbm>>
      %dma_start3A_72 = arith.constant 0 : i32
      %dma_start3A_73 = tpu.memref_slice %arg10[%mul3A_66, %dma_start3A_72] : memref<10112x128xf32, #tpu.memory_space<vmem_shared>> -> memref<632x128xf32, #tpu.memory_space<vmem_shared>>
      tpu.enqueue_dma source(%dma_start3A_73 : memref<632x128xf32, #tpu.memory_space<vmem_shared>>) target(%dma_start3A_71 : memref<632x128xf32, #tpu.memory_space<hbm>>) target_semaphore(%run_scoped3A : memref<!tpu.dma_semaphore, #tpu.memory_space<semaphore_mem>>)
      %dma_wait3A_74 = arith.constant 0 : i32
      %dma_wait3A_75 = tpu.memref_slice %arg5[%arg0, %mul3A_68, %dma_wait3A_74] : memref<2x10112x128xf32, #tpu.memory_space<hbm>> -> memref<1x632x128xf32, #tpu.memory_space<hbm>>
      %dma_wait3A_76 = tpu.memref_squeeze %dma_wait3A_75 : memref<1x632x128xf32, #tpu.memory_space<hbm>> -> memref<632x128xf32, #tpu.memory_space<hbm>>
      %dma_wait3A_77 = arith.constant 0 : i32
      %dma_wait3A_78 = tpu.memref_slice %arg10[%mul3A_66, %dma_wait3A_77] : memref<10112x128xf32, #tpu.memory_space<vmem_shared>> -> memref<632x128xf32, #tpu.memory_space<vmem_shared>>
      tpu.wait_dma2 semaphore(%run_scoped3A : memref<!tpu.dma_semaphore, #tpu.memory_space<semaphore_mem>>) src(%dma_wait3A_78 : memref<632x128xf32, #tpu.memory_space<vmem_shared>>) dst(%dma_wait3A_76 : memref<632x128xf32, #tpu.memory_space<hbm>>)
      tpu.yield
    }) : () -> ()
    return
  }
}

module attributes {stable_mosaic.version = 14 : i64} {
  func.func @_dense1_body(%arg0: i32, %arg1: memref<400x128xf32, #tpu.memory_space<vmem>>, %arg2: memref<128x128xf32, #tpu.memory_space<vmem>>, %arg3: memref<400x2xf32, #tpu.memory_space<vmem>>, %arg4: memref<400x128xf32, #tpu.memory_space<vmem>>, %arg5: memref<400x128xf32, #tpu.memory_space<vmem>>) attributes {dimension_semantics = [#tpu.dimension_semantics<arbitrary>], iteration_bounds = array<i64: 25>, scalar_prefetch = 0 : i64, scratch_operands = 0 : i64, tpu.core_type = #tpu.core_type<tc>, window_params = [{transform_indices = @transform_0, window_bounds = array<i64: 400, 128>}, {pipeline_mode = #tpu.pipeline_mode<synchronous>, transform_indices = @transform_1, window_bounds = array<i64: 128, 128>}, {transform_indices = @transform_2, window_bounds = array<i64: 400, 2>}, {transform_indices = @transform_3, window_bounds = array<i64: 400, 128>}, {transform_indices = @transform_4, window_bounds = array<i64: 400, 128>}]} {
    %get3A = arith.constant 0 : index
    %get3A_0 = arith.constant 0 : index
    %get3A_1 = vector.load %arg3[%get3A, %get3A_0] : memref<400x2xf32, #tpu.memory_space<vmem>>, vector<400x1xf32>
    %get3A_2 = arith.constant 0 : index
    %get3A_3 = arith.constant 1 : index
    %get3A_4 = vector.load %arg3[%get3A_2, %get3A_3] : memref<400x2xf32, #tpu.memory_space<vmem>>, vector<400x1xf32>
    %add3A = arith.addf %get3A_1, %get3A_4 : vector<400x1xf32>
    %add3A_5 = arith.constant 1.000000e+00 : f32
    %add3A_6 = vector.broadcast %add3A_5 : f32 to vector<400x1xf32>
    %add3A_7 = arith.addf %add3A, %add3A_6 : vector<400x1xf32>
    %rsqrt3A = math.rsqrt %add3A_7 : vector<400x1xf32>
    %get3A_8 = arith.constant 0 : index
    %get3A_9 = arith.constant 0 : index
    %get3A_10 = vector.load %arg1[%get3A_8, %get3A_9] : memref<400x128xf32, #tpu.memory_space<vmem>>, vector<400x128xf32>
    %get3A_11 = arith.constant 0 : index
    %get3A_12 = arith.constant 0 : index
    %get3A_13 = vector.load %arg2[%get3A_11, %get3A_12] : memref<128x128xf32, #tpu.memory_space<vmem>>, vector<128x128xf32>
    %dot_general3A = arith.constant dense<0.000000e+00> : vector<400x128xf32>
    %dot_general3A_14 = tpu.matmul %get3A_10, %get3A_13, %dot_general3A {dimension_numbers = #tpu.dot_dimension_numbers<[1], [0], [0], [1], [0, 0, 1, 1], [], []>, transpose_lhs_hint = false} : vector<400x128xf32>, vector<128x128xf32>, vector<400x128xf32> -> vector<400x128xf32>
    %mul3A = vector.broadcast %rsqrt3A : vector<400x1xf32> to vector<400x128xf32>
    %mul3A_15 = arith.mulf %dot_general3A_14, %mul3A : vector<400x128xf32>
    %swap3A = arith.constant 0 : index
    %swap3A_16 = arith.constant 0 : index
    %swap3A_17 = vector.load %arg4[%swap3A, %swap3A_16] : memref<400x128xf32, #tpu.memory_space<vmem>>, vector<400x128xf32>
    tpu.vector_store %arg4[%swap3A, %swap3A_16], %mul3A_15 {strides = array<i32>} : memref<400x128xf32, #tpu.memory_space<vmem>>, vector<400x128xf32>,
    %broadcast_in_dim3A = vector.shape_cast %rsqrt3A : vector<400x1xf32> to vector<400x1xf32>
    %broadcast_in_dim3A_18 = vector.broadcast %broadcast_in_dim3A : vector<400x1xf32> to vector<400x128xf32>
    %swap3A_19 = arith.constant 0 : index
    %swap3A_20 = arith.constant 0 : index
    %swap3A_21 = vector.load %arg5[%swap3A_19, %swap3A_20] : memref<400x128xf32, #tpu.memory_space<vmem>>, vector<400x128xf32>
    tpu.vector_store %arg5[%swap3A_19, %swap3A_20], %broadcast_in_dim3A_18 {strides = array<i32>} : memref<400x128xf32, #tpu.memory_space<vmem>>, vector<400x128xf32>,
    return
  }
  func.func @transform_0(%arg0: i32) -> (i32, i32) {
    %c0_i32 = arith.constant 0 : i32
    %c0_i32_0 = arith.constant 0 : i32
    return %arg0, %c0_i32 : i32, i32
  }
  func.func @transform_1(%arg0: i32) -> (i32, i32) {
    %c0_i32 = arith.constant 0 : i32
    %c0_i32_0 = arith.constant 0 : i32
    %c0_i32_1 = arith.constant 0 : i32
    return %c0_i32, %c0_i32_0 : i32, i32
  }
  func.func @transform_2(%arg0: i32) -> (i32, i32) {
    %c0_i32 = arith.constant 0 : i32
    %c0_i32_0 = arith.constant 0 : i32
    return %arg0, %c0_i32 : i32, i32
  }
  func.func @transform_3(%arg0: i32) -> (i32, i32) {
    %c0_i32 = arith.constant 0 : i32
    %c0_i32_0 = arith.constant 0 : i32
    return %arg0, %c0_i32 : i32, i32
  }
  func.func @transform_4(%arg0: i32) -> (i32, i32) {
    %c0_i32 = arith.constant 0 : i32
    %c0_i32_0 = arith.constant 0 : i32
    return %arg0, %c0_i32 : i32, i32
  }
}

module attributes {stable_mosaic.version = 14 : i64} {
  func.func @_dense2_body(%arg0: i32, %arg1: memref<1x400x128xf32, #tpu.memory_space<vmem>>, %arg2: memref<1x400x128xf32, #tpu.memory_space<vmem>>, %arg3: memref<400x128xf32, #tpu.memory_space<vmem>>, %arg4: memref<400x128xf32, #tpu.memory_space<vmem>>, %arg5: memref<1x128xf32, #tpu.memory_space<vmem>>, %arg6: memref<128x128xf32, #tpu.memory_space<vmem>>, %arg7: memref<400x128xf32, #tpu.memory_space<vmem>>) attributes {dimension_semantics = [#tpu.dimension_semantics<arbitrary>], iteration_bounds = array<i64: 25>, scalar_prefetch = 0 : i64, scratch_operands = 0 : i64, tpu.core_type = #tpu.core_type<tc>, window_params = [{transform_indices = @transform_0, window_bounds = array<i64: 1, 400, 128>}, {transform_indices = @transform_1, window_bounds = array<i64: 1, 400, 128>}, {transform_indices = @transform_2, window_bounds = array<i64: 400, 128>}, {transform_indices = @transform_3, window_bounds = array<i64: 400, 128>}, {pipeline_mode = #tpu.pipeline_mode<synchronous>, transform_indices = @transform_4, window_bounds = array<i64: 1, 128>}, {pipeline_mode = #tpu.pipeline_mode<synchronous>, transform_indices = @transform_5, window_bounds = array<i64: 128, 128>}, {transform_indices = @transform_6, window_bounds = array<i64: 400, 128>}]} {
    %get3A = arith.constant 0 : index
    %get3A_0 = arith.constant 0 : index
    %get3A_1 = arith.constant 0 : index
    %get3A_2 = vector.load %arg1[%get3A, %get3A_0, %get3A_1] : memref<1x400x128xf32, #tpu.memory_space<vmem>>, vector<1x400x128xf32>
    %get3A_3 = vector.shape_cast %get3A_2 : vector<1x400x128xf32> to vector<400x128xf32>
    %get3A_4 = arith.constant 0 : index
    %get3A_5 = arith.constant 0 : index
    %get3A_6 = arith.constant 0 : index
    %get3A_7 = vector.load %arg2[%get3A_4, %get3A_5, %get3A_6] : memref<1x400x128xf32, #tpu.memory_space<vmem>>, vector<1x400x128xf32>
    %get3A_8 = vector.shape_cast %get3A_7 : vector<1x400x128xf32> to vector<400x128xf32>
    %add3A = arith.addf %get3A_3, %get3A_8 : vector<400x128xf32>
    %get3A_9 = arith.constant 0 : index
    %get3A_10 = arith.constant 0 : index
    %get3A_11 = vector.load %arg3[%get3A_9, %get3A_10] : memref<400x128xf32, #tpu.memory_space<vmem>>, vector<400x128xf32>
    %add3A_12 = arith.addf %add3A, %get3A_11 : vector<400x128xf32>
    %get3A_13 = arith.constant 0 : index
    %get3A_14 = arith.constant 0 : index
    %get3A_15 = vector.load %arg4[%get3A_13, %get3A_14] : memref<400x128xf32, #tpu.memory_space<vmem>>, vector<400x128xf32>
    %mul3A = arith.mulf %add3A_12, %get3A_15 : vector<400x128xf32>
    %get3A_16 = arith.constant 0 : index
    %get3A_17 = arith.constant 0 : index
    %get3A_18 = vector.load %arg5[%get3A_16, %get3A_17] : memref<1x128xf32, #tpu.memory_space<vmem>>, vector<1x128xf32>
    %add3A_19 = vector.broadcast %get3A_18 : vector<1x128xf32> to vector<400x128xf32>
    %add3A_20 = arith.addf %mul3A, %add3A_19 : vector<400x128xf32>
    %max3A = arith.constant 0.000000e+00 : f32
    %max3A_21 = vector.broadcast %max3A : f32 to vector<400x128xf32>
    %max3A_22 = arith.maximumf %add3A_20, %max3A_21 : vector<400x128xf32>
    %get3A_23 = arith.constant 0 : index
    %get3A_24 = arith.constant 0 : index
    %get3A_25 = vector.load %arg6[%get3A_23, %get3A_24] : memref<128x128xf32, #tpu.memory_space<vmem>>, vector<128x128xf32>
    %dot_general3A = arith.constant dense<0.000000e+00> : vector<400x128xf32>
    %dot_general3A_26 = tpu.matmul %max3A_22, %get3A_25, %dot_general3A {dimension_numbers = #tpu.dot_dimension_numbers<[1], [0], [0], [1], [0, 0, 1, 1], [], []>, transpose_lhs_hint = false} : vector<400x128xf32>, vector<128x128xf32>, vector<400x128xf32> -> vector<400x128xf32>
    %get3A_27 = arith.constant 0 : index
    %get3A_28 = arith.constant 0 : index
    %get3A_29 = vector.load %arg4[%get3A_27, %get3A_28] : memref<400x128xf32, #tpu.memory_space<vmem>>, vector<400x128xf32>
    %mul3A_30 = arith.mulf %dot_general3A_26, %get3A_29 : vector<400x128xf32>
    %swap3A = arith.constant 0 : index
    %swap3A_31 = arith.constant 0 : index
    %swap3A_32 = vector.load %arg7[%swap3A, %swap3A_31] : memref<400x128xf32, #tpu.memory_space<vmem>>, vector<400x128xf32>
    tpu.vector_store %arg7[%swap3A, %swap3A_31], %mul3A_30 {strides = array<i32>} : memref<400x128xf32, #tpu.memory_space<vmem>>, vector<400x128xf32>,
    return
  }
  func.func @transform_0(%arg0: i32) -> (i32, i32, i32) {
    %c0_i32 = arith.constant 0 : i32
    %c0_i32_0 = arith.constant 0 : i32
    %c0_i32_1 = arith.constant 0 : i32
    return %c0_i32, %arg0, %c0_i32_0 : i32, i32, i32
  }
  func.func @transform_1(%arg0: i32) -> (i32, i32, i32) {
    %c1_i32 = arith.constant 1 : i32
    %c0_i32 = arith.constant 0 : i32
    %c0_i32_0 = arith.constant 0 : i32
    return %c1_i32, %arg0, %c0_i32 : i32, i32, i32
  }
  func.func @transform_2(%arg0: i32) -> (i32, i32) {
    %c0_i32 = arith.constant 0 : i32
    %c0_i32_0 = arith.constant 0 : i32
    return %arg0, %c0_i32 : i32, i32
  }
  func.func @transform_3(%arg0: i32) -> (i32, i32) {
    %c0_i32 = arith.constant 0 : i32
    %c0_i32_0 = arith.constant 0 : i32
    return %arg0, %c0_i32 : i32, i32
  }
  func.func @transform_4(%arg0: i32) -> (i32, i32) {
    %c0_i32 = arith.constant 0 : i32
    %c0_i32_0 = arith.constant 0 : i32
    %c0_i32_1 = arith.constant 0 : i32
    return %c0_i32, %c0_i32_0 : i32, i32
  }
  func.func @transform_5(%arg0: i32) -> (i32, i32) {
    %c0_i32 = arith.constant 0 : i32
    %c0_i32_0 = arith.constant 0 : i32
    %c0_i32_1 = arith.constant 0 : i32
    return %c0_i32, %c0_i32_0 : i32, i32
  }
  func.func @transform_6(%arg0: i32) -> (i32, i32) {
    %c0_i32 = arith.constant 0 : i32
    %c0_i32_0 = arith.constant 0 : i32
    return %arg0, %c0_i32 : i32, i32
  }
}

module attributes {stable_mosaic.version = 14 : i64} {
  func.func @_edge_body(%arg0: i32, %arg1: memref<800x128xf32, #tpu.memory_space<vmem>>, %arg2: memref<128x1024xbf16, #tpu.memory_space<vmem>>, %arg3: memref<1x1024xf32, #tpu.memory_space<vmem>>, %arg4: memref<1024x128xbf16, #tpu.memory_space<vmem>>, %arg5: memref<1x128xf32, #tpu.memory_space<vmem>>, %arg6: memref<800x128xf32, #tpu.memory_space<vmem>>) attributes {dimension_semantics = [#tpu.dimension_semantics<arbitrary>], iteration_bounds = array<i64: 50>, scalar_prefetch = 0 : i64, scratch_operands = 0 : i64, tpu.core_type = #tpu.core_type<tc>, window_params = [{transform_indices = @transform_0, window_bounds = array<i64: 800, 128>}, {pipeline_mode = #tpu.pipeline_mode<synchronous>, transform_indices = @transform_1, window_bounds = array<i64: 128, 1024>}, {pipeline_mode = #tpu.pipeline_mode<synchronous>, transform_indices = @transform_2, window_bounds = array<i64: 1, 1024>}, {pipeline_mode = #tpu.pipeline_mode<synchronous>, transform_indices = @transform_3, window_bounds = array<i64: 1024, 128>}, {pipeline_mode = #tpu.pipeline_mode<synchronous>, transform_indices = @transform_4, window_bounds = array<i64: 1, 128>}, {transform_indices = @transform_5, window_bounds = array<i64: 800, 128>}]} {
    %get3A = arith.constant 0 : index
    %get3A_0 = arith.constant 0 : index
    %get3A_1 = vector.load %arg1[%get3A, %get3A_0] : memref<800x128xf32, #tpu.memory_space<vmem>>, vector<800x128xf32>
    %convert_element_type3A = arith.truncf %get3A_1 : vector<800x128xf32> to vector<800x128xbf16>
    %get3A_2 = arith.constant 0 : index
    %get3A_3 = arith.constant 0 : index
    %get3A_4 = vector.load %arg2[%get3A_2, %get3A_3] : memref<128x1024xbf16, #tpu.memory_space<vmem>>, vector<128x1024xbf16>
    %dot_general3A = arith.constant dense<0.000000e+00> : vector<800x1024xf32>
    %dot_general3A_5 = tpu.matmul %convert_element_type3A, %get3A_4, %dot_general3A {dimension_numbers = #tpu.dot_dimension_numbers<[1], [0], [0], [1], [0, 0, 1, 1], [], []>, transpose_lhs_hint = false} : vector<800x128xbf16>, vector<128x1024xbf16>, vector<800x1024xf32> -> vector<800x1024xf32>
    %get3A_6 = arith.constant 0 : index
    %get3A_7 = arith.constant 0 : index
    %get3A_8 = vector.load %arg3[%get3A_6, %get3A_7] : memref<1x1024xf32, #tpu.memory_space<vmem>>, vector<1x1024xf32>
    %add3A = vector.broadcast %get3A_8 : vector<1x1024xf32> to vector<800x1024xf32>
    %add3A_9 = arith.addf %dot_general3A_5, %add3A : vector<800x1024xf32>
    %max3A = arith.constant 0.000000e+00 : f32
    %max3A_10 = vector.broadcast %max3A : f32 to vector<800x1024xf32>
    %max3A_11 = arith.maximumf %add3A_9, %max3A_10 : vector<800x1024xf32>
    %convert_element_type3A_12 = arith.truncf %max3A_11 : vector<800x1024xf32> to vector<800x1024xbf16>
    %get3A_13 = arith.constant 0 : index
    %get3A_14 = arith.constant 0 : index
    %get3A_15 = vector.load %arg4[%get3A_13, %get3A_14] : memref<1024x128xbf16, #tpu.memory_space<vmem>>, vector<1024x128xbf16>
    %dot_general3A_16 = arith.constant dense<0.000000e+00> : vector<800x128xf32>
    %dot_general3A_17 = tpu.matmul %convert_element_type3A_12, %get3A_15, %dot_general3A_16 {dimension_numbers = #tpu.dot_dimension_numbers<[1], [0], [0], [1], [0, 0, 1, 1], [], []>, transpose_lhs_hint = false} : vector<800x1024xbf16>, vector<1024x128xbf16>, vector<800x128xf32> -> vector<800x128xf32>
    %get3A_18 = arith.constant 0 : index
    %get3A_19 = arith.constant 0 : index
    %get3A_20 = vector.load %arg5[%get3A_18, %get3A_19] : memref<1x128xf32, #tpu.memory_space<vmem>>, vector<1x128xf32>
    %add3A_21 = vector.broadcast %get3A_20 : vector<1x128xf32> to vector<800x128xf32>
    %add3A_22 = arith.addf %dot_general3A_17, %add3A_21 : vector<800x128xf32>
    %swap3A = arith.constant 0 : index
    %swap3A_23 = arith.constant 0 : index
    %swap3A_24 = vector.load %arg6[%swap3A, %swap3A_23] : memref<800x128xf32, #tpu.memory_space<vmem>>, vector<800x128xf32>
    tpu.vector_store %arg6[%swap3A, %swap3A_23], %add3A_22 {strides = array<i32>} : memref<800x128xf32, #tpu.memory_space<vmem>>, vector<800x128xf32>,
    return
  }
  func.func @transform_0(%arg0: i32) -> (i32, i32) {
    %c0_i32 = arith.constant 0 : i32
    %c0_i32_0 = arith.constant 0 : i32
    return %arg0, %c0_i32 : i32, i32
  }
  func.func @transform_1(%arg0: i32) -> (i32, i32) {
    %c0_i32 = arith.constant 0 : i32
    %c0_i32_0 = arith.constant 0 : i32
    %c0_i32_1 = arith.constant 0 : i32
    return %c0_i32, %c0_i32_0 : i32, i32
  }
  func.func @transform_2(%arg0: i32) -> (i32, i32) {
    %c0_i32 = arith.constant 0 : i32
    %c0_i32_0 = arith.constant 0 : i32
    %c0_i32_1 = arith.constant 0 : i32
    return %c0_i32, %c0_i32_0 : i32, i32
  }
  func.func @transform_3(%arg0: i32) -> (i32, i32) {
    %c0_i32 = arith.constant 0 : i32
    %c0_i32_0 = arith.constant 0 : i32
    %c0_i32_1 = arith.constant 0 : i32
    return %c0_i32, %c0_i32_0 : i32, i32
  }
  func.func @transform_4(%arg0: i32) -> (i32, i32) {
    %c0_i32 = arith.constant 0 : i32
    %c0_i32_0 = arith.constant 0 : i32
    %c0_i32_1 = arith.constant 0 : i32
    return %c0_i32, %c0_i32_0 : i32, i32
  }
  func.func @transform_5(%arg0: i32) -> (i32, i32) {
    %c0_i32 = arith.constant 0 : i32
    %c0_i32_0 = arith.constant 0 : i32
    return %arg0, %c0_i32 : i32, i32
  }
}

module attributes {stable_mosaic.version = 14 : i64} {
  func.func @_dense3_body(%arg0: i32, %arg1: memref<1x400x128xf32, #tpu.memory_space<vmem>>, %arg2: memref<1x400x128xf32, #tpu.memory_space<vmem>>, %arg3: memref<400x128xf32, #tpu.memory_space<vmem>>, %arg4: memref<400x128xf32, #tpu.memory_space<vmem>>, %arg5: memref<1x128xf32, #tpu.memory_space<vmem>>, %arg6: memref<400x128xf32, #tpu.memory_space<vmem>>) attributes {dimension_semantics = [#tpu.dimension_semantics<arbitrary>], iteration_bounds = array<i64: 25>, scalar_prefetch = 0 : i64, scratch_operands = 0 : i64, tpu.core_type = #tpu.core_type<tc>, window_params = [{transform_indices = @transform_0, window_bounds = array<i64: 1, 400, 128>}, {transform_indices = @transform_1, window_bounds = array<i64: 1, 400, 128>}, {transform_indices = @transform_2, window_bounds = array<i64: 400, 128>}, {transform_indices = @transform_3, window_bounds = array<i64: 400, 128>}, {pipeline_mode = #tpu.pipeline_mode<synchronous>, transform_indices = @transform_4, window_bounds = array<i64: 1, 128>}, {transform_indices = @transform_5, window_bounds = array<i64: 400, 128>}]} {
    %get3A = arith.constant 0 : index
    %get3A_0 = arith.constant 0 : index
    %get3A_1 = arith.constant 0 : index
    %get3A_2 = vector.load %arg1[%get3A, %get3A_0, %get3A_1] : memref<1x400x128xf32, #tpu.memory_space<vmem>>, vector<1x400x128xf32>
    %get3A_3 = vector.shape_cast %get3A_2 : vector<1x400x128xf32> to vector<400x128xf32>
    %get3A_4 = arith.constant 0 : index
    %get3A_5 = arith.constant 0 : index
    %get3A_6 = arith.constant 0 : index
    %get3A_7 = vector.load %arg2[%get3A_4, %get3A_5, %get3A_6] : memref<1x400x128xf32, #tpu.memory_space<vmem>>, vector<1x400x128xf32>
    %get3A_8 = vector.shape_cast %get3A_7 : vector<1x400x128xf32> to vector<400x128xf32>
    %add3A = arith.addf %get3A_3, %get3A_8 : vector<400x128xf32>
    %get3A_9 = arith.constant 0 : index
    %get3A_10 = arith.constant 0 : index
    %get3A_11 = vector.load %arg3[%get3A_9, %get3A_10] : memref<400x128xf32, #tpu.memory_space<vmem>>, vector<400x128xf32>
    %add3A_12 = arith.addf %add3A, %get3A_11 : vector<400x128xf32>
    %get3A_13 = arith.constant 0 : index
    %get3A_14 = arith.constant 0 : index
    %get3A_15 = vector.load %arg4[%get3A_13, %get3A_14] : memref<400x128xf32, #tpu.memory_space<vmem>>, vector<400x128xf32>
    %mul3A = arith.mulf %add3A_12, %get3A_15 : vector<400x128xf32>
    %get3A_16 = arith.constant 0 : index
    %get3A_17 = arith.constant 0 : index
    %get3A_18 = vector.load %arg5[%get3A_16, %get3A_17] : memref<1x128xf32, #tpu.memory_space<vmem>>, vector<1x128xf32>
    %add3A_19 = vector.broadcast %get3A_18 : vector<1x128xf32> to vector<400x128xf32>
    %add3A_20 = arith.addf %mul3A, %add3A_19 : vector<400x128xf32>
    %swap3A = arith.constant 0 : index
    %swap3A_21 = arith.constant 0 : index
    %swap3A_22 = vector.load %arg6[%swap3A, %swap3A_21] : memref<400x128xf32, #tpu.memory_space<vmem>>, vector<400x128xf32>
    tpu.vector_store %arg6[%swap3A, %swap3A_21], %add3A_20 {strides = array<i32>} : memref<400x128xf32, #tpu.memory_space<vmem>>, vector<400x128xf32>,
    return
  }
  func.func @transform_0(%arg0: i32) -> (i32, i32, i32) {
    %c0_i32 = arith.constant 0 : i32
    %c0_i32_0 = arith.constant 0 : i32
    %c0_i32_1 = arith.constant 0 : i32
    return %c0_i32, %arg0, %c0_i32_0 : i32, i32, i32
  }
  func.func @transform_1(%arg0: i32) -> (i32, i32, i32) {
    %c1_i32 = arith.constant 1 : i32
    %c0_i32 = arith.constant 0 : i32
    %c0_i32_0 = arith.constant 0 : i32
    return %c1_i32, %arg0, %c0_i32 : i32, i32, i32
  }
  func.func @transform_2(%arg0: i32) -> (i32, i32) {
    %c0_i32 = arith.constant 0 : i32
    %c0_i32_0 = arith.constant 0 : i32
    return %arg0, %c0_i32 : i32, i32
  }
  func.func @transform_3(%arg0: i32) -> (i32, i32) {
    %c0_i32 = arith.constant 0 : i32
    %c0_i32_0 = arith.constant 0 : i32
    return %arg0, %c0_i32 : i32, i32
  }
  func.func @transform_4(%arg0: i32) -> (i32, i32) {
    %c0_i32 = arith.constant 0 : i32
    %c0_i32_0 = arith.constant 0 : i32
    %c0_i32_1 = arith.constant 0 : i32
    return %c0_i32, %c0_i32_0 : i32, i32
  }
  func.func @transform_5(%arg0: i32) -> (i32, i32) {
    %c0_i32 = arith.constant 0 : i32
    %c0_i32_0 = arith.constant 0 : i32
    return %arg0, %c0_i32 : i32, i32
  }
}

</mosaic_0001>

<sc_bundles>
// kernel: kernel.12.cloned.1.call-start
scs
__scs_entry_jumppad:
0x0: {  	(pc) =	sbr.rel $0x88, $3  }
0x1: {  	(tag) =	ssettag $0x0;
	lr =	simm.s32 $0x1  }
0x2: {  	[smem:$0x3F96] =	sst lr;
	_ =	strace $0xD0000000  }
0x3: {  	_ = 	snop  }
0x4: {  	_ = 	snop  }
0x5: {  	_ = 	snop  }
0x6: {  	_ = 	snop  }
0x7: {  	_ = 	snop  }
__scs_overlays_trampoline_lowered:
0x8: {  	[smem:$0x3FA5] =	sst s0  }
0x9: {  	[smem:$0x3FA6] =	sst s1  }
0xa: {  	[smem:$0x3FA7] =	sst s2  }
0xb: {  	[smem:$0x3FA8] =	sst s3  }
0xc: {  	[smem:$0x3FA9] =	sst s4  }
0xd: {  	[smem:$0x3FAA] =	sst s5  }
0xe: {  	[smem:$0x3FAB] =	sst s6  }
0xf: {  	[smem:$0x3FAC] =	sst s7  }
0x10: {  	[smem:$0x3FAD] =	sst s8  }
0x11: {  	[smem:$0x3FAE] =	sst s9;
	s0 =	simm.s32 @!p0 $0x0  }
0x12: {  	s1 =	sld [smem:$0x3F94];
	s0 =	simm.s32 @p0 $0x1  }
0x13: {  	[smem:$0x3FAF] =	sst s0;
	s0 =	simm.s32 @!p1 $0x0  }
0x14: {  	s2 =	sld [smem:$0x3F93];
	s0 =	simm.s32 @p1 $0x1  }
0x15: {  	[smem:$0x3FB0] =	sst s0;
	s0 =	simm.s32 @!p2 $0x0  }
0x16: {  	s3 =	sld [smem:$0x3FDB];
	s0 =	simm.s32 @p2 $0x1  }
0x17: {  	s4 =	simm.s32 $0x1BF5;
	[smem:$0x3FB2] =	sst s0  }
0x18: {  	s0 =	sld [smem:$0x3F95];
	_ =	swait.ge [sflag:s4], $0x0  }
0x19: {  	s7 =	sld [smem:$0x3F96]  }
0x1a: {  	s8 =	sadd.s32 $0xFFFFE003, lr  }
0x1b: {  	s9 =	sadd.s32 $0xFFFFFEF7, lr;
	s5 =	simm.s32 $0xFFFFFFFF;
	p2 =	slt.u32 s8, $0xFFFFF086  }
0x1c: {  	p1 =	slt.u32 s9, $0xF7A;
	s5 =	simm.s32 @!p2 $0x0  }
0x1d: {  	s5 =	simm.s32 @p1 $0x1;
	p0 =	seq.s32 s7, s2  }
0x1e: {  	s7 =	smul.u32 @!p0 $0xF7A, s2;
	p2 =	seq.s32 @!p0 s5, $0x0  }
0x1f: {  	s9 =	smul.u32 $0xF7A, s1;
	s8 =	simm.s32 @!p0 $0x1BF5;
	p2 =	por !p2, p0  }
0x20: {  	[sflag:s8] =	ssyncset.s32 @!p0 $0xFFFFF086;
	s6 =	sadd.s32 @!p0 s3, s7;
	s7 =	simm.s32 @!p0 $0x108  }
0x21: {  	s3 =	sadd.s32 s3, s9;
	s6 =	sadd.s32 @!p0 $0x88, s6;
	s7 =	simm.s32 @p2 $0x1082  }
0x22: {  	[simem:s7], [sflag:s8] =	dma.local @!p0 [hbm:s6], $0xF7A  }
0x23: {  	s9 =	sor.u32 $0xD0000000, s2;
	s6 =	simm.s32 $0x108;
	_ =	swait.ge @!p0 [sflag:s8], $0x0  }
0x24: {  	s3 =	sadd.s32 $0x88, s3;
	s6 =	simm.s32 @!p1 $0x1082;
	[sflag:s4] =	ssyncset.s32 $0xFFFFF086  }
0x25: {  	[simem:s6], [sflag:s4] =	dma.local [hbm:s3], $0xF7A  }
0x26: {  	[smem:$0x3F96] =	sst s1;
	(tag) =	ssettag s2;
	_ =	strace s9  }
0x27: {  	s1 =	sld [smem:$0x3FA6]  }
0x28: {  	s2 =	sld [smem:$0x3FA7]  }
0x29: {  	s4 =	sld [smem:$0x3FA9]  }
0x2a: {  	p0 =	seq.s32 s5, $0x0;
	s5 =	sld [smem:$0x3FAA]  }
0x2b: {  	s6 =	sld [smem:$0x3FAB]  }
0x2c: {  	s7 =	sld [smem:$0x3FAC]  }
0x2d: {  	s3 =	simm.s32 $0x108;
	s8 =	sld [smem:$0x3FAD]  }
0x2e: {  	s3 =	simm.s32 @!p0 $0x1082;
	s9 =	sld [smem:$0x3FAE]  }
0x2f: {  	lr =	sadd.s32 s0, s3;
	s0 =	sld [smem:$0x3FA5]  }
0x30: {  	s3 =	sld [smem:$0x3FA8]  }
0x31: {  	[smem:$0x3FB1] =	sst s10  }
0x32: {  	s10 =	sld [smem:$0x3FAF];
	_ =	sdelay $0x3  }
0x33: {  	p0 =	seq.s32 s10, $0x1;
	s10 =	sld [smem:$0x3FB1];
	_ =	sdelay $0x3  }
0x34: {  	[smem:$0x3FB1] =	sst s10  }
0x35: {  	s10 =	sld [smem:$0x3FB0];
	_ =	sdelay $0x3  }
0x36: {  	p1 =	seq.s32 s10, $0x1;
	s10 =	sld [smem:$0x3FB1];
	_ =	sdelay $0x3  }
0x37: {  	[smem:$0x3FB1] =	sst s10  }
0x38: {  	s10 =	sld [smem:$0x3FB2]  }
0x39: {  	_ = 	snop;
	(pc) =	sbr.ind lr, $3  }
0x3a: {  	_ = 	snop  }
0x3b: {  	_ = 	snop  }
0x3c: {  	p2 =	seq.s32 s10, $0x1;
	s10 =	sld [smem:$0x3FB1]  }
0x3d: {  	_ =	shalt  }
0x3e: {  	_ =	shalt  }
0x3f: {  	_ =	shalt  }
0x40: {  	_ =	shalt  }
0x41: {  	_ =	shalt  }
0x42: {  	_ =	shalt  }
0x43: {  	_ =	shalt  }
0x44: {  	_ =	shalt  }
0x45: {  	_ =	shalt  }
0x46: {  	_ =	shalt  }
0x47: {  	_ =	shalt  }
0x48: {  	_ =	shalt  }
0x49: {  	_ =	shalt  }
0x4a: {  	_ =	shalt  }
0x4b: {  	_ =	shalt  }
0x4c: {  	_ =	shalt  }
0x4d: {  	_ =	shalt  }
0x4e: {  	_ =	shalt  }
0x4f: {  	_ =	shalt  }
0x50: {  	_ =	shalt  }
0x51: {  	_ =	shalt  }
0x52: {  	_ =	shalt  }
0x53: {  	_ =	shalt  }
0x54: {  	_ =	shalt  }
0x55: {  	_ =	shalt  }
0x56: {  	_ =	shalt  }
0x57: {  	_ =	shalt  }
0x58: {  	_ =	shalt  }
0x59: {  	_ =	shalt  }
0x5a: {  	_ =	shalt  }
0x5b: {  	_ =	shalt  }
0x5c: {  	_ =	shalt  }
0x5d: {  	_ =	shalt  }
0x5e: {  	_ =	shalt  }
0x5f: {  	_ =	shalt  }
0x60: {  	_ =	shalt  }
0x61: {  	_ =	shalt  }
0x62: {  	_ =	shalt  }
0x63: {  	_ =	shalt  }
0x64: {  	_ =	shalt  }
0x65: {  	_ =	shalt  }
0x66: {  	_ =	shalt  }
0x67: {  	_ =	shalt  }
0x68: {  	_ =	shalt  }
0x69: {  	_ =	shalt  }
0x6a: {  	_ =	shalt  }
0x6b: {  	_ =	shalt  }
0x6c: {  	_ =	shalt  }
0x6d: {  	_ =	shalt  }
0x6e: {  	_ =	shalt  }
0x6f: {  	_ =	shalt  }
0x70: {  	_ =	shalt  }
0x71: {  	_ =	shalt  }
0x72: {  	_ =	shalt  }
0x73: {  	_ =	shalt  }
0x74: {  	_ =	shalt  }
0x75: {  	_ =	shalt  }
0x76: {  	_ =	shalt  }
0x77: {  	_ =	shalt  }
0x78: {  	_ =	shalt  }
0x79: {  	_ =	shalt  }
0x7a: {  	_ =	shalt  }
0x7b: {  	_ =	shalt  }
0x7c: {  	_ =	shalt  }
0x7d: {  	_ =	shalt  }
0x7e: {  	_ =	shalt  }
0x7f: {  	_ =	shalt  }
0x80: {  	_ =	shalt  }
0x81: {  	_ =	shalt  }
0x82: {  	_ =	shalt  }
0x83: {  	_ =	shalt  }
0x84: {  	_ =	shalt  }
0x85: {  	_ =	shalt  }
0x86: {  	_ =	shalt  }
0x87: {  	_ =	shalt  }
.Lfunc_end0:
.L_simem_size_0:
called_computation.1_lowered:
.L_overlay_start_0:
0x88: {  	s2 =	sld [smem:$0x3FD9]  }
0x89: {  	s3 =	sld [smem:$0x3FFE];
	_ =	sdelay $0x1  }
0x8a: {  	s1 =	srdreg.scid  }
0x8b: {  	s0 =	sand.u32 $0x1, s1  }
0x8c: {  	s14 =	sshll.u32 s0, $0xA;
	s2 =	sadd.s32 s3, s2  }
0x8d: {  	s2 =	sadd.s32 s2, s14  }
0x8e: {  	[smem:$0x3FBD] =	sst s2  }
0x8f: {  	_ = 	snop  }
0x90: {  	s2 =	sld [smem:$0x3FD0];
	_ =	sdelay $0x2  }
0x91: {  	s15 =	simm.s32 $0xA;
	s4 =	simm.s32 $0x10  }
0x92: {  	[smem:s4], [sflag:s15] =	dma.local [hbm:s2], $0x1  }
0x93: {  	_ =	swait.eq [sflag:s15], $0x1  }
0x94: {  	[sflag:s15] =	ssyncset.done $0x0  }
0x95: {  	s16 =	sld [smem:$0x10];
	[sflag:s15] =	ssyncadd.s32 $0xFFFFFFFF  }
0x96: {  	s17 =	sld [smem:$0x11];
	(tm) =	ssettm $0x1  }
0x97: {  	s18 =	sld [smem:$0x3FFB];
	_ =	sdelay $0x3  }
0x98: {  	_ =	strace s18  }
0x99: {  	s4 =	sld [smem:$0x3FFC];
	_ =	sdelay $0x3  }
0x9a: {  	_ =	strace s4  }
0x9b: {  	s4 =	sld [smem:$0x3FFD];
	_ =	sdelay $0x3  }
0x9c: {  	_ =	strace s4  }
0x9d: {  	_ =	strace $0x8FFFFFFF  }
0x9e: {  	s19 =	sld [smem:$0x3FDB];
	_ =	sdelay $0x1  }
0x9f: {  	s5 =	simm.s32 $_scs_section_size  }
0xa0: {  	s6 =	simm.s32 $_size__tile_overlayer_lowered;
	s7 =	simm.s32 $_tile_overlayer_lowered  }
0xa1: {  	s22 =	simm.s32 $0x1BFF;
	s21 =	sshll.u32 s7, $0x1;
	s4 =	sadd.s32 s5, s19  }
0xa2: {  	s8 =	simm.s32 $0x0;
	s20 =	sshll.u32 s6, $0x1;
	s6 =	sadd.s32 s21, s4  }
0xa3: {  	[timem:s8], [sflag:s22] =	dma.local [hbm:s6], s20  }
0xa4: {  	_ =	swait.ge [sflag:s22], s20  }
0xa5: {  	s5 =	ssub.s32 $0x0, s20;
	[sflag:s22] =	ssyncset.done $0x0  }
0xa6: {  	[sflag:s22] =	ssyncadd.s32 s5;
	_ =	sdelay $0x1  }
0xa7: {  	s23 =	simm.s32 $0x1B8B  }
0xa8: {  	_ =	swait.ge [sflag:s23], $0x1  }
0xa9: {  	[sflag:s23] =	ssyncset.done $0x0  }
0xaa: {  	s25 =	simm.s32 $0x1B8E;
	s24 =	sld [smem:$0x3FFE];
	[sflag:s23] =	ssyncadd.s32 $0xFFFFFFFF  }
0xab: {  	s26 =	simm.s32 $execute0_lowered;
	[smem:$0x3FD2] =	sst s25  }
0xac: {  	s6 =	sshll.u32 s26, $0x1;
	_ =	strace $0x80000049;
	[dreg:$0x1] =	wrdreg $0xFFFFFFFF  }
0xad: {  	s28 =	simm.s32 $_size_execute0_lowered;
	s4 =	sadd.s32 s4, s6;
	[dreg:$0x0] =	wrdreg $0x0  }
0xae: {  	s6 =	sshll.u32 s28, $0x1;
	[dreg:$0x2] =	wrdreg s4  }
0xaf: {  	[dreg:$0x3] =	wrdreg s6  }
0xb0: {  	[dreg:$0x4] =	wrdreg $0xC0  }
0xb1: {  	_ =	task [dreg:s8], $0x5FFFF  }
0xb2: {  	[dreg:$0x1] =	wrdreg $0xFFFFFFFF  }
0xb3: {  	[dreg:$0x0] =	wrdreg $0x60  }
0xb4: {  	[dreg:$0x2] =	wrdreg s16  }
0xb5: {  	[dreg:$0x3] =	wrdreg s24  }
0xb6: {  	[dreg:$0x4] =	wrdreg s17  }
0xb7: {  	[dreg:$0x5] =	wrdreg $0xA8000  }
0xb8: {  	[dreg:$0x6] =	wrdreg $0x9  }
0xb9: {  	_ =	task.clear_ibuf [dreg:s8], $0x7FFFF;
	_ =	strace $0x90000049  }
0xba: {  	s29 =	simm.s32 $0x9;
	_ =	strace $0x8000004B  }
0xbb: {  	_ =	swait.ge [sflag:s29], $0x1  }
0xbc: {  	[sflag:s29] =	ssyncadd.s32 $0xFFFFFFFF  }
0xbd: {  	_ =	strace $0x9000004B  }
0xbe: {  	_ =	sfence  }
0xbf: {  	s30 =	sld [smem:$0x0];
	_ =	sdelay $0x2  }
0xc0: {  	s31 =	sshll.u32 s1, $0xD;
	s1 =	sshrl.u32 s1, $0x2  }
0xc1: {  	s3 =	sand.u32 $0x4000, s31;
	s1 =	sadd.s32 s1, s30  }
0xc2: {  	s0 =	sor.u32 s3, s0;
	s1 =	sshll.u32 s1, $0x11  }
0xc3: {  	s0 =	sor.u32 s1, s0  }
0xc4: {  	s0 =	sadd.s32 $0x8F2B, s0  }
0xc5: {  	[sflag:s0] =	ssyncadd.remote.s32 $0x1  }
0xc6: {  	_ =	sfence.sel $0xFFFF  }
0xc7: {  	[dreg:$0x0] =	wrdreg $0xFFFFFFFF;
	(pc) =	sbr.abs _section_cstart, $3  }
0xc8: {  	[dreg:$0x1] =	wrdreg $0xFFFFFFFF  }
0xc9: {  	_ =	task.clear_ibuf [dreg:s8], $0x2FFFF;
	_ =	strace $0x9FFFFFFF  }
0xca: {  	(tm) =	ssettm $0x7FFFFFFF  }
0xcb: {  	_ =	shalt  }
tec
execute0_lowered:
.L_overlay_start_1:
0x0: {  	(tag) =	ssettag $0x1  }
0x1: {  	s1 =	rddreg [dreg:$0x0]  }
0x2: {  	s5 =	rddreg [dreg:$0x1]  }
0x3: {  	s14 =	rddreg [dreg:$0x2]  }
0x4: {  	s2 =	rddreg [dreg:$0x3];
	s4 =	simm.s32 $0x0;
	s6 =	srdreg.scid  }
0x5: {  	s3 =	stileid.u32;
	s18 =	simm.s32 $0x1400;
	s19 =	simm.s32 $0x80  }
0x6: {  	s20 =	simm.s32 $0x6800;
	s21 =	simm.s32 $0x1;
	s22 =	simm.s32 $0x2  }
0x7: {  	s23 =	simm.s32 $0x1380;
	s24 =	simm.s32 $0x2700;
	s25 =	simm.s32 $0x2780  }
0x8: {  	s26 =	simm.s32 $0x0;
	[smem:$0x7FF] =	sst s4;
	s6 =	sand.u32 $0x1, s6  }
0x9: {  	s8 =	smul.u32 $0x4F000, s3;
	s12 =	sadd.s32 $0xEE00, s5;
	s13 =	sadd.s32 $0x4E00, s5  }
0xa: {  	s16 =	smul.u32 $0x13C00, s3;
	_ =	strace $0x8000004A;
	s7 =	sshll.u32 s6, $0x4  }
0xb: {  	s31 =	ssub.s32 $0x2, s6;
	s11 =	smul.u32 $0x13C000, s6;
	s30 =	sor.u32 s3, s7  }
0xc: {  	s8 =	sshrl.u32 s8, $0x2;
	s10 =	sshrl.u32 s31, $0x1;
	s9 =	smul.u32 $0x2800, s30  }
0xd: {  	s5 =	sadd.s32 s8, s2;
	s15 =	ssub.s32 s31, s10;
	s16 =	sadd.s32 s16, s11  }
0xe: {  	s6 =	sadd.s32 $0x4000, s5;
	s7 =	sadd.s32 $0x8000, s5;
	s8 =	sadd.s32 $0xC000, s5  }
0xf: {  	s16 =	sshrl.u32 s16, $0x3;
	s15 =	smax.u32 s15, $0x1;
	s17 =	sshrl.u32 s9, $0x3  }
0x10: {  	s9 =	sadd.s32 $0x10000, s5;
	s14 =	sadd.s32 s14, s16;
	s16 =	simm.s32 $0x2800  }
0x11: {  	s10 =	sadd.s32 s12, s17;
	s11 =	sadd.s32 s13, s17;
	s17 =	sadd.s32 $0x280, s17  }
0x12: {  	v0 =	vimm.f32 $0.0e+00;
	s12 =	sadd.s32 s12, s17;
	s13 =	sadd.s32 s13, s17;
	s17 =	simm.s32 $0x3  }
.LBB2_1:
0x13: {  	s28 =	sand.u32 $0xFE00, s4  }
0x14: {  	s29 =	sand.u32 $0x70, s4;
	s30 =	sshrl.u32 s28, $0x2  }
0x15: {  	s28 =	simm.s32 $0x40;
	s30 =	sor.u32 s29, s30;
	s29 =	simm.s32 $0x0  }
.LBB2_2:
0x16: {  	p0 =	sne.s32 s28, $0xFFC0  }
0x17: {  	[tilespmem:s30+$0x2800] =	vst v0;
	s29 =	sadd.s32 $0x10, s29;
	s30 =	smov.u32 s28;
	s28 =	sadd.s32 $0x40, s28  }
.Ltmp0:
0x18: {  	(pc) =	sbr.rel @p0 .LBB2_2-.Ltmp0, $4  }
0x19: {  	_ = 	snop  }
0x1a: {  	s30 =	sand.u32 $0xFE00, s30  }
0x1b: {  	s31 =	sand.u32 $0x70, s29;
	s30 =	sshrl.u32 s30, $0x2  }
0x1c: {  	s30 =	sor.u32 s31, s30  }
0x1d: {  	[tilespmem:s30+$0x2800] =	vst v0  }
0x1e: {  	[spmem:s5] =	stream.linear.scatter [tilespmem:s16], [sflag:$0x3], $0x4000, $0x38;
	[tilespmem:$0x1E400] =	vst v63  }
0x1f: {  	_ =	swait.ge [sflag:s17], $0x4000  }
0x20: {  	[sflag:s17] =	ssyncset.done $0x0  }
0x21: {  	[sflag:s17] =	ssyncadd.s32 $0xFFFFC000  }
0x22: {  	[spmem:s6] =	stream.linear.scatter [tilespmem:s16], [sflag:$0x3], $0x4000, $0x38;
	[tilespmem:$0x1E400] =	vst v63  }
0x23: {  	_ =	swait.ge [sflag:s17], $0x4000  }
0x24: {  	[sflag:s17] =	ssyncset.done $0x0  }
0x25: {  	[sflag:s17] =	ssyncadd.s32 $0xFFFFC000  }
0x26: {  	[spmem:s7] =	stream.linear.scatter [tilespmem:s16], [sflag:$0x3], $0x4000, $0x38;
	[tilespmem:$0x1E400] =	vst v63  }
0x27: {  	_ =	swait.ge [sflag:s17], $0x4000  }
0x28: {  	[sflag:s17] =	ssyncset.done $0x0  }
0x29: {  	[sflag:s17] =	ssyncadd.s32 $0xFFFFC000  }
0x2a: {  	[spmem:s8] =	stream.linear.scatter [tilespmem:s16], [sflag:$0x3], $0x4000, $0x38;
	[tilespmem:$0x1E400] =	vst v63  }
0x2b: {  	_ =	swait.ge [sflag:s17], $0x4000  }
0x2c: {  	[sflag:s17] =	ssyncset.done $0x0  }
0x2d: {  	[sflag:s17] =	ssyncadd.s32 $0xFFFFC000  }
0x2e: {  	[spmem:s9] =	stream.linear.scatter [tilespmem:s16], [sflag:$0x3], $0x3C00, $0x38;
	[tilespmem:$0x1E400] =	vst v63  }
0x2f: {  	_ =	swait.ge [sflag:s17], $0x3C00  }
0x30: {  	[sflag:s17] =	ssyncset.done $0x0  }
0x31: {  	[sflag:s17] =	ssyncadd.s32 $0xFFFFC400  }
0x32: {  	s28 =	simm.s32 $0x0;
	[bflag:$0x0] =	sbarrier.arrive $0xFFFF  }
0x33: {  	[tilespmem:s28], [sflag:$0x3] =	stream.linear.gather [hbm4b:s10+s28], $0x1400, $0x38;
	[tilespmem:$0x1E400] =	vst v63  }
0x34: {  	_ =	swait.ge [sflag:s17], $0x1400  }
0x35: {  	[sflag:s17] =	ssyncset.done $0x0  }
0x36: {  	[sflag:s17] =	ssyncadd.s32 $0xFFFFEC00  }
0x37: {  	[tilespmem:s18], [sflag:$0x3] =	stream.linear.gather [hbm4b:s11+s28], $0x1400, $0x38;
	[tilespmem:$0x1E400] =	vst v63  }
0x38: {  	_ =	swait.ge [sflag:s17], $0x1400  }
0x39: {  	[sflag:s17] =	ssyncset.done $0x0  }
0x3a: {  	[sflag:s17] =	ssyncadd.s32 $0xFFFFEC00  }
0x3b: {  	[tilespmem:s16], [sflag:$0x1] =	stream.indirect.gather [hbm4b:s1+s19], $0x80, s28, s19, $0xb8;
	[tilespmem:$0x1E400] =	vst v63  }
0x3c: {  	s28 =	simm.s32 $0x80  }
0x3d: {  	[tilespmem:s20], [sflag:$0x2] =	stream.indirect.gather [hbm4b:s1+s19], $0x80, s28, s19, $0xb8;
	[tilespmem:$0x1E400] =	vst v63  }
0x3e: {  	_ =	swait.ge [sflag:s21], $0x4000  }
0x3f: {  	[sflag:s21] =	ssyncset.done $0x0  }
0x40: {  	s28 =	simm.s32 $0x1400;
	[sflag:s21] =	ssyncadd.s32 $0xFFFFC000  }
0x41: {  	[spmem:s2] =	stream.indirect.scatter.add.f32 [tilespmem:s16], [sflag:$0x3], $0x80, s28, s19, $0xb8;
	[tilespmem:$0x1E400] =	vst v63  }
0x42: {  	_ =	swait.ge [sflag:s17], $0x4000  }
0x43: {  	[sflag:s17] =	ssyncset.done $0x0  }
0x44: {  	s28 =	simm.s32 $0x100;
	[sflag:s17] =	ssyncadd.s32 $0xFFFFC000  }
0x45: {  	[tilespmem:s16], [sflag:$0x1] =	stream.indirect.gather [hbm4b:s1+s19], $0x80, s28, s19, $0xb8;
	[tilespmem:$0x1E400] =	vst v63  }
0x46: {  	_ =	swait.ge [sflag:s22], $0x4000  }
0x47: {  	[sflag:s22] =	ssyncset.done $0x0  }
0x48: {  	s28 =	simm.s32 $0x1480;
	[sflag:s22] =	ssyncadd.s32 $0xFFFFC000  }
0x49: {  	[spmem:s2] =	stream.indirect.scatter.add.f32 [tilespmem:s20], [sflag:$0x3], $0x80, s28, s19, $0xb8;
	[tilespmem:$0x1E400] =	vst v63  }
0x4a: {  	_ =	swait.ge [sflag:s17], $0x4000  }
0x4b: {  	s29 =	simm.s32 $0x800;
	s28 =	simm.s32 $0x100;
	[sflag:s17] =	ssyncset.done $0x0  }
.LBB2_4:
0x4c: {  	s30 =	sadd.s32 $0x80, s28  }
0x4d: {  	[sflag:s17] =	ssyncadd.s32 $0xFFFFC000;
	s31 =	smov.u32 s29;
	s0 =	sadd.s32 $0x400, s29  }
0x4e: {  	[tilespmem:s20], [sflag:$0x2] =	stream.indirect.gather [hbm4b:s1+s19], $0x80, s30, s19, $0xb8;
	[tilespmem:$0x1E400] =	vst v63  }
0x4f: {  	p0 =	sne.s32 s29, $0x4800;
	_ =	swait.ge [sflag:s21], $0x4000  }
0x50: {  	[sflag:s21] =	ssyncset.done $0x0  }
0x51: {  	s29 =	sadd.s32 $0x1400, s28;
	[sflag:s21] =	ssyncadd.s32 $0xFFFFC000  }
0x52: {  	[spmem:s2] =	stream.indirect.scatter.add.f32 [tilespmem:s16], [sflag:$0x3], $0x80, s29, s19, $0xb8;
	[tilespmem:$0x1E400] =	vst v63  }
0x53: {  	_ =	swait.ge [sflag:s17], $0x4000  }
0x54: {  	[sflag:s17] =	ssyncset.done $0x0  }
0x55: {  	s29 =	sadd.s32 $0x100, s28;
	[sflag:s17] =	ssyncadd.s32 $0xFFFFC000  }
0x56: {  	[tilespmem:s16], [sflag:$0x1] =	stream.indirect.gather [hbm4b:s1+s19], $0x80, s29, s19, $0xb8;
	[tilespmem:$0x1E400] =	vst v63  }
0x57: {  	_ =	swait.ge [sflag:s22], $0x4000  }
.Ltmp1:
0x58: {  	[sflag:s22] =	ssyncset.done $0x0;
	(pc) =	sbr.rel @p0 .LBB2_4-.Ltmp1, $4  }
0x59: {  	s28 =	sadd.s32 $0x1480, s28;
	[sflag:s22] =	ssyncadd.s32 $0xFFFFC000  }
0x5a: {  	[spmem:s2] =	stream.indirect.scatter.add.f32 [tilespmem:s20], [sflag:$0x3], $0x80, s28, s19, $0xb8;
	[tilespmem:$0x1E400] =	vst v63  }
0x5b: {  	_ =	swait.ge [sflag:s17], $0x4000  }
0x5c: {  	s29 =	smov.u32 s0;
	s28 =	sshra.s32 s31, $0x2;
	[sflag:s17] =	ssyncset.done $0x0  }
0x5d: {  	s0 =	sadd.s32 $0x80, s28;
	[sflag:s17] =	ssyncadd.s32 $0xFFFFC000  }
0x5e: {  	[tilespmem:s20], [sflag:$0x2] =	stream.indirect.gather [hbm4b:s1+s19], $0x80, s0, s19, $0xb8;
	[tilespmem:$0x1E400] =	vst v63  }
0x5f: {  	_ =	swait.ge [sflag:s21], $0x4000  }
0x60: {  	[sflag:s21] =	ssyncset.done $0x0  }
0x61: {  	s30 =	sadd.s32 $0x1400, s28;
	[sflag:s21] =	ssyncadd.s32 $0xFFFFC000  }
0x62: {  	[spmem:s2] =	stream.indirect.scatter.add.f32 [tilespmem:s16], [sflag:$0x3], $0x80, s30, s19, $0xb8;
	[tilespmem:$0x1E400] =	vst v63  }
0x63: {  	_ =	swait.ge [sflag:s17], $0x4000  }
0x64: {  	[sflag:s17] =	ssyncset.done $0x0  }
0x65: {  	s31 =	sadd.s32 $0x100, s28;
	[sflag:s17] =	ssyncadd.s32 $0xFFFFC000  }
0x66: {  	[tilespmem:s16], [sflag:$0x1] =	stream.indirect.gather [hbm4b:s1+s19], $0x80, s31, s19, $0xb8;
	[tilespmem:$0x1E400] =	vst v63  }
0x67: {  	_ =	swait.ge [sflag:s22], $0x4000  }
0x68: {  	[sflag:s22] =	ssyncset.done $0x0  }
0x69: {  	s30 =	sadd.s32 $0x1480, s28;
	[sflag:s22] =	ssyncadd.s32 $0xFFFFC000  }
0x6a: {  	[spmem:s2] =	stream.indirect.scatter.add.f32 [tilespmem:s20], [sflag:$0x3], $0x80, s30, s19, $0xb8;
	[tilespmem:$0x1E400] =	vst v63  }
0x6b: {  	_ =	swait.ge [sflag:s17], $0x4000  }
0x6c: {  	[sflag:s17] =	ssyncset.done $0x0  }
0x6d: {  	[sflag:s17] =	ssyncadd.s32 $0xFFFFC000  }
0x6e: {  	[tilespmem:s20], [sflag:$0x2] =	stream.indirect.gather [hbm4b:s1+s19], $0x80, s23, s19, $0xb8;
	[tilespmem:$0x1E400] =	vst v63  }
0x6f: {  	_ =	swait.ge [sflag:s21], $0x4000  }
0x70: {  	[sflag:s21] =	ssyncset.done $0x0  }
0x71: {  	[sflag:s21] =	ssyncadd.s32 $0xFFFFC000  }
0x72: {  	[spmem:s2] =	stream.indirect.scatter.add.f32 [tilespmem:s16], [sflag:$0x3], $0x80, s24, s19, $0xb8;
	[tilespmem:$0x1E400] =	vst v63  }
0x73: {  	_ =	swait.ge [sflag:s17], $0x4000  }
0x74: {  	[sflag:s17] =	ssyncset.done $0x0  }
0x75: {  	[sflag:s17] =	ssyncadd.s32 $0xFFFFC000  }
0x76: {  	[tilespmem:s16], [sflag:$0x1] =	stream.indirect.gather [hbm4b:s1+s19], $0x80, s23, s19, $0xb8;
	[tilespmem:$0x1E400] =	vst v63  }
0x77: {  	_ =	swait.ge [sflag:s22], $0x4000  }
0x78: {  	[sflag:s22] =	ssyncset.done $0x0  }
0x79: {  	[sflag:s22] =	ssyncadd.s32 $0xFFFFC000  }
0x7a: {  	[spmem:s2] =	stream.indirect.scatter.add.f32 [tilespmem:s20], [sflag:$0x3], $0x80, s25, s19, $0xb8;
	[tilespmem:$0x1E400] =	vst v63  }
0x7b: {  	_ =	swait.ge [sflag:s17], $0x4000  }
0x7c: {  	[sflag:s17] =	ssyncset.done $0x0  }
0x7d: {  	[sflag:s17] =	ssyncadd.s32 $0xFFFFC000  }
0x7e: {  	_ =	swait.ge [sflag:s21], $0x4000  }
0x7f: {  	[sflag:s21] =	ssyncset.done $0x0  }
0x80: {  	s31 =	simm.s32 $0x0;
	[sflag:s21] =	ssyncadd.s32 $0xFFFFC000  }
0x81: {  	[tilespmem:s31], [sflag:$0x3] =	stream.linear.gather [hbm4b:s12+s31], $0x1400, $0x38;
	[tilespmem:$0x1E400] =	vst v63  }
0x82: {  	_ =	swait.ge [sflag:s17], $0x1400  }
0x83: {  	[sflag:s17] =	ssyncset.done $0x0  }
0x84: {  	[sflag:s17] =	ssyncadd.s32 $0xFFFFEC00  }
0x85: {  	[tilespmem:s18], [sflag:$0x3] =	stream.linear.gather [hbm4b:s13+s31], $0x1400, $0x38;
	[tilespmem:$0x1E400] =	vst v63  }
0x86: {  	_ =	swait.ge [sflag:s17], $0x1400  }
0x87: {  	[sflag:s17] =	ssyncset.done $0x0  }
0x88: {  	[sflag:s17] =	ssyncadd.s32 $0xFFFFEC00  }
0x89: {  	[tilespmem:s16], [sflag:$0x1] =	stream.indirect.gather [hbm4b:s1+s19], $0x80, s31, s19, $0xb8;
	[tilespmem:$0x1E400] =	vst v63  }
0x8a: {  	s30 =	simm.s32 $0x80  }
0x8b: {  	[tilespmem:s20], [sflag:$0x2] =	stream.indirect.gather [hbm4b:s1+s19], $0x80, s30, s19, $0xb8;
	[tilespmem:$0x1E400] =	vst v63  }
0x8c: {  	_ =	swait.ge [sflag:s21], $0x4000  }
0x8d: {  	[sflag:s21] =	ssyncset.done $0x0  }
0x8e: {  	s31 =	simm.s32 $0x1400;
	[sflag:s21] =	ssyncadd.s32 $0xFFFFC000  }
0x8f: {  	[spmem:s2] =	stream.indirect.scatter.add.f32 [tilespmem:s16], [sflag:$0x3], $0x80, s31, s19, $0xb8;
	[tilespmem:$0x1E400] =	vst v63  }
0x90: {  	_ =	swait.ge [sflag:s17], $0x4000  }
0x91: {  	[sflag:s17] =	ssyncset.done $0x0  }
0x92: {  	s30 =	simm.s32 $0x100;
	[sflag:s17] =	ssyncadd.s32 $0xFFFFC000  }
0x93: {  	[tilespmem:s16], [sflag:$0x1] =	stream.indirect.gather [hbm4b:s1+s19], $0x80, s30, s19, $0xb8;
	[tilespmem:$0x1E400] =	vst v63  }
0x94: {  	_ =	swait.ge [sflag:s22], $0x4000  }
0x95: {  	[sflag:s22] =	ssyncset.done $0x0  }
0x96: {  	s31 =	simm.s32 $0x1480;
	[sflag:s22] =	ssyncadd.s32 $0xFFFFC000  }
0x97: {  	[spmem:s2] =	stream.indirect.scatter.add.f32 [tilespmem:s20], [sflag:$0x3], $0x80, s31, s19, $0xb8;
	[tilespmem:$0x1E400] =	vst v63  }
0x98: {  	_ =	swait.ge [sflag:s17], $0x4000  }
0x99: {  	s29 =	simm.s32 $0x800;
	s28 =	simm.s32 $0x100;
	[sflag:s17] =	ssyncset.done $0x0  }
.LBB2_6:
0x9a: {  	s0 =	sadd.s32 $0x80, s28  }
0x9b: {  	[sflag:s17] =	ssyncadd.s32 $0xFFFFC000;
	s30 =	smov.u32 s29;
	s31 =	sadd.s32 $0x400, s29  }
0x9c: {  	[tilespmem:s20], [sflag:$0x2] =	stream.indirect.gather [hbm4b:s1+s19], $0x80, s0, s19, $0xb8;
	[tilespmem:$0x1E400] =	vst v63  }
0x9d: {  	p0 =	sne.s32 s29, $0x4800;
	_ =	swait.ge [sflag:s21], $0x4000  }
0x9e: {  	[sflag:s21] =	ssyncset.done $0x0  }
0x9f: {  	s0 =	sadd.s32 $0x1400, s28;
	[sflag:s21] =	ssyncadd.s32 $0xFFFFC000  }
0xa0: {  	[spmem:s2] =	stream.indirect.scatter.add.f32 [tilespmem:s16], [sflag:$0x3], $0x80, s0, s19, $0xb8;
	[tilespmem:$0x1E400] =	vst v63  }
0xa1: {  	_ =	swait.ge [sflag:s17], $0x4000  }
0xa2: {  	[sflag:s17] =	ssyncset.done $0x0  }
0xa3: {  	s0 =	sadd.s32 $0x100, s28;
	[sflag:s17] =	ssyncadd.s32 $0xFFFFC000  }
0xa4: {  	[tilespmem:s16], [sflag:$0x1] =	stream.indirect.gather [hbm4b:s1+s19], $0x80, s0, s19, $0xb8;
	[tilespmem:$0x1E400] =	vst v63  }
0xa5: {  	_ =	swait.ge [sflag:s22], $0x4000  }
.Ltmp2:
0xa6: {  	[sflag:s22] =	ssyncset.done $0x0;
	(pc) =	sbr.rel @p0 .LBB2_6-.Ltmp2, $4  }
0xa7: {  	s0 =	sadd.s32 $0x1480, s28;
	[sflag:s22] =	ssyncadd.s32 $0xFFFFC000  }
0xa8: {  	[spmem:s2] =	stream.indirect.scatter.add.f32 [tilespmem:s20], [sflag:$0x3], $0x80, s0, s19, $0xb8;
	[tilespmem:$0x1E400] =	vst v63  }
0xa9: {  	_ =	swait.ge [sflag:s17], $0x4000  }
0xaa: {  	s29 =	smov.u32 s31;
	s28 =	sshra.s32 s30, $0x2;
	[sflag:s17] =	ssyncset.done $0x0  }
0xab: {  	s0 =	sadd.s32 $0x80, s28;
	[sflag:s17] =	ssyncadd.s32 $0xFFFFC000  }
0xac: {  	[tilespmem:s20], [sflag:$0x2] =	stream.indirect.gather [hbm4b:s1+s19], $0x80, s0, s19, $0xb8;
	[tilespmem:$0x1E400] =	vst v63  }
0xad: {  	_ =	swait.ge [sflag:s21], $0x4000  }
0xae: {  	[sflag:s21] =	ssyncset.done $0x0  }
0xaf: {  	s30 =	sadd.s32 $0x1400, s28;
	[sflag:s21] =	ssyncadd.s32 $0xFFFFC000  }
0xb0: {  	[spmem:s2] =	stream.indirect.scatter.add.f32 [tilespmem:s16], [sflag:$0x3], $0x80, s30, s19, $0xb8;
	[tilespmem:$0x1E400] =	vst v63  }
0xb1: {  	_ =	swait.ge [sflag:s17], $0x4000  }
0xb2: {  	[sflag:s17] =	ssyncset.done $0x0  }
0xb3: {  	s31 =	sadd.s32 $0x100, s28;
	[sflag:s17] =	ssyncadd.s32 $0xFFFFC000  }
0xb4: {  	[tilespmem:s16], [sflag:$0x1] =	stream.indirect.gather [hbm4b:s1+s19], $0x80, s31, s19, $0xb8;
	[tilespmem:$0x1E400] =	vst v63  }
0xb5: {  	_ =	swait.ge [sflag:s22], $0x4000  }
0xb6: {  	[sflag:s22] =	ssyncset.done $0x0  }
0xb7: {  	s29 =	sadd.s32 $0x1480, s28;
	[sflag:s22] =	ssyncadd.s32 $0xFFFFC000  }
0xb8: {  	[spmem:s2] =	stream.indirect.scatter.add.f32 [tilespmem:s20], [sflag:$0x3], $0x80, s29, s19, $0xb8;
	[tilespmem:$0x1E400] =	vst v63  }
0xb9: {  	_ =	swait.ge [sflag:s17], $0x4000  }
0xba: {  	[sflag:s17] =	ssyncset.done $0x0  }
0xbb: {  	[sflag:s17] =	ssyncadd.s32 $0xFFFFC000  }
0xbc: {  	[tilespmem:s20], [sflag:$0x2] =	stream.indirect.gather [hbm4b:s1+s19], $0x80, s23, s19, $0xb8;
	[tilespmem:$0x1E400] =	vst v63  }
0xbd: {  	_ =	swait.ge [sflag:s21], $0x4000  }
0xbe: {  	[sflag:s21] =	ssyncset.done $0x0  }
0xbf: {  	[sflag:s21] =	ssyncadd.s32 $0xFFFFC000  }
0xc0: {  	[spmem:s2] =	stream.indirect.scatter.add.f32 [tilespmem:s16], [sflag:$0x3], $0x80, s24, s19, $0xb8;
	[tilespmem:$0x1E400] =	vst v63  }
0xc1: {  	_ =	swait.ge [sflag:s17], $0x4000  }
0xc2: {  	[sflag:s17] =	ssyncset.done $0x0  }
0xc3: {  	[sflag:s17] =	ssyncadd.s32 $0xFFFFC000  }
0xc4: {  	[tilespmem:s16], [sflag:$0x1] =	stream.indirect.gather [hbm4b:s1+s19], $0x80, s23, s19, $0xb8;
	[tilespmem:$0x1E400] =	vst v63  }
0xc5: {  	_ =	swait.ge [sflag:s22], $0x4000  }
0xc6: {  	[sflag:s22] =	ssyncset.done $0x0  }
0xc7: {  	[sflag:s22] =	ssyncadd.s32 $0xFFFFC000  }
0xc8: {  	[spmem:s2] =	stream.indirect.scatter.add.f32 [tilespmem:s20], [sflag:$0x3], $0x80, s25, s19, $0xb8;
	[tilespmem:$0x1E400] =	vst v63  }
0xc9: {  	_ =	swait.ge [sflag:s17], $0x4000  }
0xca: {  	[sflag:s17] =	ssyncset.done $0x0  }
0xcb: {  	[sflag:s17] =	ssyncadd.s32 $0xFFFFC000  }
0xcc: {  	_ =	swait.ge [sflag:s21], $0x4000  }
0xcd: {  	s26 =	sadd.s32 $0x1, s26;
	s30 =	sshll.u32 s3, $0x6;
	[sflag:s21] =	ssyncset.done $0x0  }
0xce: {  	p0 =	sne.s32 s26, s15;
	s0 =	sor.u32 $0x1C03, s30;
	[sflag:s21] =	ssyncadd.s32 $0xFFFFC000  }
.Ltmp3:
0xcf: {  	s31 =	sshrl.u32 s5, $0x3;
	[bflag:$0x0] =	sbarrier.arrive $0xFFFF;
	(pc) =	sbr.rel @p0 .LBB2_1-.Ltmp3, $4  }
0xd0: {  	[hbm:s14], [sflag:s0] =	dma.local [spmem:s31], $0x2780  }
0xd1: {  	_ =	swait.ge [sflag:s17], $0x2780  }
0xd2: {  	[sflag:s17] =	ssyncset.done $0x0  }
0xd3: {  	[sflag:s17] =	ssyncadd.s32 $0xFFFFD880  }
0xd4: {  	_ =	sfence.sel $0x180000  }
0xd5: {  	[bflag:$0x0] =	sbarrier.arrive $0xFFFF  }
0xd6: {  	_ =	strace $0x9000004A  }
0xd7: {  	[bflag:$0x2] =	sbarrier.arrive $0xFFFF  }
0xd8: {  	p0 =	sne.s32 s3, $0x0;
	s0 =	rddreg [dreg:$0x4]  }
0xd9: {  	s0 =	sadd.s32 @!p0 $0x100000, s0  }
0xda: {  	[sflag:s0] =	ssyncadd.tile.s32 @!p0 $0x1;
	_ =	shalt  }
.Lfunc_end2:
_tile_overlayer_lowered:
.L_overlay_start_2:
0xdb: {  	(tag) =	ssettag $0x2  }
0xdc: {  	s0 =	rddreg [dreg:$0x0];
	s2 =	stileid.u32  }
0xdd: {  	s1 =	rddreg [dreg:$0x1];
	p0 =	sne.s32 s2, $0x0  }
0xde: {  	s3 =	rddreg [dreg:$0x2];
	[bflag:$0x3] =	sbarrier.arrive $0xFFFF;
	s2 =	simm.s32 @!p0 $0x1C03  }
0xdf: {  	[timem:s3], [sflag:s2] =	dma.local @!p0 [hbm:s0], s1  }
0xe0: {  	s0 =	simm.s32 @!p0 $0x3  }
0xe1: {  	_ =	swait.ge @!p0 [sflag:s0], s1  }
0xe2: {  	s1 =	ssub.s32 @!p0 $0x0, s1;
	[sflag:s0] =	ssyncset.done @!p0 $0x0  }
0xe3: {  	[sflag:s0] =	ssyncadd.s32 @!p0 s1  }
0xe4: {  	[bflag:$0x3] =	sbarrier.arrive $0xFFFF  }
0xe5: {  	_ =	shalt  }

// kernel: kernel.15.cloned.1.call-start
scs
__scs_entry_jumppad:
0x0: {  	(pc) =	sbr.rel $0x88, $3  }
0x1: {  	(tag) =	ssettag $0x0;
	lr =	simm.s32 $0x1  }
0x2: {  	[smem:$0x3F96] =	sst lr;
	_ =	strace $0xD0000000  }
0x3: {  	_ = 	snop  }
0x4: {  	_ = 	snop  }
0x5: {  	_ = 	snop  }
0x6: {  	_ = 	snop  }
0x7: {  	_ = 	snop  }
__scs_overlays_trampoline_lowered:
0x8: {  	[smem:$0x3FA5] =	sst s0  }
0x9: {  	[smem:$0x3FA6] =	sst s1  }
0xa: {  	[smem:$0x3FA7] =	sst s2  }
0xb: {  	[smem:$0x3FA8] =	sst s3  }
0xc: {  	[smem:$0x3FA9] =	sst s4  }
0xd: {  	[smem:$0x3FAA] =	sst s5  }
0xe: {  	[smem:$0x3FAB] =	sst s6  }
0xf: {  	[smem:$0x3FAC] =	sst s7  }
0x10: {  	[smem:$0x3FAD] =	sst s8  }
0x11: {  	[smem:$0x3FAE] =	sst s9;
	s0 =	simm.s32 @!p0 $0x0  }
0x12: {  	s1 =	sld [smem:$0x3F94];
	s0 =	simm.s32 @p0 $0x1  }
0x13: {  	[smem:$0x3FAF] =	sst s0;
	s0 =	simm.s32 @!p1 $0x0  }
0x14: {  	s2 =	sld [smem:$0x3F93];
	s0 =	simm.s32 @p1 $0x1  }
0x15: {  	[smem:$0x3FB0] =	sst s0;
	s0 =	simm.s32 @!p2 $0x0  }
0x16: {  	s3 =	sld [smem:$0x3FDB];
	s0 =	simm.s32 @p2 $0x1  }
0x17: {  	s4 =	simm.s32 $0x1BF5;
	[smem:$0x3FB2] =	sst s0  }
0x18: {  	s0 =	sld [smem:$0x3F95];
	_ =	swait.ge [sflag:s4], $0x0  }
0x19: {  	s7 =	sld [smem:$0x3F96]  }
0x1a: {  	s8 =	sadd.s32 $0xFFFFE003, lr  }
0x1b: {  	s9 =	sadd.s32 $0xFFFFFEF7, lr;
	s5 =	simm.s32 $0xFFFFFFFF;
	p2 =	slt.u32 s8, $0xFFFFF086  }
0x1c: {  	p1 =	slt.u32 s9, $0xF7A;
	s5 =	simm.s32 @!p2 $0x0  }
0x1d: {  	s5 =	simm.s32 @p1 $0x1;
	p0 =	seq.s32 s7, s2  }
0x1e: {  	s7 =	smul.u32 @!p0 $0xF7A, s2;
	p2 =	seq.s32 @!p0 s5, $0x0  }
0x1f: {  	s9 =	smul.u32 $0xF7A, s1;
	s8 =	simm.s32 @!p0 $0x1BF5;
	p2 =	por !p2, p0  }
0x20: {  	[sflag:s8] =	ssyncset.s32 @!p0 $0xFFFFF086;
	s6 =	sadd.s32 @!p0 s3, s7;
	s7 =	simm.s32 @!p0 $0x108  }
0x21: {  	s3 =	sadd.s32 s3, s9;
	s6 =	sadd.s32 @!p0 $0x88, s6;
	s7 =	simm.s32 @p2 $0x1082  }
0x22: {  	[simem:s7], [sflag:s8] =	dma.local @!p0 [hbm:s6], $0xF7A  }
0x23: {  	s9 =	sor.u32 $0xD0000000, s2;
	s6 =	simm.s32 $0x108;
	_ =	swait.ge @!p0 [sflag:s8], $0x0  }
0x24: {  	s3 =	sadd.s32 $0x88, s3;
	s6 =	simm.s32 @!p1 $0x1082;
	[sflag:s4] =	ssyncset.s32 $0xFFFFF086  }
0x25: {  	[simem:s6], [sflag:s4] =	dma.local [hbm:s3], $0xF7A  }
0x26: {  	[smem:$0x3F96] =	sst s1;
	(tag) =	ssettag s2;
	_ =	strace s9  }
0x27: {  	s1 =	sld [smem:$0x3FA6]  }
0x28: {  	s2 =	sld [smem:$0x3FA7]  }
0x29: {  	s4 =	sld [smem:$0x3FA9]  }
0x2a: {  	p0 =	seq.s32 s5, $0x0;
	s5 =	sld [smem:$0x3FAA]  }
0x2b: {  	s6 =	sld [smem:$0x3FAB]  }
0x2c: {  	s7 =	sld [smem:$0x3FAC]  }
0x2d: {  	s3 =	simm.s32 $0x108;
	s8 =	sld [smem:$0x3FAD]  }
0x2e: {  	s3 =	simm.s32 @!p0 $0x1082;
	s9 =	sld [smem:$0x3FAE]  }
0x2f: {  	lr =	sadd.s32 s0, s3;
	s0 =	sld [smem:$0x3FA5]  }
0x30: {  	s3 =	sld [smem:$0x3FA8]  }
0x31: {  	[smem:$0x3FB1] =	sst s10  }
0x32: {  	s10 =	sld [smem:$0x3FAF];
	_ =	sdelay $0x3  }
0x33: {  	p0 =	seq.s32 s10, $0x1;
	s10 =	sld [smem:$0x3FB1];
	_ =	sdelay $0x3  }
0x34: {  	[smem:$0x3FB1] =	sst s10  }
0x35: {  	s10 =	sld [smem:$0x3FB0];
	_ =	sdelay $0x3  }
0x36: {  	p1 =	seq.s32 s10, $0x1;
	s10 =	sld [smem:$0x3FB1];
	_ =	sdelay $0x3  }
0x37: {  	[smem:$0x3FB1] =	sst s10  }
0x38: {  	s10 =	sld [smem:$0x3FB2]  }
0x39: {  	_ = 	snop;
	(pc) =	sbr.ind lr, $3  }
0x3a: {  	_ = 	snop  }
0x3b: {  	_ = 	snop  }
0x3c: {  	p2 =	seq.s32 s10, $0x1;
	s10 =	sld [smem:$0x3FB1]  }
0x3d: {  	_ =	shalt  }
0x3e: {  	_ =	shalt  }
0x3f: {  	_ =	shalt  }
0x40: {  	_ =	shalt  }
0x41: {  	_ =	shalt  }
0x42: {  	_ =	shalt  }
0x43: {  	_ =	shalt  }
0x44: {  	_ =	shalt  }
0x45: {  	_ =	shalt  }
0x46: {  	_ =	shalt  }
0x47: {  	_ =	shalt  }
0x48: {  	_ =	shalt  }
0x49: {  	_ =	shalt  }
0x4a: {  	_ =	shalt  }
0x4b: {  	_ =	shalt  }
0x4c: {  	_ =	shalt  }
0x4d: {  	_ =	shalt  }
0x4e: {  	_ =	shalt  }
0x4f: {  	_ =	shalt  }
0x50: {  	_ =	shalt  }
0x51: {  	_ =	shalt  }
0x52: {  	_ =	shalt  }
0x53: {  	_ =	shalt  }
0x54: {  	_ =	shalt  }
0x55: {  	_ =	shalt  }
0x56: {  	_ =	shalt  }
0x57: {  	_ =	shalt  }
0x58: {  	_ =	shalt  }
0x59: {  	_ =	shalt  }
0x5a: {  	_ =	shalt  }
0x5b: {  	_ =	shalt  }
0x5c: {  	_ =	shalt  }
0x5d: {  	_ =	shalt  }
0x5e: {  	_ =	shalt  }
0x5f: {  	_ =	shalt  }
0x60: {  	_ =	shalt  }
0x61: {  	_ =	shalt  }
0x62: {  	_ =	shalt  }
0x63: {  	_ =	shalt  }
0x64: {  	_ =	shalt  }
0x65: {  	_ =	shalt  }
0x66: {  	_ =	shalt  }
0x67: {  	_ =	shalt  }
0x68: {  	_ =	shalt  }
0x69: {  	_ =	shalt  }
0x6a: {  	_ =	shalt  }
0x6b: {  	_ =	shalt  }
0x6c: {  	_ =	shalt  }
0x6d: {  	_ =	shalt  }
0x6e: {  	_ =	shalt  }
0x6f: {  	_ =	shalt  }
0x70: {  	_ =	shalt  }
0x71: {  	_ =	shalt  }
0x72: {  	_ =	shalt  }
0x73: {  	_ =	shalt  }
0x74: {  	_ =	shalt  }
0x75: {  	_ =	shalt  }
0x76: {  	_ =	shalt  }
0x77: {  	_ =	shalt  }
0x78: {  	_ =	shalt  }
0x79: {  	_ =	shalt  }
0x7a: {  	_ =	shalt  }
0x7b: {  	_ =	shalt  }
0x7c: {  	_ =	shalt  }
0x7d: {  	_ =	shalt  }
0x7e: {  	_ =	shalt  }
0x7f: {  	_ =	shalt  }
0x80: {  	_ =	shalt  }
0x81: {  	_ =	shalt  }
0x82: {  	_ =	shalt  }
0x83: {  	_ =	shalt  }
0x84: {  	_ =	shalt  }
0x85: {  	_ =	shalt  }
0x86: {  	_ =	shalt  }
0x87: {  	_ =	shalt  }
.Lfunc_end0:
.L_simem_size_0:
called_computation.2_lowered:
.L_overlay_start_0:
0x88: {  	s2 =	sld [smem:$0x3FD9]  }
0x89: {  	s3 =	sld [smem:$0x3FFE];
	_ =	sdelay $0x1  }
0x8a: {  	s1 =	srdreg.scid  }
0x8b: {  	s0 =	sand.u32 $0x1, s1  }
0x8c: {  	s14 =	sshll.u32 s0, $0xA;
	s2 =	sadd.s32 s3, s2  }
0x8d: {  	s2 =	sadd.s32 s2, s14  }
0x8e: {  	[smem:$0x3FBD] =	sst s2  }
0x8f: {  	_ = 	snop  }
0x90: {  	s2 =	sld [smem:$0x3FD0];
	_ =	sdelay $0x2  }
0x91: {  	s15 =	simm.s32 $0xA;
	s4 =	simm.s32 $0x10  }
0x92: {  	[smem:s4], [sflag:s15] =	dma.local [hbm:s2], $0x1  }
0x93: {  	_ =	swait.eq [sflag:s15], $0x1  }
0x94: {  	[sflag:s15] =	ssyncset.done $0x0  }
0x95: {  	[sflag:s15] =	ssyncadd.s32 $0xFFFFFFFF  }
0x96: {  	s16 =	sld [smem:$0x10];
	(tm) =	ssettm $0x1  }
0x97: {  	s17 =	sld [smem:$0x3FFB];
	_ =	sdelay $0x3  }
0x98: {  	_ =	strace s17  }
0x99: {  	s3 =	sld [smem:$0x3FFC];
	_ =	sdelay $0x3  }
0x9a: {  	_ =	strace s3  }
0x9b: {  	s3 =	sld [smem:$0x3FFD];
	_ =	sdelay $0x3  }
0x9c: {  	_ =	strace s3  }
0x9d: {  	_ =	strace $0x8FFFFFFF  }
0x9e: {  	s18 =	sld [smem:$0x3FDB];
	_ =	sdelay $0x1  }
0x9f: {  	s19 =	simm.s32 $_scs_section_size  }
0xa0: {  	s5 =	simm.s32 $_size__tile_overlayer_lowered;
	s6 =	simm.s32 $_tile_overlayer_lowered  }
0xa1: {  	s22 =	simm.s32 $0x1BFF;
	s21 =	sshll.u32 s6, $0x1;
	s3 =	sadd.s32 s19, s18  }
0xa2: {  	s7 =	simm.s32 $0x0;
	s20 =	sshll.u32 s5, $0x1;
	s5 =	sadd.s32 s21, s3  }
0xa3: {  	[timem:s7], [sflag:s22] =	dma.local [hbm:s5], s20  }
0xa4: {  	_ =	swait.ge [sflag:s22], s20  }
0xa5: {  	s4 =	ssub.s32 $0x0, s20;
	[sflag:s22] =	ssyncset.done $0x0  }
0xa6: {  	[sflag:s22] =	ssyncadd.s32 s4;
	_ =	sdelay $0x1  }
0xa7: {  	s23 =	simm.s32 $0x1B8B  }
0xa8: {  	_ =	swait.ge [sflag:s23], $0x1  }
0xa9: {  	[sflag:s23] =	ssyncset.done $0x0  }
0xaa: {  	s25 =	simm.s32 $0x1B8E;
	s24 =	sld [smem:$0x3FFE];
	[sflag:s23] =	ssyncadd.s32 $0xFFFFFFFF  }
0xab: {  	s26 =	simm.s32 $execute0_lowered;
	[smem:$0x3FD2] =	sst s25  }
0xac: {  	s5 =	sshll.u32 s26, $0x1;
	_ =	strace $0x8000004C;
	[dreg:$0x1] =	wrdreg $0xFFFFFFFF  }
0xad: {  	s28 =	simm.s32 $_size_execute0_lowered;
	s3 =	sadd.s32 s3, s5;
	[dreg:$0x0] =	wrdreg $0x0  }
0xae: {  	s5 =	sshll.u32 s28, $0x1;
	[dreg:$0x2] =	wrdreg s3  }
0xaf: {  	[dreg:$0x3] =	wrdreg s5  }
0xb0: {  	[dreg:$0x4] =	wrdreg $0xC0  }
0xb1: {  	_ =	task [dreg:s7], $0x5FFFF  }
0xb2: {  	[dreg:$0x1] =	wrdreg $0xFFFFFFFF  }
0xb3: {  	[dreg:$0x0] =	wrdreg $0x60  }
0xb4: {  	[dreg:$0x2] =	wrdreg s16  }
0xb5: {  	[dreg:$0x3] =	wrdreg s24  }
0xb6: {  	[dreg:$0x4] =	wrdreg $0xA8000  }
0xb7: {  	[dreg:$0x5] =	wrdreg $0x9  }
0xb8: {  	_ =	task.clear_ibuf [dreg:s7], $0x6FFFF;
	_ =	strace $0x9000004C  }
0xb9: {  	s29 =	simm.s32 $0x9;
	_ =	strace $0x8000004E  }
0xba: {  	_ =	swait.ge [sflag:s29], $0x1  }
0xbb: {  	[sflag:s29] =	ssyncadd.s32 $0xFFFFFFFF  }
0xbc: {  	_ =	strace $0x9000004E  }
0xbd: {  	_ =	sfence  }
0xbe: {  	s30 =	sld [smem:$0x0];
	_ =	sdelay $0x2  }
0xbf: {  	s31 =	sshll.u32 s1, $0xD;
	s1 =	sshrl.u32 s1, $0x2  }
0xc0: {  	s3 =	sand.u32 $0x4000, s31;
	s1 =	sadd.s32 s1, s30  }
0xc1: {  	s0 =	sor.u32 s3, s0;
	s1 =	sshll.u32 s1, $0x11  }
0xc2: {  	s0 =	sor.u32 s1, s0  }
0xc3: {  	s0 =	sadd.s32 $0x8F2B, s0  }
0xc4: {  	[sflag:s0] =	ssyncadd.remote.s32 $0x1  }
0xc5: {  	_ =	sfence.sel $0xFFFF  }
0xc6: {  	[dreg:$0x0] =	wrdreg $0xFFFFFFFF;
	(pc) =	sbr.abs _section_cstart, $3  }
0xc7: {  	[dreg:$0x1] =	wrdreg $0xFFFFFFFF  }
0xc8: {  	_ =	task.clear_ibuf [dreg:s7], $0x2FFFF;
	_ =	strace $0x9FFFFFFF  }
0xc9: {  	(tm) =	ssettm $0x7FFFFFFF  }
tec
execute0_lowered:
.L_overlay_start_1:
0x0: {  	(tag) =	ssettag $0x1  }
0x1: {  	s0 =	rddreg [dreg:$0x0]  }
0x2: {  	s5 =	rddreg [dreg:$0x1];
	s1 =	srdreg.scid  }
0x3: {  	s3 =	rddreg [dreg:$0x2];
	s2 =	stileid.u32;
	s4 =	simm.s32 $0x0  }
0x4: {  	s17 =	simm.s32 $0x3;
	s18 =	simm.s32 $0x1400;
	s19 =	simm.s32 $0x80  }
0x5: {  	s20 =	simm.s32 $0x6800;
	s21 =	simm.s32 $0x1;
	s22 =	simm.s32 $0x2  }
0x6: {  	s23 =	simm.s32 $0x1380;
	s24 =	simm.s32 $0x2700;
	s25 =	simm.s32 $0x2780  }
0x7: {  	s6 =	sand.u32 $0x1, s1;
	s8 =	smul.u32 $0x13C00, s2;
	[smem:$0x7FF] =	sst s4  }
0x8: {  	s12 =	sadd.s32 $0xEE00, s5;
	s26 =	smul.u32 $0x4F000, s2;
	s13 =	sadd.s32 $0x4E00, s5  }
0x9: {  	s7 =	smul.u32 $0x13C000, s6;
	_ =	strace $0x8000004D;
	s28 =	sshll.u32 s6, $0x4  }
0xa: {  	s6 =	ssub.s32 $0x2, s6;
	s29 =	sor.u32 s2, s28;
	s30 =	sshrl.u32 s26, $0x2  }
0xb: {  	s31 =	sshrl.u32 s6, $0x1;
	s26 =	simm.s32 $0x0;
	s7 =	sadd.s32 s8, s7  }
0xc: {  	s10 =	smul.u32 $0x2800, s29;
	s15 =	ssub.s32 s6, s31;
	s7 =	sshrl.u32 s7, $0x3  }
0xd: {  	s15 =	smax.u32 s15, $0x1;
	s14 =	sadd.s32 s7, s5;
	s5 =	sadd.s32 s30, s3  }
0xe: {  	s16 =	sshrl.u32 s10, $0x3;
	s6 =	sadd.s32 $0x4000, s5;
	s7 =	sadd.s32 $0x8000, s5  }
0xf: {  	s8 =	sadd.s32 $0xC000, s5;
	s9 =	sadd.s32 $0x10000, s5;
	s10 =	sadd.s32 s12, s16  }
0x10: {  	s11 =	sadd.s32 s13, s16;
	s16 =	sadd.s32 $0x280, s16;
	s14 =	sadd.s32 $0x40000, s14  }
0x11: {  	v0 =	vimm.f32 $0.0e+00;
	s12 =	sadd.s32 s12, s16;
	s13 =	sadd.s32 s13, s16;
	s16 =	simm.s32 $0x2800  }
.LBB2_1:
0x12: {  	s28 =	sand.u32 $0xFE00, s4  }
0x13: {  	s29 =	sand.u32 $0x70, s4;
	s30 =	sshrl.u32 s28, $0x2  }
0x14: {  	s28 =	simm.s32 $0x40;
	s30 =	sor.u32 s29, s30;
	s29 =	simm.s32 $0x0  }
.LBB2_2:
0x15: {  	p0 =	sne.s32 s28, $0xFFC0  }
0x16: {  	[tilespmem:s30+$0x2800] =	vst v0;
	s29 =	sadd.s32 $0x10, s29;
	s30 =	smov.u32 s28;
	s28 =	sadd.s32 $0x40, s28  }
.Ltmp0:
0x17: {  	(pc) =	sbr.rel @p0 .LBB2_2-.Ltmp0, $4  }
0x18: {  	_ = 	snop  }
0x19: {  	s30 =	sand.u32 $0xFE00, s30  }
0x1a: {  	s31 =	sand.u32 $0x70, s29;
	s30 =	sshrl.u32 s30, $0x2  }
0x1b: {  	s30 =	sor.u32 s31, s30  }
0x1c: {  	[tilespmem:s30+$0x2800] =	vst v0  }
0x1d: {  	[spmem:s5] =	stream.linear.scatter [tilespmem:s16], [sflag:$0x3], $0x4000, $0x38;
	[tilespmem:$0x1E400] =	vst v63  }
0x1e: {  	_ =	swait.ge [sflag:s17], $0x4000  }
0x1f: {  	[sflag:s17] =	ssyncset.done $0x0  }
0x20: {  	[sflag:s17] =	ssyncadd.s32 $0xFFFFC000  }
0x21: {  	[spmem:s6] =	stream.linear.scatter [tilespmem:s16], [sflag:$0x3], $0x4000, $0x38;
	[tilespmem:$0x1E400] =	vst v63  }
0x22: {  	_ =	swait.ge [sflag:s17], $0x4000  }
0x23: {  	[sflag:s17] =	ssyncset.done $0x0  }
0x24: {  	[sflag:s17] =	ssyncadd.s32 $0xFFFFC000  }
0x25: {  	[spmem:s7] =	stream.linear.scatter [tilespmem:s16], [sflag:$0x3], $0x4000, $0x38;
	[tilespmem:$0x1E400] =	vst v63  }
0x26: {  	_ =	swait.ge [sflag:s17], $0x4000  }
0x27: {  	[sflag:s17] =	ssyncset.done $0x0  }
0x28: {  	[sflag:s17] =	ssyncadd.s32 $0xFFFFC000  }
0x29: {  	[spmem:s8] =	stream.linear.scatter [tilespmem:s16], [sflag:$0x3], $0x4000, $0x38;
	[tilespmem:$0x1E400] =	vst v63  }
0x2a: {  	_ =	swait.ge [sflag:s17], $0x4000  }
0x2b: {  	[sflag:s17] =	ssyncset.done $0x0  }
0x2c: {  	[sflag:s17] =	ssyncadd.s32 $0xFFFFC000  }
0x2d: {  	[spmem:s9] =	stream.linear.scatter [tilespmem:s16], [sflag:$0x3], $0x3C00, $0x38;
	[tilespmem:$0x1E400] =	vst v63  }
0x2e: {  	_ =	swait.ge [sflag:s17], $0x3C00  }
0x2f: {  	[sflag:s17] =	ssyncset.done $0x0  }
0x30: {  	[sflag:s17] =	ssyncadd.s32 $0xFFFFC400  }
0x31: {  	s28 =	simm.s32 $0x0;
	[bflag:$0x0] =	sbarrier.arrive $0xFFFF  }
0x32: {  	[tilespmem:s28], [sflag:$0x3] =	stream.linear.gather [hbm4b:s10+s28], $0x1400, $0x38;
	[tilespmem:$0x1E400] =	vst v63  }
0x33: {  	_ =	swait.ge [sflag:s17], $0x1400  }
0x34: {  	[sflag:s17] =	ssyncset.done $0x0  }
0x35: {  	[sflag:s17] =	ssyncadd.s32 $0xFFFFEC00  }
0x36: {  	[tilespmem:s18], [sflag:$0x3] =	stream.linear.gather [hbm4b:s11+s28], $0x1400, $0x38;
	[tilespmem:$0x1E400] =	vst v63  }
0x37: {  	_ =	swait.ge [sflag:s17], $0x1400  }
0x38: {  	[sflag:s17] =	ssyncset.done $0x0  }
0x39: {  	[sflag:s17] =	ssyncadd.s32 $0xFFFFEC00  }
0x3a: {  	[tilespmem:s16], [sflag:$0x1] =	stream.indirect.gather [hbm4b:s0+s19], $0x80, s28, s19, $0xb8;
	[tilespmem:$0x1E400] =	vst v63  }
0x3b: {  	s28 =	simm.s32 $0x80  }
0x3c: {  	[tilespmem:s20], [sflag:$0x2] =	stream.indirect.gather [hbm4b:s0+s19], $0x80, s28, s19, $0xb8;
	[tilespmem:$0x1E400] =	vst v63  }
0x3d: {  	_ =	swait.ge [sflag:s21], $0x4000  }
0x3e: {  	[sflag:s21] =	ssyncset.done $0x0  }
0x3f: {  	s28 =	simm.s32 $0x1400;
	[sflag:s21] =	ssyncadd.s32 $0xFFFFC000  }
0x40: {  	[spmem:s3] =	stream.indirect.scatter.add.f32 [tilespmem:s16], [sflag:$0x3], $0x80, s28, s19, $0xb8;
	[tilespmem:$0x1E400] =	vst v63  }
0x41: {  	_ =	swait.ge [sflag:s17], $0x4000  }
0x42: {  	[sflag:s17] =	ssyncset.done $0x0  }
0x43: {  	s28 =	simm.s32 $0x100;
	[sflag:s17] =	ssyncadd.s32 $0xFFFFC000  }
0x44: {  	[tilespmem:s16], [sflag:$0x1] =	stream.indirect.gather [hbm4b:s0+s19], $0x80, s28, s19, $0xb8;
	[tilespmem:$0x1E400] =	vst v63  }
0x45: {  	_ =	swait.ge [sflag:s22], $0x4000  }
0x46: {  	[sflag:s22] =	ssyncset.done $0x0  }
0x47: {  	s28 =	simm.s32 $0x1480;
	[sflag:s22] =	ssyncadd.s32 $0xFFFFC000  }
0x48: {  	[spmem:s3] =	stream.indirect.scatter.add.f32 [tilespmem:s20], [sflag:$0x3], $0x80, s28, s19, $0xb8;
	[tilespmem:$0x1E400] =	vst v63  }
0x49: {  	_ =	swait.ge [sflag:s17], $0x4000  }
0x4a: {  	s29 =	simm.s32 $0x800;
	s28 =	simm.s32 $0x100;
	[sflag:s17] =	ssyncset.done $0x0  }
.LBB2_4:
0x4b: {  	s30 =	sadd.s32 $0x80, s28  }
0x4c: {  	[sflag:s17] =	ssyncadd.s32 $0xFFFFC000;
	s31 =	smov.u32 s29;
	s1 =	sadd.s32 $0x400, s29  }
0x4d: {  	[tilespmem:s20], [sflag:$0x2] =	stream.indirect.gather [hbm4b:s0+s19], $0x80, s30, s19, $0xb8;
	[tilespmem:$0x1E400] =	vst v63  }
0x4e: {  	p0 =	sne.s32 s29, $0x4800;
	_ =	swait.ge [sflag:s21], $0x4000  }
0x4f: {  	[sflag:s21] =	ssyncset.done $0x0  }
0x50: {  	s29 =	sadd.s32 $0x1400, s28;
	[sflag:s21] =	ssyncadd.s32 $0xFFFFC000  }
0x51: {  	[spmem:s3] =	stream.indirect.scatter.add.f32 [tilespmem:s16], [sflag:$0x3], $0x80, s29, s19, $0xb8;
	[tilespmem:$0x1E400] =	vst v63  }
0x52: {  	_ =	swait.ge [sflag:s17], $0x4000  }
0x53: {  	[sflag:s17] =	ssyncset.done $0x0  }
0x54: {  	s29 =	sadd.s32 $0x100, s28;
	[sflag:s17] =	ssyncadd.s32 $0xFFFFC000  }
0x55: {  	[tilespmem:s16], [sflag:$0x1] =	stream.indirect.gather [hbm4b:s0+s19], $0x80, s29, s19, $0xb8;
	[tilespmem:$0x1E400] =	vst v63  }
0x56: {  	_ =	swait.ge [sflag:s22], $0x4000  }
.Ltmp1:
0x57: {  	[sflag:s22] =	ssyncset.done $0x0;
	(pc) =	sbr.rel @p0 .LBB2_4-.Ltmp1, $4  }
0x58: {  	s28 =	sadd.s32 $0x1480, s28;
	[sflag:s22] =	ssyncadd.s32 $0xFFFFC000  }
0x59: {  	[spmem:s3] =	stream.indirect.scatter.add.f32 [tilespmem:s20], [sflag:$0x3], $0x80, s28, s19, $0xb8;
	[tilespmem:$0x1E400] =	vst v63  }
0x5a: {  	_ =	swait.ge [sflag:s17], $0x4000  }
0x5b: {  	s29 =	smov.u32 s1;
	s28 =	sshra.s32 s31, $0x2;
	[sflag:s17] =	ssyncset.done $0x0  }
0x5c: {  	s1 =	sadd.s32 $0x80, s28;
	[sflag:s17] =	ssyncadd.s32 $0xFFFFC000  }
0x5d: {  	[tilespmem:s20], [sflag:$0x2] =	stream.indirect.gather [hbm4b:s0+s19], $0x80, s1, s19, $0xb8;
	[tilespmem:$0x1E400] =	vst v63  }
0x5e: {  	_ =	swait.ge [sflag:s21], $0x4000  }
0x5f: {  	[sflag:s21] =	ssyncset.done $0x0  }
0x60: {  	s30 =	sadd.s32 $0x1400, s28;
	[sflag:s21] =	ssyncadd.s32 $0xFFFFC000  }
0x61: {  	[spmem:s3] =	stream.indirect.scatter.add.f32 [tilespmem:s16], [sflag:$0x3], $0x80, s30, s19, $0xb8;
	[tilespmem:$0x1E400] =	vst v63  }
0x62: {  	_ =	swait.ge [sflag:s17], $0x4000  }
0x63: {  	[sflag:s17] =	ssyncset.done $0x0  }
0x64: {  	s31 =	sadd.s32 $0x100, s28;
	[sflag:s17] =	ssyncadd.s32 $0xFFFFC000  }
0x65: {  	[tilespmem:s16], [sflag:$0x1] =	stream.indirect.gather [hbm4b:s0+s19], $0x80, s31, s19, $0xb8;
	[tilespmem:$0x1E400] =	vst v63  }
0x66: {  	_ =	swait.ge [sflag:s22], $0x4000  }
0x67: {  	[sflag:s22] =	ssyncset.done $0x0  }
0x68: {  	s30 =	sadd.s32 $0x1480, s28;
	[sflag:s22] =	ssyncadd.s32 $0xFFFFC000  }
0x69: {  	[spmem:s3] =	stream.indirect.scatter.add.f32 [tilespmem:s20], [sflag:$0x3], $0x80, s30, s19, $0xb8;
	[tilespmem:$0x1E400] =	vst v63  }
0x6a: {  	_ =	swait.ge [sflag:s17], $0x4000  }
0x6b: {  	[sflag:s17] =	ssyncset.done $0x0  }
0x6c: {  	[sflag:s17] =	ssyncadd.s32 $0xFFFFC000  }
0x6d: {  	[tilespmem:s20], [sflag:$0x2] =	stream.indirect.gather [hbm4b:s0+s19], $0x80, s23, s19, $0xb8;
	[tilespmem:$0x1E400] =	vst v63  }
0x6e: {  	_ =	swait.ge [sflag:s21], $0x4000  }
0x6f: {  	[sflag:s21] =	ssyncset.done $0x0  }
0x70: {  	[sflag:s21] =	ssyncadd.s32 $0xFFFFC000  }
0x71: {  	[spmem:s3] =	stream.indirect.scatter.add.f32 [tilespmem:s16], [sflag:$0x3], $0x80, s24, s19, $0xb8;
	[tilespmem:$0x1E400] =	vst v63  }
0x72: {  	_ =	swait.ge [sflag:s17], $0x4000  }
0x73: {  	[sflag:s17] =	ssyncset.done $0x0  }
0x74: {  	[sflag:s17] =	ssyncadd.s32 $0xFFFFC000  }
0x75: {  	[tilespmem:s16], [sflag:$0x1] =	stream.indirect.gather [hbm4b:s0+s19], $0x80, s23, s19, $0xb8;
	[tilespmem:$0x1E400] =	vst v63  }
0x76: {  	_ =	swait.ge [sflag:s22], $0x4000  }
0x77: {  	[sflag:s22] =	ssyncset.done $0x0  }
0x78: {  	[sflag:s22] =	ssyncadd.s32 $0xFFFFC000  }
0x79: {  	[spmem:s3] =	stream.indirect.scatter.add.f32 [tilespmem:s20], [sflag:$0x3], $0x80, s25, s19, $0xb8;
	[tilespmem:$0x1E400] =	vst v63  }
0x7a: {  	_ =	swait.ge [sflag:s17], $0x4000  }
0x7b: {  	[sflag:s17] =	ssyncset.done $0x0  }
0x7c: {  	[sflag:s17] =	ssyncadd.s32 $0xFFFFC000  }
0x7d: {  	_ =	swait.ge [sflag:s21], $0x4000  }
0x7e: {  	[sflag:s21] =	ssyncset.done $0x0  }
0x7f: {  	s31 =	simm.s32 $0x0;
	[sflag:s21] =	ssyncadd.s32 $0xFFFFC000  }
0x80: {  	[tilespmem:s31], [sflag:$0x3] =	stream.linear.gather [hbm4b:s12+s31], $0x1400, $0x38;
	[tilespmem:$0x1E400] =	vst v63  }
0x81: {  	_ =	swait.ge [sflag:s17], $0x1400  }
0x82: {  	[sflag:s17] =	ssyncset.done $0x0  }
0x83: {  	[sflag:s17] =	ssyncadd.s32 $0xFFFFEC00  }
0x84: {  	[tilespmem:s18], [sflag:$0x3] =	stream.linear.gather [hbm4b:s13+s31], $0x1400, $0x38;
	[tilespmem:$0x1E400] =	vst v63  }
0x85: {  	_ =	swait.ge [sflag:s17], $0x1400  }
0x86: {  	[sflag:s17] =	ssyncset.done $0x0  }
0x87: {  	[sflag:s17] =	ssyncadd.s32 $0xFFFFEC00  }
0x88: {  	[tilespmem:s16], [sflag:$0x1] =	stream.indirect.gather [hbm4b:s0+s19], $0x80, s31, s19, $0xb8;
	[tilespmem:$0x1E400] =	vst v63  }
0x89: {  	s30 =	simm.s32 $0x80  }
0x8a: {  	[tilespmem:s20], [sflag:$0x2] =	stream.indirect.gather [hbm4b:s0+s19], $0x80, s30, s19, $0xb8;
	[tilespmem:$0x1E400] =	vst v63  }
0x8b: {  	_ =	swait.ge [sflag:s21], $0x4000  }
0x8c: {  	[sflag:s21] =	ssyncset.done $0x0  }
0x8d: {  	s31 =	simm.s32 $0x1400;
	[sflag:s21] =	ssyncadd.s32 $0xFFFFC000  }
0x8e: {  	[spmem:s3] =	stream.indirect.scatter.add.f32 [tilespmem:s16], [sflag:$0x3], $0x80, s31, s19, $0xb8;
	[tilespmem:$0x1E400] =	vst v63  }
0x8f: {  	_ =	swait.ge [sflag:s17], $0x4000  }
0x90: {  	[sflag:s17] =	ssyncset.done $0x0  }
0x91: {  	s30 =	simm.s32 $0x100;
	[sflag:s17] =	ssyncadd.s32 $0xFFFFC000  }
0x92: {  	[tilespmem:s16], [sflag:$0x1] =	stream.indirect.gather [hbm4b:s0+s19], $0x80, s30, s19, $0xb8;
	[tilespmem:$0x1E400] =	vst v63  }
0x93: {  	_ =	swait.ge [sflag:s22], $0x4000  }
0x94: {  	[sflag:s22] =	ssyncset.done $0x0  }
0x95: {  	s31 =	simm.s32 $0x1480;
	[sflag:s22] =	ssyncadd.s32 $0xFFFFC000  }
0x96: {  	[spmem:s3] =	stream.indirect.scatter.add.f32 [tilespmem:s20], [sflag:$0x3], $0x80, s31, s19, $0xb8;
	[tilespmem:$0x1E400] =	vst v63  }
0x97: {  	_ =	swait.ge [sflag:s17], $0x4000  }
0x98: {  	s29 =	simm.s32 $0x800;
	s28 =	simm.s32 $0x100;
	[sflag:s17] =	ssyncset.done $0x0  }
.LBB2_6:
0x99: {  	s1 =	sadd.s32 $0x80, s28  }
0x9a: {  	[sflag:s17] =	ssyncadd.s32 $0xFFFFC000;
	s30 =	smov.u32 s29;
	s31 =	sadd.s32 $0x400, s29  }
0x9b: {  	[tilespmem:s20], [sflag:$0x2] =	stream.indirect.gather [hbm4b:s0+s19], $0x80, s1, s19, $0xb8;
	[tilespmem:$0x1E400] =	vst v63  }
0x9c: {  	p0 =	sne.s32 s29, $0x4800;
	_ =	swait.ge [sflag:s21], $0x4000  }
0x9d: {  	[sflag:s21] =	ssyncset.done $0x0  }
0x9e: {  	s1 =	sadd.s32 $0x1400, s28;
	[sflag:s21] =	ssyncadd.s32 $0xFFFFC000  }
0x9f: {  	[spmem:s3] =	stream.indirect.scatter.add.f32 [tilespmem:s16], [sflag:$0x3], $0x80, s1, s19, $0xb8;
	[tilespmem:$0x1E400] =	vst v63  }
0xa0: {  	_ =	swait.ge [sflag:s17], $0x4000  }
0xa1: {  	[sflag:s17] =	ssyncset.done $0x0  }
0xa2: {  	s1 =	sadd.s32 $0x100, s28;
	[sflag:s17] =	ssyncadd.s32 $0xFFFFC000  }
0xa3: {  	[tilespmem:s16], [sflag:$0x1] =	stream.indirect.gather [hbm4b:s0+s19], $0x80, s1, s19, $0xb8;
	[tilespmem:$0x1E400] =	vst v63  }
0xa4: {  	_ =	swait.ge [sflag:s22], $0x4000  }
.Ltmp2:
0xa5: {  	[sflag:s22] =	ssyncset.done $0x0;
	(pc) =	sbr.rel @p0 .LBB2_6-.Ltmp2, $4  }
0xa6: {  	s1 =	sadd.s32 $0x1480, s28;
	[sflag:s22] =	ssyncadd.s32 $0xFFFFC000  }
0xa7: {  	[spmem:s3] =	stream.indirect.scatter.add.f32 [tilespmem:s20], [sflag:$0x3], $0x80, s1, s19, $0xb8;
	[tilespmem:$0x1E400] =	vst v63  }
0xa8: {  	_ =	swait.ge [sflag:s17], $0x4000  }
0xa9: {  	s29 =	smov.u32 s31;
	s28 =	sshra.s32 s30, $0x2;
	[sflag:s17] =	ssyncset.done $0x0  }
0xaa: {  	s1 =	sadd.s32 $0x80, s28;
	[sflag:s17] =	ssyncadd.s32 $0xFFFFC000  }
0xab: {  	[tilespmem:s20], [sflag:$0x2] =	stream.indirect.gather [hbm4b:s0+s19], $0x80, s1, s19, $0xb8;
	[tilespmem:$0x1E400] =	vst v63  }
0xac: {  	_ =	swait.ge [sflag:s21], $0x4000  }
0xad: {  	[sflag:s21] =	ssyncset.done $0x0  }
0xae: {  	s30 =	sadd.s32 $0x1400, s28;
	[sflag:s21] =	ssyncadd.s32 $0xFFFFC000  }
0xaf: {  	[spmem:s3] =	stream.indirect.scatter.add.f32 [tilespmem:s16], [sflag:$0x3], $0x80, s30, s19, $0xb8;
	[tilespmem:$0x1E400] =	vst v63  }
0xb0: {  	_ =	swait.ge [sflag:s17], $0x4000  }
0xb1: {  	[sflag:s17] =	ssyncset.done $0x0  }
0xb2: {  	s31 =	sadd.s32 $0x100, s28;
	[sflag:s17] =	ssyncadd.s32 $0xFFFFC000  }
0xb3: {  	[tilespmem:s16], [sflag:$0x1] =	stream.indirect.gather [hbm4b:s0+s19], $0x80, s31, s19, $0xb8;
	[tilespmem:$0x1E400] =	vst v63  }
0xb4: {  	_ =	swait.ge [sflag:s22], $0x4000  }
0xb5: {  	[sflag:s22] =	ssyncset.done $0x0  }
0xb6: {  	s29 =	sadd.s32 $0x1480, s28;
	[sflag:s22] =	ssyncadd.s32 $0xFFFFC000  }
0xb7: {  	[spmem:s3] =	stream.indirect.scatter.add.f32 [tilespmem:s20], [sflag:$0x3], $0x80, s29, s19, $0xb8;
	[tilespmem:$0x1E400] =	vst v63  }
0xb8: {  	_ =	swait.ge [sflag:s17], $0x4000  }
0xb9: {  	[sflag:s17] =	ssyncset.done $0x0  }
0xba: {  	[sflag:s17] =	ssyncadd.s32 $0xFFFFC000  }
0xbb: {  	[tilespmem:s20], [sflag:$0x2] =	stream.indirect.gather [hbm4b:s0+s19], $0x80, s23, s19, $0xb8;
	[tilespmem:$0x1E400] =	vst v63  }
0xbc: {  	_ =	swait.ge [sflag:s21], $0x4000  }
0xbd: {  	[sflag:s21] =	ssyncset.done $0x0  }
0xbe: {  	[sflag:s21] =	ssyncadd.s32 $0xFFFFC000  }
0xbf: {  	[spmem:s3] =	stream.indirect.scatter.add.f32 [tilespmem:s16], [sflag:$0x3], $0x80, s24, s19, $0xb8;
	[tilespmem:$0x1E400] =	vst v63  }
0xc0: {  	_ =	swait.ge [sflag:s17], $0x4000  }
0xc1: {  	[sflag:s17] =	ssyncset.done $0x0  }
0xc2: {  	[sflag:s17] =	ssyncadd.s32 $0xFFFFC000  }
0xc3: {  	[tilespmem:s16], [sflag:$0x1] =	stream.indirect.gather [hbm4b:s0+s19], $0x80, s23, s19, $0xb8;
	[tilespmem:$0x1E400] =	vst v63  }
0xc4: {  	_ =	swait.ge [sflag:s22], $0x4000  }
0xc5: {  	[sflag:s22] =	ssyncset.done $0x0  }
0xc6: {  	[sflag:s22] =	ssyncadd.s32 $0xFFFFC000  }
0xc7: {  	[spmem:s3] =	stream.indirect.scatter.add.f32 [tilespmem:s20], [sflag:$0x3], $0x80, s25, s19, $0xb8;
	[tilespmem:$0x1E400] =	vst v63  }
0xc8: {  	_ =	swait.ge [sflag:s17], $0x4000  }
0xc9: {  	[sflag:s17] =	ssyncset.done $0x0  }
0xca: {  	[sflag:s17] =	ssyncadd.s32 $0xFFFFC000  }
0xcb: {  	_ =	swait.ge [sflag:s21], $0x4000  }
0xcc: {  	s26 =	sadd.s32 $0x1, s26;
	s30 =	sshll.u32 s2, $0x6;
	[sflag:s21] =	ssyncset.done $0x0  }
0xcd: {  	p0 =	sne.s32 s26, s15;
	s1 =	sor.u32 $0x1C03, s30;
	[sflag:s21] =	ssyncadd.s32 $0xFFFFC000  }
.Ltmp3:
0xce: {  	s31 =	sshrl.u32 s5, $0x3;
	[bflag:$0x0] =	sbarrier.arrive $0xFFFF;
	(pc) =	sbr.rel @p0 .LBB2_1-.Ltmp3, $4  }
0xcf: {  	[hbm:s14], [sflag:s1] =	dma.local [spmem:s31], $0x2780  }
0xd0: {  	_ =	swait.ge [sflag:s17], $0x2780  }
0xd1: {  	[sflag:s17] =	ssyncset.done $0x0  }
0xd2: {  	[sflag:s17] =	ssyncadd.s32 $0xFFFFD880  }
0xd3: {  	_ =	sfence.sel $0x180000  }
0xd4: {  	[bflag:$0x0] =	sbarrier.arrive $0xFFFF  }
0xd5: {  	_ =	strace $0x9000004D  }
0xd6: {  	[bflag:$0x2] =	sbarrier.arrive $0xFFFF  }
0xd7: {  	p0 =	sne.s32 s2, $0x0;
	s0 =	rddreg [dreg:$0x3]  }
0xd8: {  	s0 =	sadd.s32 @!p0 $0x100000, s0  }
0xd9: {  	[sflag:s0] =	ssyncadd.tile.s32 @!p0 $0x1;
	_ =	shalt  }
.Lfunc_end2:
_tile_overlayer_lowered:
.L_overlay_start_2:
0xda: {  	(tag) =	ssettag $0x2  }
0xdb: {  	s0 =	rddreg [dreg:$0x0];
	s2 =	stileid.u32  }
0xdc: {  	s1 =	rddreg [dreg:$0x1];
	p0 =	sne.s32 s2, $0x0  }
0xdd: {  	s3 =	rddreg [dreg:$0x2];
	[bflag:$0x3] =	sbarrier.arrive $0xFFFF;
	s2 =	simm.s32 @!p0 $0x1C03  }
0xde: {  	[timem:s3], [sflag:s2] =	dma.local @!p0 [hbm:s0], s1  }
0xdf: {  	s0 =	simm.s32 @!p0 $0x3  }
0xe0: {  	_ =	swait.ge @!p0 [sflag:s0], s1  }
0xe1: {  	s1 =	ssub.s32 @!p0 $0x0, s1;
	[sflag:s0] =	ssyncset.done @!p0 $0x0  }
0xe2: {  	[sflag:s0] =	ssyncadd.s32 @!p0 s1  }
0xe3: {  	[bflag:$0x3] =	sbarrier.arrive $0xFFFF  }
0xe4: {  	_ =	shalt  }

// kernel: kernel.9.cloned.1.call-start
scs
__scs_entry_jumppad:
0x0: {  	(pc) =	sbr.rel $0x88, $3  }
0x1: {  	(tag) =	ssettag $0x0;
	lr =	simm.s32 $0x1  }
0x2: {  	[smem:$0x3F96] =	sst lr;
	_ =	strace $0xD0000000  }
0x3: {  	_ = 	snop  }
0x4: {  	_ = 	snop  }
0x5: {  	_ = 	snop  }
0x6: {  	_ = 	snop  }
0x7: {  	_ = 	snop  }
__scs_overlays_trampoline_lowered:
0x8: {  	[smem:$0x3FA5] =	sst s0  }
0x9: {  	[smem:$0x3FA6] =	sst s1  }
0xa: {  	[smem:$0x3FA7] =	sst s2  }
0xb: {  	[smem:$0x3FA8] =	sst s3  }
0xc: {  	[smem:$0x3FA9] =	sst s4  }
0xd: {  	[smem:$0x3FAA] =	sst s5  }
0xe: {  	[smem:$0x3FAB] =	sst s6  }
0xf: {  	[smem:$0x3FAC] =	sst s7  }
0x10: {  	[smem:$0x3FAD] =	sst s8  }
0x11: {  	[smem:$0x3FAE] =	sst s9;
	s0 =	simm.s32 @!p0 $0x0  }
0x12: {  	s1 =	sld [smem:$0x3F94];
	s0 =	simm.s32 @p0 $0x1  }
0x13: {  	[smem:$0x3FAF] =	sst s0;
	s0 =	simm.s32 @!p1 $0x0  }
0x14: {  	s2 =	sld [smem:$0x3F93];
	s0 =	simm.s32 @p1 $0x1  }
0x15: {  	[smem:$0x3FB0] =	sst s0;
	s0 =	simm.s32 @!p2 $0x0  }
0x16: {  	s3 =	sld [smem:$0x3FDB];
	s0 =	simm.s32 @p2 $0x1  }
0x17: {  	s4 =	simm.s32 $0x1BF5;
	[smem:$0x3FB2] =	sst s0  }
0x18: {  	s0 =	sld [smem:$0x3F95];
	_ =	swait.ge [sflag:s4], $0x0  }
0x19: {  	s7 =	sld [smem:$0x3F96]  }
0x1a: {  	s8 =	sadd.s32 $0xFFFFE003, lr  }
0x1b: {  	s9 =	sadd.s32 $0xFFFFFEF7, lr;
	s5 =	simm.s32 $0xFFFFFFFF;
	p2 =	slt.u32 s8, $0xFFFFF086  }
0x1c: {  	p1 =	slt.u32 s9, $0xF7A;
	s5 =	simm.s32 @!p2 $0x0  }
0x1d: {  	s5 =	simm.s32 @p1 $0x1;
	p0 =	seq.s32 s7, s2  }
0x1e: {  	s7 =	smul.u32 @!p0 $0xF7A, s2;
	p2 =	seq.s32 @!p0 s5, $0x0  }
0x1f: {  	s9 =	smul.u32 $0xF7A, s1;
	s8 =	simm.s32 @!p0 $0x1BF5;
	p2 =	por !p2, p0  }
0x20: {  	[sflag:s8] =	ssyncset.s32 @!p0 $0xFFFFF086;
	s6 =	sadd.s32 @!p0 s3, s7;
	s7 =	simm.s32 @!p0 $0x108  }
0x21: {  	s3 =	sadd.s32 s3, s9;
	s6 =	sadd.s32 @!p0 $0x88, s6;
	s7 =	simm.s32 @p2 $0x1082  }
0x22: {  	[simem:s7], [sflag:s8] =	dma.local @!p0 [hbm:s6], $0xF7A  }
0x23: {  	s9 =	sor.u32 $0xD0000000, s2;
	s6 =	simm.s32 $0x108;
	_ =	swait.ge @!p0 [sflag:s8], $0x0  }
0x24: {  	s3 =	sadd.s32 $0x88, s3;
	s6 =	simm.s32 @!p1 $0x1082;
	[sflag:s4] =	ssyncset.s32 $0xFFFFF086  }
0x25: {  	[simem:s6], [sflag:s4] =	dma.local [hbm:s3], $0xF7A  }
0x26: {  	[smem:$0x3F96] =	sst s1;
	(tag) =	ssettag s2;
	_ =	strace s9  }
0x27: {  	s1 =	sld [smem:$0x3FA6]  }
0x28: {  	s2 =	sld [smem:$0x3FA7]  }
0x29: {  	s4 =	sld [smem:$0x3FA9]  }
0x2a: {  	p0 =	seq.s32 s5, $0x0;
	s5 =	sld [smem:$0x3FAA]  }
0x2b: {  	s6 =	sld [smem:$0x3FAB]  }
0x2c: {  	s7 =	sld [smem:$0x3FAC]  }
0x2d: {  	s3 =	simm.s32 $0x108;
	s8 =	sld [smem:$0x3FAD]  }
0x2e: {  	s3 =	simm.s32 @!p0 $0x1082;
	s9 =	sld [smem:$0x3FAE]  }
0x2f: {  	lr =	sadd.s32 s0, s3;
	s0 =	sld [smem:$0x3FA5]  }
0x30: {  	s3 =	sld [smem:$0x3FA8]  }
0x31: {  	[smem:$0x3FB1] =	sst s10  }
0x32: {  	s10 =	sld [smem:$0x3FAF];
	_ =	sdelay $0x3  }
0x33: {  	p0 =	seq.s32 s10, $0x1;
	s10 =	sld [smem:$0x3FB1];
	_ =	sdelay $0x3  }
0x34: {  	[smem:$0x3FB1] =	sst s10  }
0x35: {  	s10 =	sld [smem:$0x3FB0];
	_ =	sdelay $0x3  }
0x36: {  	p1 =	seq.s32 s10, $0x1;
	s10 =	sld [smem:$0x3FB1];
	_ =	sdelay $0x3  }
0x37: {  	[smem:$0x3FB1] =	sst s10  }
0x38: {  	s10 =	sld [smem:$0x3FB2]  }
0x39: {  	_ = 	snop;
	(pc) =	sbr.ind lr, $3  }
0x3a: {  	_ = 	snop  }
0x3b: {  	_ = 	snop  }
0x3c: {  	p2 =	seq.s32 s10, $0x1;
	s10 =	sld [smem:$0x3FB1]  }
0x3d: {  	_ =	shalt  }
0x3e: {  	_ =	shalt  }
0x3f: {  	_ =	shalt  }
0x40: {  	_ =	shalt  }
0x41: {  	_ =	shalt  }
0x42: {  	_ =	shalt  }
0x43: {  	_ =	shalt  }
0x44: {  	_ =	shalt  }
0x45: {  	_ =	shalt  }
0x46: {  	_ =	shalt  }
0x47: {  	_ =	shalt  }
0x48: {  	_ =	shalt  }
0x49: {  	_ =	shalt  }
0x4a: {  	_ =	shalt  }
0x4b: {  	_ =	shalt  }
0x4c: {  	_ =	shalt  }
0x4d: {  	_ =	shalt  }
0x4e: {  	_ =	shalt  }
0x4f: {  	_ =	shalt  }
0x50: {  	_ =	shalt  }
0x51: {  	_ =	shalt  }
0x52: {  	_ =	shalt  }
0x53: {  	_ =	shalt  }
0x54: {  	_ =	shalt  }
0x55: {  	_ =	shalt  }
0x56: {  	_ =	shalt  }
0x57: {  	_ =	shalt  }
0x58: {  	_ =	shalt  }
0x59: {  	_ =	shalt  }
0x5a: {  	_ =	shalt  }
0x5b: {  	_ =	shalt  }
0x5c: {  	_ =	shalt  }
0x5d: {  	_ =	shalt  }
0x5e: {  	_ =	shalt  }
0x5f: {  	_ =	shalt  }
0x60: {  	_ =	shalt  }
0x61: {  	_ =	shalt  }
0x62: {  	_ =	shalt  }
0x63: {  	_ =	shalt  }
0x64: {  	_ =	shalt  }
0x65: {  	_ =	shalt  }
0x66: {  	_ =	shalt  }
0x67: {  	_ =	shalt  }
0x68: {  	_ =	shalt  }
0x69: {  	_ =	shalt  }
0x6a: {  	_ =	shalt  }
0x6b: {  	_ =	shalt  }
0x6c: {  	_ =	shalt  }
0x6d: {  	_ =	shalt  }
0x6e: {  	_ =	shalt  }
0x6f: {  	_ =	shalt  }
0x70: {  	_ =	shalt  }
0x71: {  	_ =	shalt  }
0x72: {  	_ =	shalt  }
0x73: {  	_ =	shalt  }
0x74: {  	_ =	shalt  }
0x75: {  	_ =	shalt  }
0x76: {  	_ =	shalt  }
0x77: {  	_ =	shalt  }
0x78: {  	_ =	shalt  }
0x79: {  	_ =	shalt  }
0x7a: {  	_ =	shalt  }
0x7b: {  	_ =	shalt  }
0x7c: {  	_ =	shalt  }
0x7d: {  	_ =	shalt  }
0x7e: {  	_ =	shalt  }
0x7f: {  	_ =	shalt  }
0x80: {  	_ =	shalt  }
0x81: {  	_ =	shalt  }
0x82: {  	_ =	shalt  }
0x83: {  	_ =	shalt  }
0x84: {  	_ =	shalt  }
0x85: {  	_ =	shalt  }
0x86: {  	_ =	shalt  }
0x87: {  	_ =	shalt  }
.Lfunc_end0:
.L_simem_size_0:
called_computation_lowered:
.L_overlay_start_0:
0x88: {  	s2 =	sld [smem:$0x3FD9]  }
0x89: {  	s3 =	sld [smem:$0x3FFE];
	_ =	sdelay $0x1  }
0x8a: {  	s1 =	srdreg.scid  }
0x8b: {  	s0 =	sand.u32 $0x1, s1  }
0x8c: {  	s14 =	sshll.u32 s0, $0xA;
	s2 =	sadd.s32 s3, s2  }
0x8d: {  	s2 =	sadd.s32 s2, s14  }
0x8e: {  	[smem:$0x3FBD] =	sst s2  }
0x8f: {  	_ = 	snop  }
0x90: {  	s2 =	sld [smem:$0x3FD0];
	_ =	sdelay $0x2  }
0x91: {  	s15 =	simm.s32 $0xA;
	s4 =	simm.s32 $0x10  }
0x92: {  	[smem:s4], [sflag:s15] =	dma.local [hbm:s2], $0x1  }
0x93: {  	_ =	swait.eq [sflag:s15], $0x1  }
0x94: {  	[sflag:s15] =	ssyncset.done $0x0  }
0x95: {  	[sflag:s15] =	ssyncadd.s32 $0xFFFFFFFF  }
0x96: {  	s16 =	sld [smem:$0x10];
	(tm) =	ssettm $0x1  }
0x97: {  	s17 =	sld [smem:$0x3FFB];
	_ =	sdelay $0x3  }
0x98: {  	_ =	strace s17  }
0x99: {  	s3 =	sld [smem:$0x3FFC];
	_ =	sdelay $0x3  }
0x9a: {  	_ =	strace s3  }
0x9b: {  	s3 =	sld [smem:$0x3FFD];
	_ =	sdelay $0x3  }
0x9c: {  	_ =	strace s3  }
0x9d: {  	_ =	strace $0x8FFFFFFF  }
0x9e: {  	s18 =	sld [smem:$0x3FDB];
	_ =	sdelay $0x1  }
0x9f: {  	s19 =	simm.s32 $_scs_section_size  }
0xa0: {  	s5 =	simm.s32 $_size__tile_overlayer_lowered;
	s6 =	simm.s32 $_tile_overlayer_lowered  }
0xa1: {  	s22 =	simm.s32 $0x1BFF;
	s21 =	sshll.u32 s6, $0x1;
	s3 =	sadd.s32 s19, s18  }
0xa2: {  	s7 =	simm.s32 $0x0;
	s20 =	sshll.u32 s5, $0x1;
	s5 =	sadd.s32 s21, s3  }
0xa3: {  	[timem:s7], [sflag:s22] =	dma.local [hbm:s5], s20  }
0xa4: {  	_ =	swait.ge [sflag:s22], s20  }
0xa5: {  	s4 =	ssub.s32 $0x0, s20;
	[sflag:s22] =	ssyncset.done $0x0  }
0xa6: {  	[sflag:s22] =	ssyncadd.s32 s4;
	_ =	sdelay $0x1  }
0xa7: {  	s23 =	simm.s32 $0x1B8B  }
0xa8: {  	_ =	swait.ge [sflag:s23], $0x1  }
0xa9: {  	[sflag:s23] =	ssyncset.done $0x0  }
0xaa: {  	s25 =	simm.s32 $0x1B8E;
	s24 =	sld [smem:$0x3FFE];
	[sflag:s23] =	ssyncadd.s32 $0xFFFFFFFF  }
0xab: {  	s26 =	simm.s32 $execute0_lowered;
	[smem:$0x3FD2] =	sst s25  }
0xac: {  	s5 =	sshll.u32 s26, $0x1;
	_ =	strace $0x80000046;
	[dreg:$0x1] =	wrdreg $0xFFFFFFFF  }
0xad: {  	s28 =	simm.s32 $_size_execute0_lowered;
	s3 =	sadd.s32 s3, s5;
	[dreg:$0x0] =	wrdreg $0x0  }
0xae: {  	s5 =	sshll.u32 s28, $0x1;
	[dreg:$0x2] =	wrdreg s3  }
0xaf: {  	[dreg:$0x3] =	wrdreg s5  }
0xb0: {  	[dreg:$0x4] =	wrdreg $0xC0  }
0xb1: {  	_ =	task [dreg:s7], $0x5FFFF  }
0xb2: {  	[dreg:$0x1] =	wrdreg $0xFFFFFFFF  }
0xb3: {  	[dreg:$0x0] =	wrdreg $0x60  }
0xb4: {  	[dreg:$0x2] =	wrdreg s24  }
0xb5: {  	[dreg:$0x3] =	wrdreg s16  }
0xb6: {  	[dreg:$0x4] =	wrdreg $0x2B000  }
0xb7: {  	[dreg:$0x5] =	wrdreg $0x9  }
0xb8: {  	_ =	task.clear_ibuf [dreg:s7], $0x6FFFF;
	_ =	strace $0x90000046  }
0xb9: {  	s29 =	simm.s32 $0x9;
	_ =	strace $0x80000048  }
0xba: {  	_ =	swait.ge [sflag:s29], $0x1  }
0xbb: {  	[sflag:s29] =	ssyncadd.s32 $0xFFFFFFFF  }
0xbc: {  	_ =	strace $0x90000048  }
0xbd: {  	_ =	sfence  }
0xbe: {  	s30 =	sld [smem:$0x0];
	_ =	sdelay $0x2  }
0xbf: {  	s31 =	sshll.u32 s1, $0xD;
	s1 =	sshrl.u32 s1, $0x2  }
0xc0: {  	s3 =	sand.u32 $0x4000, s31;
	s1 =	sadd.s32 s1, s30  }
0xc1: {  	s0 =	sor.u32 s3, s0;
	s1 =	sshll.u32 s1, $0x11  }
0xc2: {  	s0 =	sor.u32 s1, s0  }
0xc3: {  	s0 =	sadd.s32 $0x8F2B, s0  }
0xc4: {  	[sflag:s0] =	ssyncadd.remote.s32 $0x1  }
0xc5: {  	_ =	sfence.sel $0xFFFF  }
0xc6: {  	[dreg:$0x0] =	wrdreg $0xFFFFFFFF;
	(pc) =	sbr.abs _section_cstart, $3  }
0xc7: {  	[dreg:$0x1] =	wrdreg $0xFFFFFFFF  }
0xc8: {  	_ =	task.clear_ibuf [dreg:s7], $0x2FFFF;
	_ =	strace $0x9FFFFFFF  }
0xc9: {  	(tm) =	ssettm $0x7FFFFFFF  }
tec
execute0_lowered:
.L_overlay_start_1:
0x0: {  	(tag) =	ssettag $0x1  }
0x1: {  	s4 =	rddreg [dreg:$0x0]  }
0x2: {  	s6 =	rddreg [dreg:$0x1];
	s0 =	srdreg.scid  }
0x3: {  	s2 =	rddreg [dreg:$0x2];
	s1 =	stileid.u32;
	s3 =	simm.s32 $0x0  }
0x4: {  	s11 =	simm.s32 $0x2800;
	s5 =	sand.u32 $0x1, s0;
	s0 =	rddreg [dreg:$0x3]  }
0x5: {  	s14 =	simm.s32 $0x0;
	s8 =	smul.u32 $0x280, s1;
	[smem:$0x7FF] =	sst s3  }
0x6: {  	s12 =	sshll.u32 s1, $0x6;
	s7 =	sshll.u32 s5, $0x4;
	s9 =	smul.u32 $0x2800, s5  }
0x7: {  	s5 =	ssub.s32 $0x2, s5;
	_ =	strace $0x80000047;
	s7 =	sor.u32 s1, s7  }
0x8: {  	s12 =	sor.u32 $0x1C01, s12;
	s10 =	sshrl.u32 s5, $0x1;
	s7 =	smul.u32 $0x500, s7  }
0x9: {  	s9 =	sadd.s32 s8, s9;
	s31 =	ssub.s32 s5, s10;
	s5 =	sadd.s32 s8, s2  }
0xa: {  	s8 =	simm.s32 $0x1;
	s10 =	simm.s32 $0x80;
	s9 =	sshrl.u32 s9, $0x3  }
0xb: {  	s13 =	sshrl.u32 s5, $0x3;
	s4 =	sadd.s32 s7, s4;
	s6 =	sadd.s32 s6, s9  }
0xc: {  	v0 =	vimm.f32 $1.000000000e+00;
	v1 =	vimm.f32 $0.0e+00;
	s7 =	smax.u32 s31, $0x1;
	s9 =	simm.s32 $0x2880;
	s4 =	sadd.s32 $0x4E00, s4  }
.LBB2_1:
0xd: {  	[tilespmem:s3], [sflag:$0x1] =	stream.linear.gather [hbm4b:s4+s3], $0x2800, $0x38;
	[tilespmem:$0x2D80] =	vst v63  }
0xe: {  	_ =	swait.ge [sflag:s8], $0x2800  }
0xf: {  	[sflag:s8] =	ssyncset.done $0x0  }
0x10: {  	[sflag:s8] =	ssyncadd.s32 $0xFFFFD800  }
0x11: {  	[tilespmem:$0x2800] =	vst v0  }
0x12: {  	[tilespmem:$0x2810] =	vst v0  }
0x13: {  	[tilespmem:$0x2820] =	vst v0  }
0x14: {  	[tilespmem:$0x2830] =	vst v0  }
0x15: {  	[tilespmem:$0x2840] =	vst v0  }
0x16: {  	[tilespmem:$0x2850] =	vst v0  }
0x17: {  	[tilespmem:$0x2860] =	vst v0  }
0x18: {  	[tilespmem:$0x2870] =	vst v0  }
0x19: {  	[tilespmem:$0x2880] =	vst v1  }
0x1a: {  	[tilespmem:$0x2890] =	vst v1  }
0x1b: {  	[tilespmem:$0x28A0] =	vst v1  }
0x1c: {  	[tilespmem:$0x28B0] =	vst v1  }
0x1d: {  	[tilespmem:$0x28C0] =	vst v1  }
0x1e: {  	[tilespmem:$0x28D0] =	vst v1  }
0x1f: {  	[tilespmem:$0x28E0] =	vst v1  }
0x20: {  	[tilespmem:$0x28F0] =	vst v1  }
0x21: {  	[tilespmem:$0x2900] =	vst v1  }
0x22: {  	[tilespmem:$0x2910] =	vst v1  }
0x23: {  	[tilespmem:$0x2920] =	vst v1  }
0x24: {  	[tilespmem:$0x2930] =	vst v1  }
0x25: {  	[tilespmem:$0x2940] =	vst v1  }
0x26: {  	[tilespmem:$0x2950] =	vst v1  }
0x27: {  	[tilespmem:$0x2960] =	vst v1  }
0x28: {  	[tilespmem:$0x2970] =	vst v1  }
0x29: {  	[tilespmem:$0x2980] =	vst v1  }
0x2a: {  	[tilespmem:$0x2990] =	vst v1  }
0x2b: {  	[tilespmem:$0x29A0] =	vst v1  }
0x2c: {  	[tilespmem:$0x29B0] =	vst v1  }
0x2d: {  	[tilespmem:$0x29C0] =	vst v1  }
0x2e: {  	[tilespmem:$0x29D0] =	vst v1  }
0x2f: {  	[tilespmem:$0x29E0] =	vst v1  }
0x30: {  	[tilespmem:$0x29F0] =	vst v1  }
0x31: {  	[tilespmem:$0x2A00] =	vst v1  }
0x32: {  	[tilespmem:$0x2A10] =	vst v1  }
0x33: {  	[tilespmem:$0x2A20] =	vst v1  }
0x34: {  	[tilespmem:$0x2A30] =	vst v1  }
0x35: {  	[tilespmem:$0x2A40] =	vst v1  }
0x36: {  	[tilespmem:$0x2A50] =	vst v1  }
0x37: {  	[tilespmem:$0x2A60] =	vst v1  }
0x38: {  	[tilespmem:$0x2A70] =	vst v1  }
0x39: {  	[tilespmem:$0x2A80] =	vst v1  }
0x3a: {  	[tilespmem:$0x2A90] =	vst v1  }
0x3b: {  	[tilespmem:$0x2AA0] =	vst v1  }
0x3c: {  	[tilespmem:$0x2AB0] =	vst v1  }
0x3d: {  	[tilespmem:$0x2AC0] =	vst v1  }
0x3e: {  	[tilespmem:$0x2AD0] =	vst v1  }
0x3f: {  	[tilespmem:$0x2AE0] =	vst v1  }
0x40: {  	[tilespmem:$0x2AF0] =	vst v1  }
0x41: {  	[spmem:s5] =	stream.linear.scatter [tilespmem:s9], [sflag:$0x1], $0x280, $0x38;
	[tilespmem:$0x2D80] =	vst v63  }
0x42: {  	_ =	swait.ge [sflag:s8], $0x280  }
0x43: {  	[sflag:s8] =	ssyncset.done $0x0  }
0x44: {  	[sflag:s8] =	ssyncadd.s32 $0xFFFFFD80  }
0x45: {  	s15 =	simm.s32 $0x0;
	[bflag:$0x0] =	sbarrier.arrive $0xFFFF  }
0x46: {  	[spmem:s2] =	stream.indirect.scatter.add.f32 [tilespmem:s11], [sflag:$0x1], $0x1, s15, s10, $0xb8;
	[tilespmem:$0x2D80] =	vst v63  }
0x47: {  	_ =	swait.ge [sflag:s8], $0x80  }
0x48: {  	s15 =	simm.s32 $0x200;
	[sflag:s8] =	ssyncset.done $0x0  }
.LBB2_2:
0x49: {  	s16 =	sshra.s32 s15, $0x2;
	[sflag:s8] =	ssyncadd.s32 $0xFFFFFF80;
	p0 =	sne.s32 s15, $0x9E00  }
0x4a: {  	[spmem:s2] =	stream.indirect.scatter.add.f32 [tilespmem:s11], [sflag:$0x1], $0x1, s16, s10, $0xb8;
	[tilespmem:$0x2D80] =	vst v63  }
.Ltmp0:
0x4b: {  	_ = 	snop;
	(pc) =	sbr.rel @p0 .LBB2_2-.Ltmp0, $4  }
0x4c: {  	_ = 	snop  }
0x4d: {  	s15 =	sadd.s32 $0x200, s15  }
0x4e: {  	_ =	swait.ge [sflag:s8], $0x80  }
0x4f: {  	[sflag:s8] =	ssyncset.done $0x0  }
0x50: {  	s14 =	sadd.s32 $0x1, s14  }
0x51: {  	[sflag:s8] =	ssyncadd.s32 $0xFFFFFF80;
	p0 =	sne.s32 s14, s7  }
.Ltmp1:
0x52: {  	[bflag:$0x0] =	sbarrier.arrive $0xFFFF;
	(pc) =	sbr.rel @p0 .LBB2_1-.Ltmp1, $4  }
0x53: {  	[hbm:s6], [sflag:s12] =	dma.local [spmem:s13], $0x50  }
0x54: {  	_ =	swait.ge [sflag:s8], $0x50  }
0x55: {  	[sflag:s8] =	ssyncset.done $0x0  }
0x56: {  	[sflag:s8] =	ssyncadd.s32 $0xFFFFFFB0  }
0x57: {  	_ =	sfence.sel $0x180000  }
0x58: {  	[bflag:$0x0] =	sbarrier.arrive $0xFFFF  }
0x59: {  	p0 =	sne.s32 s1, $0x0;
	_ =	strace $0x90000047  }
0x5a: {  	s0 =	sadd.s32 @!p0 $0x100000, s0;
	[bflag:$0x2] =	sbarrier.arrive $0xFFFF  }
0x5b: {  	[sflag:s0] =	ssyncadd.tile.s32 @!p0 $0x1;
	_ =	shalt  }
.Lfunc_end2:
_tile_overlayer_lowered:
.L_overlay_start_2:
0x5c: {  	(tag) =	ssettag $0x2  }
0x5d: {  	s0 =	rddreg [dreg:$0x0];
	s2 =	stileid.u32  }
0x5e: {  	s1 =	rddreg [dreg:$0x1];
	p0 =	sne.s32 s2, $0x0  }
0x5f: {  	s3 =	rddreg [dreg:$0x2];
	[bflag:$0x3] =	sbarrier.arrive $0xFFFF;
	s2 =	simm.s32 @!p0 $0x1C01  }
0x60: {  	[timem:s3], [sflag:s2] =	dma.local @!p0 [hbm:s0], s1  }
0x61: {  	s0 =	simm.s32 @!p0 $0x1  }
0x62: {  	_ =	swait.ge @!p0 [sflag:s0], s1  }
0x63: {  	s1 =	ssub.s32 @!p0 $0x0, s1;
	[sflag:s0] =	ssyncset.done @!p0 $0x0  }
0x64: {  	[sflag:s0] =	ssyncadd.s32 @!p0 s1  }
0x65: {  	[bflag:$0x3] =	sbarrier.arrive $0xFFFF  }
0x66: {  	_ =	shalt  }

</sc_bundles>
